<compile_context>
chip_gen: v7x
topology: tpu7x:2x2x1
jax: 0.10.2.dev20260603
libtpu: 0.0.44.dev20260713+nightly
codegen_flags: <defaults>
</compile_context>

<pallas_src>
import functools

import jax
import jax.numpy as jnp
from jax import lax
from jax.experimental import pallas as pl
from jax.experimental.pallas import tpu as pltpu
from jax.experimental.pallas import tpu_sc as plsc

R = 64
N = 8192
KK = 64
D = 128
L = 16
NCHUNK = 64
CHUNK = 128
NVC = CHUNK // L

_info = plsc.get_sparse_core_info()
NC, NS = _info.num_cores, _info.num_subcores
NW = NC * NS
ROWS_PER_W = R // NW

_NEG = float("-inf")
_BIG = 1 << 20

_mesh = plsc.VectorSubcoreMesh(core_axis_name="c", subcore_axis_name="s")


@functools.partial(
    pl.kernel,
    mesh=_mesh,
    out_type=[
        jax.ShapeDtypeStruct((R, KK), jnp.float32),
        jax.ShapeDtypeStruct((R, KK), jnp.float32),
        jax.ShapeDtypeStruct((R, KK, D), jnp.float32),
    ],
    scratch_types=[
        pltpu.VMEM((2 * N,), jnp.float32),
        pltpu.VMEM((2 * N,), jnp.float32),
        [pltpu.VMEM((KK,), jnp.float32) for _ in range(2)],
        [pltpu.VMEM((KK,), jnp.float32) for _ in range(2)],
        pltpu.VMEM((2 * KK,), jnp.int32),
        [pltpu.VMEM((KK,), jnp.int32) for _ in range(2)],
        [pltpu.VMEM((KK, D), jnp.float32) for _ in range(2)],
        pltpu.SemaphoreType.DMA,
        pltpu.SemaphoreType.DMA,
        pltpu.SemaphoreType.DMA,
    ],
    compiler_params=pltpu.CompilerParams(needs_layout_passes=False),
)
def _topk_gather(w_hbm, p1_hbm, p2_hbm, outw, outg1, outg2,
                 row_v, p1row_v, vals_vs, g1_vs, idx_v, gidx_vs,
                 rows_vs, sem_w, sem_p1, sem_g2):
    wid = lax.axis_index("s") * NC + lax.axis_index("c")
    rowA = wid * ROWS_PER_W
    iota = lax.iota(jnp.int32, L)
    lane0 = iota == 0

    def bfly(x, op):
        for s in (1, 2, 4, 8):
            x = op(x, x.at[jnp.bitwise_xor(iota, s)].get(
                mode="promise_in_bounds"))
        return x

    def bfly_argmax(v, i):
        for s in (1, 2, 4, 8):
            perm = jnp.bitwise_xor(iota, s)
            pv = v.at[perm].get(mode="promise_in_bounds")
            pi = i.at[perm].get(mode="promise_in_bounds")
            sw = (pv > v) | ((pv == v) & (pi < i))
            v = jnp.where(sw, pv, v)
            i = jnp.where(sw, pi, i)
        return v, i

    def store1(ref, pos_v, val_v):
        plsc.store_scatter(ref, [pos_v], val_v, mask=lane0)

    cps = [pltpu.async_copy(w_hbm.at[rowA + r], row_v.at[pl.ds(r * N, N)],
                            sem_w) for r in range(2)]
    cp1s = [pltpu.async_copy(p1_hbm.at[rowA + r],
                             p1row_v.at[pl.ds(r * N, N)], sem_p1)
            for r in range(2)]
    for cp in cps:
        cp.wait()

    base_idx = [[(iota + 16 * q) * CHUNK + r * N for q in range(4)]
                for r in range(2)]
    TU = 4

    def cm_step(t, carry):
        accs = list(carry)
        for u in range(TU):
            ph = (t * TU + u + iota) & (CHUNK - 1)
            p = 0
            for r in range(2):
                for q in range(4):
                    g = plsc.load_gather(row_v, [base_idx[r][q] + ph])
                    accs[p] = jnp.maximum(accs[p], g)
                    p += 1
        return tuple(accs)

    neg = jnp.full((L,), _NEG, jnp.float32)
    carry0 = lax.fori_loop(0, CHUNK // TU, cm_step, (neg,) * 8)

    def step(k, carry):
        out = []
        k_v = jnp.full((L,), k, jnp.int32)
        for r in range(2):
            c0, c1, c2, c3 = carry[4 * r:4 * r + 4]
            sa = c1 > c0
            va = jnp.where(sa, c1, c0)
            ia = jnp.where(sa, iota + L, iota)
            sb = c3 > c2
            vb = jnp.where(sb, c3, c2)
            ib = jnp.where(sb, iota + 3 * L, iota + 2 * L)
            sc = vb > va
            v4 = jnp.where(sc, vb, va)
            i4 = jnp.where(sc, ib, ia)
            M = bfly(v4, jnp.maximum)
            cstar = bfly(jnp.where(v4 == M, i4, _BIG), jnp.minimum)
            base_v = cstar * CHUNK + (r * N + iota)
            vs = [plsc.load_gather(row_v, [base_v + j * L])
                  for j in range(NVC)]
            cand = jnp.where(vs[0] == M, iota, _BIG)
            for j in range(1, NVC):
                cand = jnp.minimum(cand,
                                   jnp.where(vs[j] == M, iota + j * L, _BIG))
            eloc = bfly(cand, jnp.minimum)
            ei = cstar * CHUNK + eloc
            store1(vals_vs[r], k_v, M)
            store1(idx_v, k_v + r * KK, ei)
            below = jnp.where(vs[0] == M, _NEG, vs[0])
            cnt = jnp.where(vs[0] == M, 1, 0)
            for j in range(1, NVC):
                below = jnp.maximum(below,
                                    jnp.where(vs[j] == M, _NEG, vs[j]))
                cnt = cnt + jnp.where(vs[j] == M, 1, 0)
            mx_below = bfly(below, jnp.maximum)
            cnt = bfly(cnt, jnp.add)
            newmax = jnp.where(cnt >= 2, M, mx_below)
            store1(row_v, ei + r * N, jnp.full((L,), _NEG, jnp.float32))
            for q in range(4):
                out.append(jnp.where(iota + q * L == cstar, newmax,
                                     carry[4 * r + q]))
        return tuple(out)
    lax.fori_loop(0, KK, step, carry0)

    for cp in cp1s:
        cp.wait()
    for r in range(2):
        for t in range(KK // L):
            iv = idx_v[pl.ds(r * KK + t * L, L)]
            g1_vs[r][pl.ds(t * L, L)] = plsc.load_gather(p1row_v, [iv + r * N])
            gidx_vs[r][pl.ds(t * L, L)] = iv + (rowA + r) * N
    cpgs = [pltpu.async_copy(p2_hbm.at[gidx_vs[r]], rows_vs[r], sem_g2)
            for r in range(2)]
    for r in range(2):
        pltpu.sync_copy(vals_vs[r], outw.at[rowA + r])
        pltpu.sync_copy(g1_vs[r], outg1.at[rowA + r])
    for r in range(2):
        cpgs[r].wait()
        pltpu.sync_copy(rows_vs[r], outg2.at[rowA + r])


def kernel(weights, prop1, prop2):
    p2 = prop2.reshape(R * N, D)
    outw, outg1, outg2 = _topk_gather(weights, prop1, p2)
    return (outw, outg1, outg2)

# --- scband reference (transcript-rebuilt; emitter-appended) ---
"""Pipeline reference for scband-gather-top-k-83141976915980 (READ-ONLY COPY).

The authoritative reference and input builder live on the scoring server;
editing this copy changes nothing except your own understanding.
"""

import jax, jax.numpy as jnp
import numpy as np

K = 64

def setup_inputs(seed: int = 0) -> dict:
    key = jax.random.key(seed)
    k1, k2, k3 = jax.random.split(key, 3)
    weights = jax.random.normal(k1, (64, 8192), dtype=jnp.float32)
    prop1 = jax.random.normal(k2, (64, 8192), dtype=jnp.float32)
    prop2 = jax.random.normal(k3, (64, 8192, 128), dtype=jnp.float32)
    return {"weights": weights, "prop1": prop1, "prop2": prop2}

def reference(weights, prop1, prop2):
    # topk over dim=1
    selected_weights, idxs = jax.lax.top_k(weights, K)
    # 2D property: gather along dim 1
    g1 = jnp.take_along_axis(prop1, idxs, axis=1)
    # 3D property: gather along dim 1 with broadcast over trailing dim
    g2 = jnp.take_along_axis(prop2, idxs[:, :, None], axis=1)
    return (selected_weights, g1, g2)

if __name__ == "__main__":
    import jax
    _d = setup_inputs()
    print(jax.jit(kernel)(*tuple(_d.values())))

</pallas_src>

<mosaic_0001>
#map = affine_map<(d0, d1) -> (0, 0)>
#map1 = affine_map<(d0, d1) -> (0, 0, 0)>
module attributes {stable_mosaic.version = 14 : i64} {
  func.func @_topk_gather(%arg0: i32, %arg1: i32, %arg2: memref<64x8192xf32, #tpu.memory_space<hbm>>, %arg3: memref<64x8192xf32, #tpu.memory_space<hbm>>, %arg4: memref<524288x128xf32, #tpu.memory_space<hbm>>, %arg5: memref<64x64xf32, #tpu.memory_space<hbm>>, %arg6: memref<64x64xf32, #tpu.memory_space<hbm>>, %arg7: memref<64x64x128xf32, #tpu.memory_space<hbm>>, %arg8: memref<16384xf32, #tpu.memory_space<vmem>>, %arg9: memref<16384xf32, #tpu.memory_space<vmem>>, %arg10: memref<64xf32, #tpu.memory_space<vmem>>, %arg11: memref<64xf32, #tpu.memory_space<vmem>>, %arg12: memref<64xf32, #tpu.memory_space<vmem>>, %arg13: memref<64xf32, #tpu.memory_space<vmem>>, %arg14: memref<128xi32, #tpu.memory_space<vmem>>, %arg15: memref<64xi32, #tpu.memory_space<vmem>>, %arg16: memref<64xi32, #tpu.memory_space<vmem>>, %arg17: memref<64x128xf32, #tpu.memory_space<vmem>>, %arg18: memref<64x128xf32, #tpu.memory_space<vmem>>, %arg19: memref<!tpu.dma_semaphore, #tpu.memory_space<semaphore_mem>>, %arg20: memref<!tpu.dma_semaphore, #tpu.memory_space<semaphore_mem>>, %arg21: memref<!tpu.dma_semaphore, #tpu.memory_space<semaphore_mem>>) attributes {dimension_semantics = [#tpu.dimension_semantics<core_parallel>, #tpu.dimension_semantics<subcore_parallel>], iteration_bounds = array<i64: 2, 16>, scalar_prefetch = 0 : i64, scratch_operands = 14 : i64, tpu.core_type = #tpu.core_type<sc_vector_subcore>, window_params = [{transform_indices = #map}, {transform_indices = #map}, {transform_indices = #map}, {transform_indices = #map}, {transform_indices = #map}, {transform_indices = #map1}]} {
    %mul3A = arith.constant 2 : i32
    %mul3A_0 = arith.muli %arg1, %mul3A : i32
    %add3A = arith.addi %mul3A_0, %arg0 : i32
    %mul3A_1 = arith.constant 2 : i32
    %mul3A_2 = arith.muli %add3A, %mul3A_1 : i32
    %iota3A = tpu.iota {dimensions = array<i32: 0>} : vector<16xi32>
    %eq3A = arith.constant 0 : i32
    %eq3A_3 = vector.broadcast %eq3A : i32 to vector<16xi32>
    %eq3A_4 = arith.cmpi eq, %iota3A, %eq3A_3 : vector<16xi32>
    %add3A_5 = arith.constant 0 : i32
    %add3A_6 = arith.addi %mul3A_2, %add3A_5 : i32
    %dma_start3A = arith.constant 0 : i32
    %dma_start3A_7 = tpu.memref_slice %arg8[%dma_start3A] : memref<16384xf32, #tpu.memory_space<vmem>> -> memref<8192xf32, #tpu.memory_space<vmem>>
    %dma_start3A_8 = arith.constant 0 : i32
    %dma_start3A_9 = tpu.memref_slice %arg2[%add3A_6, %dma_start3A_8] : memref<64x8192xf32, #tpu.memory_space<hbm>> -> memref<1x8192xf32, #tpu.memory_space<hbm>>
    %dma_start3A_10 = tpu.memref_squeeze %dma_start3A_9 : memref<1x8192xf32, #tpu.memory_space<hbm>> -> memref<8192xf32, #tpu.memory_space<hbm>>
    %dma_start3A_11 = arith.constant 0 : i32
    %dma_start3A_12 = tpu.memref_slice %arg8[%dma_start3A_11] : memref<16384xf32, #tpu.memory_space<vmem>> -> memref<8192xf32, #tpu.memory_space<vmem>>
    %dma_start3A_13 = arith.constant 0 : i32
    %dma_start3A_14 = tpu.memref_slice %arg2[%add3A_6, %dma_start3A_13] : memref<64x8192xf32, #tpu.memory_space<hbm>> -> memref<1x8192xf32, #tpu.memory_space<hbm>>
    %dma_start3A_15 = tpu.memref_squeeze %dma_start3A_14 : memref<1x8192xf32, #tpu.memory_space<hbm>> -> memref<8192xf32, #tpu.memory_space<hbm>>
    tpu.enqueue_dma source(%dma_start3A_15 : memref<8192xf32, #tpu.memory_space<hbm>>) target(%dma_start3A_12 : memref<8192xf32, #tpu.memory_space<vmem>>) target_semaphore(%arg19 : memref<!tpu.dma_semaphore, #tpu.memory_space<semaphore_mem>>)
    %add3A_16 = arith.constant 1 : i32
    %add3A_17 = arith.addi %mul3A_2, %add3A_16 : i32
    %dma_start3A_18 = arith.constant 8192 : i32
    %dma_start3A_19 = tpu.memref_slice %arg8[%dma_start3A_18] : memref<16384xf32, #tpu.memory_space<vmem>> -> memref<8192xf32, #tpu.memory_space<vmem>>
    %dma_start3A_20 = arith.constant 0 : i32
    %dma_start3A_21 = tpu.memref_slice %arg2[%add3A_17, %dma_start3A_20] : memref<64x8192xf32, #tpu.memory_space<hbm>> -> memref<1x8192xf32, #tpu.memory_space<hbm>>
    %dma_start3A_22 = tpu.memref_squeeze %dma_start3A_21 : memref<1x8192xf32, #tpu.memory_space<hbm>> -> memref<8192xf32, #tpu.memory_space<hbm>>
    %dma_start3A_23 = arith.constant 8192 : i32
    %dma_start3A_24 = tpu.memref_slice %arg8[%dma_start3A_23] : memref<16384xf32, #tpu.memory_space<vmem>> -> memref<8192xf32, #tpu.memory_space<vmem>>
    %dma_start3A_25 = arith.constant 0 : i32
    %dma_start3A_26 = tpu.memref_slice %arg2[%add3A_17, %dma_start3A_25] : memref<64x8192xf32, #tpu.memory_space<hbm>> -> memref<1x8192xf32, #tpu.memory_space<hbm>>
    %dma_start3A_27 = tpu.memref_squeeze %dma_start3A_26 : memref<1x8192xf32, #tpu.memory_space<hbm>> -> memref<8192xf32, #tpu.memory_space<hbm>>
    tpu.enqueue_dma source(%dma_start3A_27 : memref<8192xf32, #tpu.memory_space<hbm>>) target(%dma_start3A_24 : memref<8192xf32, #tpu.memory_space<vmem>>) target_semaphore(%arg19 : memref<!tpu.dma_semaphore, #tpu.memory_space<semaphore_mem>>)
    %add3A_28 = arith.constant 0 : i32
    %add3A_29 = arith.addi %mul3A_2, %add3A_28 : i32
    %dma_start3A_30 = arith.constant 0 : i32
    %dma_start3A_31 = tpu.memref_slice %arg9[%dma_start3A_30] : memref<16384xf32, #tpu.memory_space<vmem>> -> memref<8192xf32, #tpu.memory_space<vmem>>
    %dma_start3A_32 = arith.constant 0 : i32
    %dma_start3A_33 = tpu.memref_slice %arg3[%add3A_29, %dma_start3A_32] : memref<64x8192xf32, #tpu.memory_space<hbm>> -> memref<1x8192xf32, #tpu.memory_space<hbm>>
    %dma_start3A_34 = tpu.memref_squeeze %dma_start3A_33 : memref<1x8192xf32, #tpu.memory_space<hbm>> -> memref<8192xf32, #tpu.memory_space<hbm>>
    %dma_start3A_35 = arith.constant 0 : i32
    %dma_start3A_36 = tpu.memref_slice %arg9[%dma_start3A_35] : memref<16384xf32, #tpu.memory_space<vmem>> -> memref<8192xf32, #tpu.memory_space<vmem>>
    %dma_start3A_37 = arith.constant 0 : i32
    %dma_start3A_38 = tpu.memref_slice %arg3[%add3A_29, %dma_start3A_37] : memref<64x8192xf32, #tpu.memory_space<hbm>> -> memref<1x8192xf32, #tpu.memory_space<hbm>>
    %dma_start3A_39 = tpu.memref_squeeze %dma_start3A_38 : memref<1x8192xf32, #tpu.memory_space<hbm>> -> memref<8192xf32, #tpu.memory_space<hbm>>
    tpu.enqueue_dma source(%dma_start3A_39 : memref<8192xf32, #tpu.memory_space<hbm>>) target(%dma_start3A_36 : memref<8192xf32, #tpu.memory_space<vmem>>) target_semaphore(%arg20 : memref<!tpu.dma_semaphore, #tpu.memory_space<semaphore_mem>>)
    %add3A_40 = arith.constant 1 : i32
    %add3A_41 = arith.addi %mul3A_2, %add3A_40 : i32
    %dma_start3A_42 = arith.constant 8192 : i32
    %dma_start3A_43 = tpu.memref_slice %arg9[%dma_start3A_42] : memref<16384xf32, #tpu.memory_space<vmem>> -> memref<8192xf32, #tpu.memory_space<vmem>>
    %dma_start3A_44 = arith.constant 0 : i32
    %dma_start3A_45 = tpu.memref_slice %arg3[%add3A_41, %dma_start3A_44] : memref<64x8192xf32, #tpu.memory_space<hbm>> -> memref<1x8192xf32, #tpu.memory_space<hbm>>
    %dma_start3A_46 = tpu.memref_squeeze %dma_start3A_45 : memref<1x8192xf32, #tpu.memory_space<hbm>> -> memref<8192xf32, #tpu.memory_space<hbm>>
    %dma_start3A_47 = arith.constant 8192 : i32
    %dma_start3A_48 = tpu.memref_slice %arg9[%dma_start3A_47] : memref<16384xf32, #tpu.memory_space<vmem>> -> memref<8192xf32, #tpu.memory_space<vmem>>
    %dma_start3A_49 = arith.constant 0 : i32
    %dma_start3A_50 = tpu.memref_slice %arg3[%add3A_41, %dma_start3A_49] : memref<64x8192xf32, #tpu.memory_space<hbm>> -> memref<1x8192xf32, #tpu.memory_space<hbm>>
    %dma_start3A_51 = tpu.memref_squeeze %dma_start3A_50 : memref<1x8192xf32, #tpu.memory_space<hbm>> -> memref<8192xf32, #tpu.memory_space<hbm>>
    tpu.enqueue_dma source(%dma_start3A_51 : memref<8192xf32, #tpu.memory_space<hbm>>) target(%dma_start3A_48 : memref<8192xf32, #tpu.memory_space<vmem>>) target_semaphore(%arg20 : memref<!tpu.dma_semaphore, #tpu.memory_space<semaphore_mem>>)
    %dma_wait3A = arith.constant 0 : i32
    %dma_wait3A_52 = tpu.memref_slice %arg8[%dma_wait3A] : memref<16384xf32, #tpu.memory_space<vmem>> -> memref<8192xf32, #tpu.memory_space<vmem>>
    %dma_wait3A_53 = arith.constant 0 : i32
    %dma_wait3A_54 = tpu.memref_slice %arg2[%add3A_6, %dma_wait3A_53] : memref<64x8192xf32, #tpu.memory_space<hbm>> -> memref<1x8192xf32, #tpu.memory_space<hbm>>
    %dma_wait3A_55 = tpu.memref_squeeze %dma_wait3A_54 : memref<1x8192xf32, #tpu.memory_space<hbm>> -> memref<8192xf32, #tpu.memory_space<hbm>>
    %dma_wait3A_56 = arith.constant 0 : i32
    %dma_wait3A_57 = tpu.memref_slice %arg8[%dma_wait3A_56] : memref<16384xf32, #tpu.memory_space<vmem>> -> memref<8192xf32, #tpu.memory_space<vmem>>
    %dma_wait3A_58 = arith.constant 0 : i32
    %dma_wait3A_59 = tpu.memref_slice %arg2[%add3A_6, %dma_wait3A_58] : memref<64x8192xf32, #tpu.memory_space<hbm>> -> memref<1x8192xf32, #tpu.memory_space<hbm>>
    %dma_wait3A_60 = tpu.memref_squeeze %dma_wait3A_59 : memref<1x8192xf32, #tpu.memory_space<hbm>> -> memref<8192xf32, #tpu.memory_space<hbm>>
    tpu.wait_dma2 semaphore(%arg19 : memref<!tpu.dma_semaphore, #tpu.memory_space<semaphore_mem>>) src(%dma_wait3A_60 : memref<8192xf32, #tpu.memory_space<hbm>>) dst(%dma_wait3A_57 : memref<8192xf32, #tpu.memory_space<vmem>>)
    %dma_wait3A_61 = arith.constant 8192 : i32
    %dma_wait3A_62 = tpu.memref_slice %arg8[%dma_wait3A_61] : memref<16384xf32, #tpu.memory_space<vmem>> -> memref<8192xf32, #tpu.memory_space<vmem>>
    %dma_wait3A_63 = arith.constant 0 : i32
    %dma_wait3A_64 = tpu.memref_slice %arg2[%add3A_17, %dma_wait3A_63] : memref<64x8192xf32, #tpu.memory_space<hbm>> -> memref<1x8192xf32, #tpu.memory_space<hbm>>
    %dma_wait3A_65 = tpu.memref_squeeze %dma_wait3A_64 : memref<1x8192xf32, #tpu.memory_space<hbm>> -> memref<8192xf32, #tpu.memory_space<hbm>>
    %dma_wait3A_66 = arith.constant 8192 : i32
    %dma_wait3A_67 = tpu.memref_slice %arg8[%dma_wait3A_66] : memref<16384xf32, #tpu.memory_space<vmem>> -> memref<8192xf32, #tpu.memory_space<vmem>>
    %dma_wait3A_68 = arith.constant 0 : i32
    %dma_wait3A_69 = tpu.memref_slice %arg2[%add3A_17, %dma_wait3A_68] : memref<64x8192xf32, #tpu.memory_space<hbm>> -> memref<1x8192xf32, #tpu.memory_space<hbm>>
    %dma_wait3A_70 = tpu.memref_squeeze %dma_wait3A_69 : memref<1x8192xf32, #tpu.memory_space<hbm>> -> memref<8192xf32, #tpu.memory_space<hbm>>
    tpu.wait_dma2 semaphore(%arg19 : memref<!tpu.dma_semaphore, #tpu.memory_space<semaphore_mem>>) src(%dma_wait3A_70 : memref<8192xf32, #tpu.memory_space<hbm>>) dst(%dma_wait3A_67 : memref<8192xf32, #tpu.memory_space<vmem>>)
    %add3A_71 = arith.constant 0 : i32
    %add3A_72 = vector.broadcast %add3A_71 : i32 to vector<16xi32>
    %add3A_73 = arith.addi %iota3A, %add3A_72 : vector<16xi32>
    %mul3A_74 = arith.constant 128 : i32
    %mul3A_75 = vector.broadcast %mul3A_74 : i32 to vector<16xi32>
    %mul3A_76 = arith.muli %add3A_73, %mul3A_75 : vector<16xi32>
    %add3A_77 = arith.constant 0 : i32
    %add3A_78 = vector.broadcast %add3A_77 : i32 to vector<16xi32>
    %add3A_79 = arith.addi %mul3A_76, %add3A_78 : vector<16xi32>
    %add3A_80 = arith.constant 16 : i32
    %add3A_81 = vector.broadcast %add3A_80 : i32 to vector<16xi32>
    %add3A_82 = arith.addi %iota3A, %add3A_81 : vector<16xi32>
    %mul3A_83 = arith.constant 128 : i32
    %mul3A_84 = vector.broadcast %mul3A_83 : i32 to vector<16xi32>
    %mul3A_85 = arith.muli %add3A_82, %mul3A_84 : vector<16xi32>
    %add3A_86 = arith.constant 0 : i32
    %add3A_87 = vector.broadcast %add3A_86 : i32 to vector<16xi32>
    %add3A_88 = arith.addi %mul3A_85, %add3A_87 : vector<16xi32>
    %add3A_89 = arith.constant 32 : i32
    %add3A_90 = vector.broadcast %add3A_89 : i32 to vector<16xi32>
    %add3A_91 = arith.addi %iota3A, %add3A_90 : vector<16xi32>
    %mul3A_92 = arith.constant 128 : i32
    %mul3A_93 = vector.broadcast %mul3A_92 : i32 to vector<16xi32>
    %mul3A_94 = arith.muli %add3A_91, %mul3A_93 : vector<16xi32>
    %add3A_95 = arith.constant 0 : i32
    %add3A_96 = vector.broadcast %add3A_95 : i32 to vector<16xi32>
    %add3A_97 = arith.addi %mul3A_94, %add3A_96 : vector<16xi32>
    %add3A_98 = arith.constant 48 : i32
    %add3A_99 = vector.broadcast %add3A_98 : i32 to vector<16xi32>
    %add3A_100 = arith.addi %iota3A, %add3A_99 : vector<16xi32>
    %mul3A_101 = arith.constant 128 : i32
    %mul3A_102 = vector.broadcast %mul3A_101 : i32 to vector<16xi32>
    %mul3A_103 = arith.muli %add3A_100, %mul3A_102 : vector<16xi32>
    %add3A_104 = arith.constant 0 : i32
    %add3A_105 = vector.broadcast %add3A_104 : i32 to vector<16xi32>
    %add3A_106 = arith.addi %mul3A_103, %add3A_105 : vector<16xi32>
    %add3A_107 = arith.constant 0 : i32
    %add3A_108 = vector.broadcast %add3A_107 : i32 to vector<16xi32>
    %add3A_109 = arith.addi %iota3A, %add3A_108 : vector<16xi32>
    %mul3A_110 = arith.constant 128 : i32
    %mul3A_111 = vector.broadcast %mul3A_110 : i32 to vector<16xi32>
    %mul3A_112 = arith.muli %add3A_109, %mul3A_111 : vector<16xi32>
    %add3A_113 = arith.constant 8192 : i32
    %add3A_114 = vector.broadcast %add3A_113 : i32 to vector<16xi32>
    %add3A_115 = arith.addi %mul3A_112, %add3A_114 : vector<16xi32>
    %add3A_116 = arith.constant 16 : i32
    %add3A_117 = vector.broadcast %add3A_116 : i32 to vector<16xi32>
    %add3A_118 = arith.addi %iota3A, %add3A_117 : vector<16xi32>
    %mul3A_119 = arith.constant 128 : i32
    %mul3A_120 = vector.broadcast %mul3A_119 : i32 to vector<16xi32>
    %mul3A_121 = arith.muli %add3A_118, %mul3A_120 : vector<16xi32>
    %add3A_122 = arith.constant 8192 : i32
    %add3A_123 = vector.broadcast %add3A_122 : i32 to vector<16xi32>
    %add3A_124 = arith.addi %mul3A_121, %add3A_123 : vector<16xi32>
    %add3A_125 = arith.constant 32 : i32
    %add3A_126 = vector.broadcast %add3A_125 : i32 to vector<16xi32>
    %add3A_127 = arith.addi %iota3A, %add3A_126 : vector<16xi32>
    %mul3A_128 = arith.constant 128 : i32
    %mul3A_129 = vector.broadcast %mul3A_128 : i32 to vector<16xi32>
    %mul3A_130 = arith.muli %add3A_127, %mul3A_129 : vector<16xi32>
    %add3A_131 = arith.constant 8192 : i32
    %add3A_132 = vector.broadcast %add3A_131 : i32 to vector<16xi32>
    %add3A_133 = arith.addi %mul3A_130, %add3A_132 : vector<16xi32>
    %add3A_134 = arith.constant 48 : i32
    %add3A_135 = vector.broadcast %add3A_134 : i32 to vector<16xi32>
    %add3A_136 = arith.addi %iota3A, %add3A_135 : vector<16xi32>
    %mul3A_137 = arith.constant 128 : i32
    %mul3A_138 = vector.broadcast %mul3A_137 : i32 to vector<16xi32>
    %mul3A_139 = arith.muli %add3A_136, %mul3A_138 : vector<16xi32>
    %add3A_140 = arith.constant 8192 : i32
    %add3A_141 = vector.broadcast %add3A_140 : i32 to vector<16xi32>
    %add3A_142 = arith.addi %mul3A_139, %add3A_141 : vector<16xi32>
    %broadcast_in_dim3A = arith.constant 0xFF800000 : f32
    %broadcast_in_dim3A_143 = vector.broadcast %broadcast_in_dim3A : f32 to vector<16xf32>
    %scan3A = arith.constant 0 : i32
    %scan3A_144 = arith.constant 32 : i32
    %scan3A_145 = arith.addi %scan3A, %scan3A_144 : i32
    %scan3A_146 = arith.constant 1 : i32
    %scan3A_147:8 = scf.for %scan3A_324 = %scan3A to %scan3A_145 step %scan3A_146 iter_args(%scan3A_325 = %broadcast_in_dim3A_143, %scan3A_326 = %broadcast_in_dim3A_143, %scan3A_327 = %broadcast_in_dim3A_143, %scan3A_328 = %broadcast_in_dim3A_143, %scan3A_329 = %broadcast_in_dim3A_143, %scan3A_330 = %broadcast_in_dim3A_143, %scan3A_331 = %broadcast_in_dim3A_143, %scan3A_332 = %broadcast_in_dim3A_143) -> (vector<16xf32>, vector<16xf32>, vector<16xf32>, vector<16xf32>, vector<16xf32>, vector<16xf32>, vector<16xf32>, vector<16xf32>)  : i32 {
      %mul3A_333 = arith.constant 4 : i32
      %mul3A_334 = arith.muli %scan3A_324, %mul3A_333 : i32
      %add3A_335 = arith.constant 0 : i32
      %add3A_336 = arith.addi %mul3A_334, %add3A_335 : i32
      %add3A_337 = vector.broadcast %add3A_336 : i32 to vector<16xi32>
      %add3A_338 = arith.addi %add3A_337, %iota3A : vector<16xi32>
      %and3A = arith.constant 127 : i32
      %and3A_339 = vector.broadcast %and3A : i32 to vector<16xi32>
      %and3A_340 = arith.andi %add3A_338, %and3A_339 : vector<16xi32>
      %add3A_341 = arith.addi %add3A_79, %and3A_340 : vector<16xi32>
      %gather3A_342 = tpu.vector_load_idx %arg8[%add3A_341] : memref<16384xf32, #tpu.memory_space<vmem>>[vector<16xi32>], vector<16xf32>,
      %max3A = arith.maximumf %scan3A_325, %gather3A_342 : vector<16xf32>
      %add3A_343 = arith.addi %add3A_88, %and3A_340 : vector<16xi32>
      %gather3A_344 = tpu.vector_load_idx %arg8[%add3A_343] : memref<16384xf32, #tpu.memory_space<vmem>>[vector<16xi32>], vector<16xf32>,
      %max3A_345 = arith.maximumf %scan3A_326, %gather3A_344 : vector<16xf32>
      %add3A_346 = arith.addi %add3A_97, %and3A_340 : vector<16xi32>
      %gather3A_347 = tpu.vector_load_idx %arg8[%add3A_346] : memref<16384xf32, #tpu.memory_space<vmem>>[vector<16xi32>], vector<16xf32>,
      %max3A_348 = arith.maximumf %scan3A_327, %gather3A_347 : vector<16xf32>
      %add3A_349 = arith.addi %add3A_106, %and3A_340 : vector<16xi32>
      %gather3A_350 = tpu.vector_load_idx %arg8[%add3A_349] : memref<16384xf32, #tpu.memory_space<vmem>>[vector<16xi32>], vector<16xf32>,
      %max3A_351 = arith.maximumf %scan3A_328, %gather3A_350 : vector<16xf32>
      %add3A_352 = arith.addi %add3A_115, %and3A_340 : vector<16xi32>
      %gather3A_353 = tpu.vector_load_idx %arg8[%add3A_352] : memref<16384xf32, #tpu.memory_space<vmem>>[vector<16xi32>], vector<16xf32>,
      %max3A_354 = arith.maximumf %scan3A_329, %gather3A_353 : vector<16xf32>
      %add3A_355 = arith.addi %add3A_124, %and3A_340 : vector<16xi32>
      %gather3A_356 = tpu.vector_load_idx %arg8[%add3A_355] : memref<16384xf32, #tpu.memory_space<vmem>>[vector<16xi32>], vector<16xf32>,
      %max3A_357 = arith.maximumf %scan3A_330, %gather3A_356 : vector<16xf32>
      %add3A_358 = arith.addi %add3A_133, %and3A_340 : vector<16xi32>
      %gather3A_359 = tpu.vector_load_idx %arg8[%add3A_358] : memref<16384xf32, #tpu.memory_space<vmem>>[vector<16xi32>], vector<16xf32>,
      %max3A_360 = arith.maximumf %scan3A_331, %gather3A_359 : vector<16xf32>
      %add3A_361 = arith.addi %add3A_142, %and3A_340 : vector<16xi32>
      %gather3A_362 = tpu.vector_load_idx %arg8[%add3A_361] : memref<16384xf32, #tpu.memory_space<vmem>>[vector<16xi32>], vector<16xf32>,
      %max3A_363 = arith.maximumf %scan3A_332, %gather3A_362 : vector<16xf32>
      %mul3A_364 = arith.constant 4 : i32
      %mul3A_365 = arith.muli %scan3A_324, %mul3A_364 : i32
      %add3A_366 = arith.constant 1 : i32
      %add3A_367 = arith.addi %mul3A_365, %add3A_366 : i32
      %add3A_368 = vector.broadcast %add3A_367 : i32 to vector<16xi32>
      %add3A_369 = arith.addi %add3A_368, %iota3A : vector<16xi32>
      %and3A_370 = arith.constant 127 : i32
      %and3A_371 = vector.broadcast %and3A_370 : i32 to vector<16xi32>
      %and3A_372 = arith.andi %add3A_369, %and3A_371 : vector<16xi32>
      %add3A_373 = arith.addi %add3A_79, %and3A_372 : vector<16xi32>
      %gather3A_374 = tpu.vector_load_idx %arg8[%add3A_373] : memref<16384xf32, #tpu.memory_space<vmem>>[vector<16xi32>], vector<16xf32>,
      %max3A_375 = arith.maximumf %max3A, %gather3A_374 : vector<16xf32>
      %add3A_376 = arith.addi %add3A_88, %and3A_372 : vector<16xi32>
      %gather3A_377 = tpu.vector_load_idx %arg8[%add3A_376] : memref<16384xf32, #tpu.memory_space<vmem>>[vector<16xi32>], vector<16xf32>,
      %max3A_378 = arith.maximumf %max3A_345, %gather3A_377 : vector<16xf32>
      %add3A_379 = arith.addi %add3A_97, %and3A_372 : vector<16xi32>
      %gather3A_380 = tpu.vector_load_idx %arg8[%add3A_379] : memref<16384xf32, #tpu.memory_space<vmem>>[vector<16xi32>], vector<16xf32>,
      %max3A_381 = arith.maximumf %max3A_348, %gather3A_380 : vector<16xf32>
      %add3A_382 = arith.addi %add3A_106, %and3A_372 : vector<16xi32>
      %gather3A_383 = tpu.vector_load_idx %arg8[%add3A_382] : memref<16384xf32, #tpu.memory_space<vmem>>[vector<16xi32>], vector<16xf32>,
      %max3A_384 = arith.maximumf %max3A_351, %gather3A_383 : vector<16xf32>
      %add3A_385 = arith.addi %add3A_115, %and3A_372 : vector<16xi32>
      %gather3A_386 = tpu.vector_load_idx %arg8[%add3A_385] : memref<16384xf32, #tpu.memory_space<vmem>>[vector<16xi32>], vector<16xf32>,
      %max3A_387 = arith.maximumf %max3A_354, %gather3A_386 : vector<16xf32>
      %add3A_388 = arith.addi %add3A_124, %and3A_372 : vector<16xi32>
      %gather3A_389 = tpu.vector_load_idx %arg8[%add3A_388] : memref<16384xf32, #tpu.memory_space<vmem>>[vector<16xi32>], vector<16xf32>,
      %max3A_390 = arith.maximumf %max3A_357, %gather3A_389 : vector<16xf32>
      %add3A_391 = arith.addi %add3A_133, %and3A_372 : vector<16xi32>
      %gather3A_392 = tpu.vector_load_idx %arg8[%add3A_391] : memref<16384xf32, #tpu.memory_space<vmem>>[vector<16xi32>], vector<16xf32>,
      %max3A_393 = arith.maximumf %max3A_360, %gather3A_392 : vector<16xf32>
      %add3A_394 = arith.addi %add3A_142, %and3A_372 : vector<16xi32>
      %gather3A_395 = tpu.vector_load_idx %arg8[%add3A_394] : memref<16384xf32, #tpu.memory_space<vmem>>[vector<16xi32>], vector<16xf32>,
      %max3A_396 = arith.maximumf %max3A_363, %gather3A_395 : vector<16xf32>
      %mul3A_397 = arith.constant 4 : i32
      %mul3A_398 = arith.muli %scan3A_324, %mul3A_397 : i32
      %add3A_399 = arith.constant 2 : i32
      %add3A_400 = arith.addi %mul3A_398, %add3A_399 : i32
      %add3A_401 = vector.broadcast %add3A_400 : i32 to vector<16xi32>
      %add3A_402 = arith.addi %add3A_401, %iota3A : vector<16xi32>
      %and3A_403 = arith.constant 127 : i32
      %and3A_404 = vector.broadcast %and3A_403 : i32 to vector<16xi32>
      %and3A_405 = arith.andi %add3A_402, %and3A_404 : vector<16xi32>
      %add3A_406 = arith.addi %add3A_79, %and3A_405 : vector<16xi32>
      %gather3A_407 = tpu.vector_load_idx %arg8[%add3A_406] : memref<16384xf32, #tpu.memory_space<vmem>>[vector<16xi32>], vector<16xf32>,
      %max3A_408 = arith.maximumf %max3A_375, %gather3A_407 : vector<16xf32>
      %add3A_409 = arith.addi %add3A_88, %and3A_405 : vector<16xi32>
      %gather3A_410 = tpu.vector_load_idx %arg8[%add3A_409] : memref<16384xf32, #tpu.memory_space<vmem>>[vector<16xi32>], vector<16xf32>,
      %max3A_411 = arith.maximumf %max3A_378, %gather3A_410 : vector<16xf32>
      %add3A_412 = arith.addi %add3A_97, %and3A_405 : vector<16xi32>
      %gather3A_413 = tpu.vector_load_idx %arg8[%add3A_412] : memref<16384xf32, #tpu.memory_space<vmem>>[vector<16xi32>], vector<16xf32>,
      %max3A_414 = arith.maximumf %max3A_381, %gather3A_413 : vector<16xf32>
      %add3A_415 = arith.addi %add3A_106, %and3A_405 : vector<16xi32>
      %gather3A_416 = tpu.vector_load_idx %arg8[%add3A_415] : memref<16384xf32, #tpu.memory_space<vmem>>[vector<16xi32>], vector<16xf32>,
      %max3A_417 = arith.maximumf %max3A_384, %gather3A_416 : vector<16xf32>
      %add3A_418 = arith.addi %add3A_115, %and3A_405 : vector<16xi32>
      %gather3A_419 = tpu.vector_load_idx %arg8[%add3A_418] : memref<16384xf32, #tpu.memory_space<vmem>>[vector<16xi32>], vector<16xf32>,
      %max3A_420 = arith.maximumf %max3A_387, %gather3A_419 : vector<16xf32>
      %add3A_421 = arith.addi %add3A_124, %and3A_405 : vector<16xi32>
      %gather3A_422 = tpu.vector_load_idx %arg8[%add3A_421] : memref<16384xf32, #tpu.memory_space<vmem>>[vector<16xi32>], vector<16xf32>,
      %max3A_423 = arith.maximumf %max3A_390, %gather3A_422 : vector<16xf32>
      %add3A_424 = arith.addi %add3A_133, %and3A_405 : vector<16xi32>
      %gather3A_425 = tpu.vector_load_idx %arg8[%add3A_424] : memref<16384xf32, #tpu.memory_space<vmem>>[vector<16xi32>], vector<16xf32>,
      %max3A_426 = arith.maximumf %max3A_393, %gather3A_425 : vector<16xf32>
      %add3A_427 = arith.addi %add3A_142, %and3A_405 : vector<16xi32>
      %gather3A_428 = tpu.vector_load_idx %arg8[%add3A_427] : memref<16384xf32, #tpu.memory_space<vmem>>[vector<16xi32>], vector<16xf32>,
      %max3A_429 = arith.maximumf %max3A_396, %gather3A_428 : vector<16xf32>
      %mul3A_430 = arith.constant 4 : i32
      %mul3A_431 = arith.muli %scan3A_324, %mul3A_430 : i32
      %add3A_432 = arith.constant 3 : i32
      %add3A_433 = arith.addi %mul3A_431, %add3A_432 : i32
      %add3A_434 = vector.broadcast %add3A_433 : i32 to vector<16xi32>
      %add3A_435 = arith.addi %add3A_434, %iota3A : vector<16xi32>
      %and3A_436 = arith.constant 127 : i32
      %and3A_437 = vector.broadcast %and3A_436 : i32 to vector<16xi32>
      %and3A_438 = arith.andi %add3A_435, %and3A_437 : vector<16xi32>
      %add3A_439 = arith.addi %add3A_79, %and3A_438 : vector<16xi32>
      %gather3A_440 = tpu.vector_load_idx %arg8[%add3A_439] : memref<16384xf32, #tpu.memory_space<vmem>>[vector<16xi32>], vector<16xf32>,
      %max3A_441 = arith.maximumf %max3A_408, %gather3A_440 : vector<16xf32>
      %add3A_442 = arith.addi %add3A_88, %and3A_438 : vector<16xi32>
      %gather3A_443 = tpu.vector_load_idx %arg8[%add3A_442] : memref<16384xf32, #tpu.memory_space<vmem>>[vector<16xi32>], vector<16xf32>,
      %max3A_444 = arith.maximumf %max3A_411, %gather3A_443 : vector<16xf32>
      %add3A_445 = arith.addi %add3A_97, %and3A_438 : vector<16xi32>
      %gather3A_446 = tpu.vector_load_idx %arg8[%add3A_445] : memref<16384xf32, #tpu.memory_space<vmem>>[vector<16xi32>], vector<16xf32>,
      %max3A_447 = arith.maximumf %max3A_414, %gather3A_446 : vector<16xf32>
      %add3A_448 = arith.addi %add3A_106, %and3A_438 : vector<16xi32>
      %gather3A_449 = tpu.vector_load_idx %arg8[%add3A_448] : memref<16384xf32, #tpu.memory_space<vmem>>[vector<16xi32>], vector<16xf32>,
      %max3A_450 = arith.maximumf %max3A_417, %gather3A_449 : vector<16xf32>
      %add3A_451 = arith.addi %add3A_115, %and3A_438 : vector<16xi32>
      %gather3A_452 = tpu.vector_load_idx %arg8[%add3A_451] : memref<16384xf32, #tpu.memory_space<vmem>>[vector<16xi32>], vector<16xf32>,
      %max3A_453 = arith.maximumf %max3A_420, %gather3A_452 : vector<16xf32>
      %add3A_454 = arith.addi %add3A_124, %and3A_438 : vector<16xi32>
      %gather3A_455 = tpu.vector_load_idx %arg8[%add3A_454] : memref<16384xf32, #tpu.memory_space<vmem>>[vector<16xi32>], vector<16xf32>,
      %max3A_456 = arith.maximumf %max3A_423, %gather3A_455 : vector<16xf32>
      %add3A_457 = arith.addi %add3A_133, %and3A_438 : vector<16xi32>
      %gather3A_458 = tpu.vector_load_idx %arg8[%add3A_457] : memref<16384xf32, #tpu.memory_space<vmem>>[vector<16xi32>], vector<16xf32>,
      %max3A_459 = arith.maximumf %max3A_426, %gather3A_458 : vector<16xf32>
      %add3A_460 = arith.addi %add3A_142, %and3A_438 : vector<16xi32>
      %gather3A_461 = tpu.vector_load_idx %arg8[%add3A_460] : memref<16384xf32, #tpu.memory_space<vmem>>[vector<16xi32>], vector<16xf32>,
      %max3A_462 = arith.maximumf %max3A_429, %gather3A_461 : vector<16xf32>
      scf.yield %max3A_441, %max3A_444, %max3A_447, %max3A_450, %max3A_453, %max3A_456, %max3A_459, %max3A_462 : vector<16xf32>, vector<16xf32>, vector<16xf32>, vector<16xf32>, vector<16xf32>, vector<16xf32>, vector<16xf32>, vector<16xf32>
    }
    %scan3A_148 = arith.constant 32 : i32
    %scan3A_149 = arith.constant 0 : i32
    %scan3A_150 = arith.constant 64 : i32
    %scan3A_151 = arith.addi %scan3A_149, %scan3A_150 : i32
    %scan3A_152 = arith.constant 1 : i32
    %scan3A_153:8 = scf.for %scan3A_324 = %scan3A_149 to %scan3A_151 step %scan3A_152 iter_args(%scan3A_325 = %scan3A_147#0, %scan3A_326 = %scan3A_147#1, %scan3A_327 = %scan3A_147#2, %scan3A_328 = %scan3A_147#3, %scan3A_329 = %scan3A_147#4, %scan3A_330 = %scan3A_147#5, %scan3A_331 = %scan3A_147#6, %scan3A_332 = %scan3A_147#7) -> (vector<16xf32>, vector<16xf32>, vector<16xf32>, vector<16xf32>, vector<16xf32>, vector<16xf32>, vector<16xf32>, vector<16xf32>)  : i32 {
      %broadcast_in_dim3A_333 = vector.broadcast %scan3A_324 : i32 to vector<16xi32>
      %gt3A = arith.cmpf ogt, %scan3A_326, %scan3A_325 : vector<16xf32>
      %select_n3A = arith.select %gt3A, %scan3A_326, %scan3A_325 : vector<16xi1>, vector<16xf32>
      %add3A_334 = arith.constant 16 : i32
      %add3A_335 = vector.broadcast %add3A_334 : i32 to vector<16xi32>
      %add3A_336 = arith.addi %iota3A, %add3A_335 : vector<16xi32>
      %select_n3A_337 = arith.select %gt3A, %add3A_336, %iota3A : vector<16xi1>, vector<16xi32>
      %gt3A_338 = arith.cmpf ogt, %scan3A_328, %scan3A_327 : vector<16xf32>
      %select_n3A_339 = arith.select %gt3A_338, %scan3A_328, %scan3A_327 : vector<16xi1>, vector<16xf32>
      %add3A_340 = arith.constant 48 : i32
      %add3A_341 = vector.broadcast %add3A_340 : i32 to vector<16xi32>
      %add3A_342 = arith.addi %iota3A, %add3A_341 : vector<16xi32>
      %add3A_343 = arith.constant 32 : i32
      %add3A_344 = vector.broadcast %add3A_343 : i32 to vector<16xi32>
      %add3A_345 = arith.addi %iota3A, %add3A_344 : vector<16xi32>
      %select_n3A_346 = arith.select %gt3A_338, %add3A_342, %add3A_345 : vector<16xi1>, vector<16xi32>
      %gt3A_347 = arith.cmpf ogt, %select_n3A_339, %select_n3A : vector<16xf32>
      %select_n3A_348 = arith.select %gt3A_347, %select_n3A_339, %select_n3A : vector<16xi1>, vector<16xf32>
      %select_n3A_349 = arith.select %gt3A_347, %select_n3A_346, %select_n3A_337 : vector<16xi1>, vector<16xi32>
      %xor3A = arith.constant 1 : i32
      %xor3A_350 = vector.broadcast %xor3A : i32 to vector<16xi32>
      %xor3A_351 = arith.xori %iota3A, %xor3A_350 : vector<16xi32>
      %lt3A = arith.constant 0 : i32
      %lt3A_352 = vector.broadcast %lt3A : i32 to vector<16xi32>
      %lt3A_353 = arith.cmpi slt, %xor3A_351, %lt3A_352 : vector<16xi32>
      %add3A_354 = arith.constant 16 : i32
      %add3A_355 = vector.broadcast %add3A_354 : i32 to vector<16xi32>
      %add3A_356 = arith.addi %xor3A_351, %add3A_355 : vector<16xi32>
      %select_n3A_357 = arith.select %lt3A_353, %add3A_356, %xor3A_351 : vector<16xi1>, vector<16xi32>
      %broadcast_in_dim3A_358 = vector.shape_cast %select_n3A_357 : vector<16xi32> to vector<16x1xi32>
      %gather3A_359 = vector.shape_cast %broadcast_in_dim3A_358 : vector<16x1xi32> to vector<16xi32>
      %gather3A_360 = tpu.dynamic_gather %select_n3A_348[%gather3A_359] in [0] : vector<16xf32>, vector<16xi32> -> vector<16xf32>
      %max3A = arith.maximumf %select_n3A_348, %gather3A_360 : vector<16xf32>
      %xor3A_361 = arith.constant 2 : i32
      %xor3A_362 = vector.broadcast %xor3A_361 : i32 to vector<16xi32>
      %xor3A_363 = arith.xori %iota3A, %xor3A_362 : vector<16xi32>
      %lt3A_364 = arith.constant 0 : i32
      %lt3A_365 = vector.broadcast %lt3A_364 : i32 to vector<16xi32>
      %lt3A_366 = arith.cmpi slt, %xor3A_363, %lt3A_365 : vector<16xi32>
      %add3A_367 = arith.constant 16 : i32
      %add3A_368 = vector.broadcast %add3A_367 : i32 to vector<16xi32>
      %add3A_369 = arith.addi %xor3A_363, %add3A_368 : vector<16xi32>
      %select_n3A_370 = arith.select %lt3A_366, %add3A_369, %xor3A_363 : vector<16xi1>, vector<16xi32>
      %broadcast_in_dim3A_371 = vector.shape_cast %select_n3A_370 : vector<16xi32> to vector<16x1xi32>
      %gather3A_372 = vector.shape_cast %broadcast_in_dim3A_371 : vector<16x1xi32> to vector<16xi32>
      %gather3A_373 = tpu.dynamic_gather %max3A[%gather3A_372] in [0] : vector<16xf32>, vector<16xi32> -> vector<16xf32>
      %max3A_374 = arith.maximumf %max3A, %gather3A_373 : vector<16xf32>
      %xor3A_375 = arith.constant 4 : i32
      %xor3A_376 = vector.broadcast %xor3A_375 : i32 to vector<16xi32>
      %xor3A_377 = arith.xori %iota3A, %xor3A_376 : vector<16xi32>
      %lt3A_378 = arith.constant 0 : i32
      %lt3A_379 = vector.broadcast %lt3A_378 : i32 to vector<16xi32>
      %lt3A_380 = arith.cmpi slt, %xor3A_377, %lt3A_379 : vector<16xi32>
      %add3A_381 = arith.constant 16 : i32
      %add3A_382 = vector.broadcast %add3A_381 : i32 to vector<16xi32>
      %add3A_383 = arith.addi %xor3A_377, %add3A_382 : vector<16xi32>
      %select_n3A_384 = arith.select %lt3A_380, %add3A_383, %xor3A_377 : vector<16xi1>, vector<16xi32>
      %broadcast_in_dim3A_385 = vector.shape_cast %select_n3A_384 : vector<16xi32> to vector<16x1xi32>
      %gather3A_386 = vector.shape_cast %broadcast_in_dim3A_385 : vector<16x1xi32> to vector<16xi32>
      %gather3A_387 = tpu.dynamic_gather %max3A_374[%gather3A_386] in [0] : vector<16xf32>, vector<16xi32> -> vector<16xf32>
      %max3A_388 = arith.maximumf %max3A_374, %gather3A_387 : vector<16xf32>
      %xor3A_389 = arith.constant 8 : i32
      %xor3A_390 = vector.broadcast %xor3A_389 : i32 to vector<16xi32>
      %xor3A_391 = arith.xori %iota3A, %xor3A_390 : vector<16xi32>
      %lt3A_392 = arith.constant 0 : i32
      %lt3A_393 = vector.broadcast %lt3A_392 : i32 to vector<16xi32>
      %lt3A_394 = arith.cmpi slt, %xor3A_391, %lt3A_393 : vector<16xi32>
      %add3A_395 = arith.constant 16 : i32
      %add3A_396 = vector.broadcast %add3A_395 : i32 to vector<16xi32>
      %add3A_397 = arith.addi %xor3A_391, %add3A_396 : vector<16xi32>
      %select_n3A_398 = arith.select %lt3A_394, %add3A_397, %xor3A_391 : vector<16xi1>, vector<16xi32>
      %broadcast_in_dim3A_399 = vector.shape_cast %select_n3A_398 : vector<16xi32> to vector<16x1xi32>
      %gather3A_400 = vector.shape_cast %broadcast_in_dim3A_399 : vector<16x1xi32> to vector<16xi32>
      %gather3A_401 = tpu.dynamic_gather %max3A_388[%gather3A_400] in [0] : vector<16xf32>, vector<16xi32> -> vector<16xf32>
      %max3A_402 = arith.maximumf %max3A_388, %gather3A_401 : vector<16xf32>
      %eq3A_403 = arith.cmpf oeq, %select_n3A_348, %max3A_402 : vector<16xf32>
      %jit3A = arith.constant 1048576 : i32
      %broadcast_in_dim3A_404 = vector.broadcast %jit3A : i32 to vector<16xi32>
      %select_n3A_405 = arith.select %eq3A_403, %select_n3A_349, %broadcast_in_dim3A_404 : vector<16xi1>, vector<16xi32>
      %xor3A_406 = arith.constant 1 : i32
      %xor3A_407 = vector.broadcast %xor3A_406 : i32 to vector<16xi32>
      %xor3A_408 = arith.xori %iota3A, %xor3A_407 : vector<16xi32>
      %lt3A_409 = arith.constant 0 : i32
      %lt3A_410 = vector.broadcast %lt3A_409 : i32 to vector<16xi32>
      %lt3A_411 = arith.cmpi slt, %xor3A_408, %lt3A_410 : vector<16xi32>
      %add3A_412 = arith.constant 16 : i32
      %add3A_413 = vector.broadcast %add3A_412 : i32 to vector<16xi32>
      %add3A_414 = arith.addi %xor3A_408, %add3A_413 : vector<16xi32>
      %select_n3A_415 = arith.select %lt3A_411, %add3A_414, %xor3A_408 : vector<16xi1>, vector<16xi32>
      %broadcast_in_dim3A_416 = vector.shape_cast %select_n3A_415 : vector<16xi32> to vector<16x1xi32>
      %gather3A_417 = vector.shape_cast %broadcast_in_dim3A_416 : vector<16x1xi32> to vector<16xi32>
      %gather3A_418 = tpu.dynamic_gather %select_n3A_405[%gather3A_417] in [0] : vector<16xi32>, vector<16xi32> -> vector<16xi32>
      %min3A = arith.minsi %select_n3A_405, %gather3A_418 : vector<16xi32>
      %xor3A_419 = arith.constant 2 : i32
      %xor3A_420 = vector.broadcast %xor3A_419 : i32 to vector<16xi32>
      %xor3A_421 = arith.xori %iota3A, %xor3A_420 : vector<16xi32>
      %lt3A_422 = arith.constant 0 : i32
      %lt3A_423 = vector.broadcast %lt3A_422 : i32 to vector<16xi32>
      %lt3A_424 = arith.cmpi slt, %xor3A_421, %lt3A_423 : vector<16xi32>
      %add3A_425 = arith.constant 16 : i32
      %add3A_426 = vector.broadcast %add3A_425 : i32 to vector<16xi32>
      %add3A_427 = arith.addi %xor3A_421, %add3A_426 : vector<16xi32>
      %select_n3A_428 = arith.select %lt3A_424, %add3A_427, %xor3A_421 : vector<16xi1>, vector<16xi32>
      %broadcast_in_dim3A_429 = vector.shape_cast %select_n3A_428 : vector<16xi32> to vector<16x1xi32>
      %gather3A_430 = vector.shape_cast %broadcast_in_dim3A_429 : vector<16x1xi32> to vector<16xi32>
      %gather3A_431 = tpu.dynamic_gather %min3A[%gather3A_430] in [0] : vector<16xi32>, vector<16xi32> -> vector<16xi32>
      %min3A_432 = arith.minsi %min3A, %gather3A_431 : vector<16xi32>
      %xor3A_433 = arith.constant 4 : i32
      %xor3A_434 = vector.broadcast %xor3A_433 : i32 to vector<16xi32>
      %xor3A_435 = arith.xori %iota3A, %xor3A_434 : vector<16xi32>
      %lt3A_436 = arith.constant 0 : i32
      %lt3A_437 = vector.broadcast %lt3A_436 : i32 to vector<16xi32>
      %lt3A_438 = arith.cmpi slt, %xor3A_435, %lt3A_437 : vector<16xi32>
      %add3A_439 = arith.constant 16 : i32
      %add3A_440 = vector.broadcast %add3A_439 : i32 to vector<16xi32>
      %add3A_441 = arith.addi %xor3A_435, %add3A_440 : vector<16xi32>
      %select_n3A_442 = arith.select %lt3A_438, %add3A_441, %xor3A_435 : vector<16xi1>, vector<16xi32>
      %broadcast_in_dim3A_443 = vector.shape_cast %select_n3A_442 : vector<16xi32> to vector<16x1xi32>
      %gather3A_444 = vector.shape_cast %broadcast_in_dim3A_443 : vector<16x1xi32> to vector<16xi32>
      %gather3A_445 = tpu.dynamic_gather %min3A_432[%gather3A_444] in [0] : vector<16xi32>, vector<16xi32> -> vector<16xi32>
      %min3A_446 = arith.minsi %min3A_432, %gather3A_445 : vector<16xi32>
      %xor3A_447 = arith.constant 8 : i32
      %xor3A_448 = vector.broadcast %xor3A_447 : i32 to vector<16xi32>
      %xor3A_449 = arith.xori %iota3A, %xor3A_448 : vector<16xi32>
      %lt3A_450 = arith.constant 0 : i32
      %lt3A_451 = vector.broadcast %lt3A_450 : i32 to vector<16xi32>
      %lt3A_452 = arith.cmpi slt, %xor3A_449, %lt3A_451 : vector<16xi32>
      %add3A_453 = arith.constant 16 : i32
      %add3A_454 = vector.broadcast %add3A_453 : i32 to vector<16xi32>
      %add3A_455 = arith.addi %xor3A_449, %add3A_454 : vector<16xi32>
      %select_n3A_456 = arith.select %lt3A_452, %add3A_455, %xor3A_449 : vector<16xi1>, vector<16xi32>
      %broadcast_in_dim3A_457 = vector.shape_cast %select_n3A_456 : vector<16xi32> to vector<16x1xi32>
      %gather3A_458 = vector.shape_cast %broadcast_in_dim3A_457 : vector<16x1xi32> to vector<16xi32>
      %gather3A_459 = tpu.dynamic_gather %min3A_446[%gather3A_458] in [0] : vector<16xi32>, vector<16xi32> -> vector<16xi32>
      %min3A_460 = arith.minsi %min3A_446, %gather3A_459 : vector<16xi32>
      %mul3A_461 = arith.constant 128 : i32
      %mul3A_462 = vector.broadcast %mul3A_461 : i32 to vector<16xi32>
      %mul3A_463 = arith.muli %min3A_460, %mul3A_462 : vector<16xi32>
      %add3A_464 = arith.constant 0 : i32
      %add3A_465 = vector.broadcast %add3A_464 : i32 to vector<16xi32>
      %add3A_466 = arith.addi %add3A_465, %iota3A : vector<16xi32>
      %add3A_467 = arith.addi %mul3A_463, %add3A_466 : vector<16xi32>
      %add3A_468 = arith.constant 0 : i32
      %add3A_469 = vector.broadcast %add3A_468 : i32 to vector<16xi32>
      %add3A_470 = arith.addi %add3A_467, %add3A_469 : vector<16xi32>
      %gather3A_471 = tpu.vector_load_idx %arg8[%add3A_470] : memref<16384xf32, #tpu.memory_space<vmem>>[vector<16xi32>], vector<16xf32>,
      %add3A_472 = arith.constant 16 : i32
      %add3A_473 = vector.broadcast %add3A_472 : i32 to vector<16xi32>
      %add3A_474 = arith.addi %add3A_467, %add3A_473 : vector<16xi32>
      %gather3A_475 = tpu.vector_load_idx %arg8[%add3A_474] : memref<16384xf32, #tpu.memory_space<vmem>>[vector<16xi32>], vector<16xf32>,
      %add3A_476 = arith.constant 32 : i32
      %add3A_477 = vector.broadcast %add3A_476 : i32 to vector<16xi32>
      %add3A_478 = arith.addi %add3A_467, %add3A_477 : vector<16xi32>
      %gather3A_479 = tpu.vector_load_idx %arg8[%add3A_478] : memref<16384xf32, #tpu.memory_space<vmem>>[vector<16xi32>], vector<16xf32>,
      %add3A_480 = arith.constant 48 : i32
      %add3A_481 = vector.broadcast %add3A_480 : i32 to vector<16xi32>
      %add3A_482 = arith.addi %add3A_467, %add3A_481 : vector<16xi32>
      %gather3A_483 = tpu.vector_load_idx %arg8[%add3A_482] : memref<16384xf32, #tpu.memory_space<vmem>>[vector<16xi32>], vector<16xf32>,
      %add3A_484 = arith.constant 64 : i32
      %add3A_485 = vector.broadcast %add3A_484 : i32 to vector<16xi32>
      %add3A_486 = arith.addi %add3A_467, %add3A_485 : vector<16xi32>
      %gather3A_487 = tpu.vector_load_idx %arg8[%add3A_486] : memref<16384xf32, #tpu.memory_space<vmem>>[vector<16xi32>], vector<16xf32>,
      %add3A_488 = arith.constant 80 : i32
      %add3A_489 = vector.broadcast %add3A_488 : i32 to vector<16xi32>
      %add3A_490 = arith.addi %add3A_467, %add3A_489 : vector<16xi32>
      %gather3A_491 = tpu.vector_load_idx %arg8[%add3A_490] : memref<16384xf32, #tpu.memory_space<vmem>>[vector<16xi32>], vector<16xf32>,
      %add3A_492 = arith.constant 96 : i32
      %add3A_493 = vector.broadcast %add3A_492 : i32 to vector<16xi32>
      %add3A_494 = arith.addi %add3A_467, %add3A_493 : vector<16xi32>
      %gather3A_495 = tpu.vector_load_idx %arg8[%add3A_494] : memref<16384xf32, #tpu.memory_space<vmem>>[vector<16xi32>], vector<16xf32>,
      %add3A_496 = arith.constant 112 : i32
      %add3A_497 = vector.broadcast %add3A_496 : i32 to vector<16xi32>
      %add3A_498 = arith.addi %add3A_467, %add3A_497 : vector<16xi32>
      %gather3A_499 = tpu.vector_load_idx %arg8[%add3A_498] : memref<16384xf32, #tpu.memory_space<vmem>>[vector<16xi32>], vector<16xf32>,
      %eq3A_500 = arith.cmpf oeq, %gather3A_471, %max3A_402 : vector<16xf32>
      %jit3A_501 = arith.constant 1048576 : i32
      %broadcast_in_dim3A_502 = vector.broadcast %jit3A_501 : i32 to vector<16xi32>
      %select_n3A_503 = arith.select %eq3A_500, %iota3A, %broadcast_in_dim3A_502 : vector<16xi1>, vector<16xi32>
      %eq3A_504 = arith.cmpf oeq, %gather3A_475, %max3A_402 : vector<16xf32>
      %add3A_505 = arith.constant 16 : i32
      %add3A_506 = vector.broadcast %add3A_505 : i32 to vector<16xi32>
      %add3A_507 = arith.addi %iota3A, %add3A_506 : vector<16xi32>
      %jit3A_508 = arith.constant 1048576 : i32
      %broadcast_in_dim3A_509 = vector.broadcast %jit3A_508 : i32 to vector<16xi32>
      %select_n3A_510 = arith.select %eq3A_504, %add3A_507, %broadcast_in_dim3A_509 : vector<16xi1>, vector<16xi32>
      %min3A_511 = arith.minsi %select_n3A_503, %select_n3A_510 : vector<16xi32>
      %eq3A_512 = arith.cmpf oeq, %gather3A_479, %max3A_402 : vector<16xf32>
      %add3A_513 = arith.constant 32 : i32
      %add3A_514 = vector.broadcast %add3A_513 : i32 to vector<16xi32>
      %add3A_515 = arith.addi %iota3A, %add3A_514 : vector<16xi32>
      %jit3A_516 = arith.constant 1048576 : i32
      %broadcast_in_dim3A_517 = vector.broadcast %jit3A_516 : i32 to vector<16xi32>
      %select_n3A_518 = arith.select %eq3A_512, %add3A_515, %broadcast_in_dim3A_517 : vector<16xi1>, vector<16xi32>
      %min3A_519 = arith.minsi %min3A_511, %select_n3A_518 : vector<16xi32>
      %eq3A_520 = arith.cmpf oeq, %gather3A_483, %max3A_402 : vector<16xf32>
      %add3A_521 = arith.constant 48 : i32
      %add3A_522 = vector.broadcast %add3A_521 : i32 to vector<16xi32>
      %add3A_523 = arith.addi %iota3A, %add3A_522 : vector<16xi32>
      %jit3A_524 = arith.constant 1048576 : i32
      %broadcast_in_dim3A_525 = vector.broadcast %jit3A_524 : i32 to vector<16xi32>
      %select_n3A_526 = arith.select %eq3A_520, %add3A_523, %broadcast_in_dim3A_525 : vector<16xi1>, vector<16xi32>
      %min3A_527 = arith.minsi %min3A_519, %select_n3A_526 : vector<16xi32>
      %eq3A_528 = arith.cmpf oeq, %gather3A_487, %max3A_402 : vector<16xf32>
      %add3A_529 = arith.constant 64 : i32
      %add3A_530 = vector.broadcast %add3A_529 : i32 to vector<16xi32>
      %add3A_531 = arith.addi %iota3A, %add3A_530 : vector<16xi32>
      %jit3A_532 = arith.constant 1048576 : i32
      %broadcast_in_dim3A_533 = vector.broadcast %jit3A_532 : i32 to vector<16xi32>
      %select_n3A_534 = arith.select %eq3A_528, %add3A_531, %broadcast_in_dim3A_533 : vector<16xi1>, vector<16xi32>
      %min3A_535 = arith.minsi %min3A_527, %select_n3A_534 : vector<16xi32>
      %eq3A_536 = arith.cmpf oeq, %gather3A_491, %max3A_402 : vector<16xf32>
      %add3A_537 = arith.constant 80 : i32
      %add3A_538 = vector.broadcast %add3A_537 : i32 to vector<16xi32>
      %add3A_539 = arith.addi %iota3A, %add3A_538 : vector<16xi32>
      %jit3A_540 = arith.constant 1048576 : i32
      %broadcast_in_dim3A_541 = vector.broadcast %jit3A_540 : i32 to vector<16xi32>
      %select_n3A_542 = arith.select %eq3A_536, %add3A_539, %broadcast_in_dim3A_541 : vector<16xi1>, vector<16xi32>
      %min3A_543 = arith.minsi %min3A_535, %select_n3A_542 : vector<16xi32>
      %eq3A_544 = arith.cmpf oeq, %gather3A_495, %max3A_402 : vector<16xf32>
      %add3A_545 = arith.constant 96 : i32
      %add3A_546 = vector.broadcast %add3A_545 : i32 to vector<16xi32>
      %add3A_547 = arith.addi %iota3A, %add3A_546 : vector<16xi32>
      %jit3A_548 = arith.constant 1048576 : i32
      %broadcast_in_dim3A_549 = vector.broadcast %jit3A_548 : i32 to vector<16xi32>
      %select_n3A_550 = arith.select %eq3A_544, %add3A_547, %broadcast_in_dim3A_549 : vector<16xi1>, vector<16xi32>
      %min3A_551 = arith.minsi %min3A_543, %select_n3A_550 : vector<16xi32>
      %eq3A_552 = arith.cmpf oeq, %gather3A_499, %max3A_402 : vector<16xf32>
      %add3A_553 = arith.constant 112 : i32
      %add3A_554 = vector.broadcast %add3A_553 : i32 to vector<16xi32>
      %add3A_555 = arith.addi %iota3A, %add3A_554 : vector<16xi32>
      %jit3A_556 = arith.constant 1048576 : i32
      %broadcast_in_dim3A_557 = vector.broadcast %jit3A_556 : i32 to vector<16xi32>
      %select_n3A_558 = arith.select %eq3A_552, %add3A_555, %broadcast_in_dim3A_557 : vector<16xi1>, vector<16xi32>
      %min3A_559 = arith.minsi %min3A_551, %select_n3A_558 : vector<16xi32>
      %xor3A_560 = arith.constant 1 : i32
      %xor3A_561 = vector.broadcast %xor3A_560 : i32 to vector<16xi32>
      %xor3A_562 = arith.xori %iota3A, %xor3A_561 : vector<16xi32>
      %lt3A_563 = arith.constant 0 : i32
      %lt3A_564 = vector.broadcast %lt3A_563 : i32 to vector<16xi32>
      %lt3A_565 = arith.cmpi slt, %xor3A_562, %lt3A_564 : vector<16xi32>
      %add3A_566 = arith.constant 16 : i32
      %add3A_567 = vector.broadcast %add3A_566 : i32 to vector<16xi32>
      %add3A_568 = arith.addi %xor3A_562, %add3A_567 : vector<16xi32>
      %select_n3A_569 = arith.select %lt3A_565, %add3A_568, %xor3A_562 : vector<16xi1>, vector<16xi32>
      %broadcast_in_dim3A_570 = vector.shape_cast %select_n3A_569 : vector<16xi32> to vector<16x1xi32>
      %gather3A_571 = vector.shape_cast %broadcast_in_dim3A_570 : vector<16x1xi32> to vector<16xi32>
      %gather3A_572 = tpu.dynamic_gather %min3A_559[%gather3A_571] in [0] : vector<16xi32>, vector<16xi32> -> vector<16xi32>
      %min3A_573 = arith.minsi %min3A_559, %gather3A_572 : vector<16xi32>
      %xor3A_574 = arith.constant 2 : i32
      %xor3A_575 = vector.broadcast %xor3A_574 : i32 to vector<16xi32>
      %xor3A_576 = arith.xori %iota3A, %xor3A_575 : vector<16xi32>
      %lt3A_577 = arith.constant 0 : i32
      %lt3A_578 = vector.broadcast %lt3A_577 : i32 to vector<16xi32>
      %lt3A_579 = arith.cmpi slt, %xor3A_576, %lt3A_578 : vector<16xi32>
      %add3A_580 = arith.constant 16 : i32
      %add3A_581 = vector.broadcast %add3A_580 : i32 to vector<16xi32>
      %add3A_582 = arith.addi %xor3A_576, %add3A_581 : vector<16xi32>
      %select_n3A_583 = arith.select %lt3A_579, %add3A_582, %xor3A_576 : vector<16xi1>, vector<16xi32>
      %broadcast_in_dim3A_584 = vector.shape_cast %select_n3A_583 : vector<16xi32> to vector<16x1xi32>
      %gather3A_585 = vector.shape_cast %broadcast_in_dim3A_584 : vector<16x1xi32> to vector<16xi32>
      %gather3A_586 = tpu.dynamic_gather %min3A_573[%gather3A_585] in [0] : vector<16xi32>, vector<16xi32> -> vector<16xi32>
      %min3A_587 = arith.minsi %min3A_573, %gather3A_586 : vector<16xi32>
      %xor3A_588 = arith.constant 4 : i32
      %xor3A_589 = vector.broadcast %xor3A_588 : i32 to vector<16xi32>
      %xor3A_590 = arith.xori %iota3A, %xor3A_589 : vector<16xi32>
      %lt3A_591 = arith.constant 0 : i32
      %lt3A_592 = vector.broadcast %lt3A_591 : i32 to vector<16xi32>
      %lt3A_593 = arith.cmpi slt, %xor3A_590, %lt3A_592 : vector<16xi32>
      %add3A_594 = arith.constant 16 : i32
      %add3A_595 = vector.broadcast %add3A_594 : i32 to vector<16xi32>
      %add3A_596 = arith.addi %xor3A_590, %add3A_595 : vector<16xi32>
      %select_n3A_597 = arith.select %lt3A_593, %add3A_596, %xor3A_590 : vector<16xi1>, vector<16xi32>
      %broadcast_in_dim3A_598 = vector.shape_cast %select_n3A_597 : vector<16xi32> to vector<16x1xi32>
      %gather3A_599 = vector.shape_cast %broadcast_in_dim3A_598 : vector<16x1xi32> to vector<16xi32>
      %gather3A_600 = tpu.dynamic_gather %min3A_587[%gather3A_599] in [0] : vector<16xi32>, vector<16xi32> -> vector<16xi32>
      %min3A_601 = arith.minsi %min3A_587, %gather3A_600 : vector<16xi32>
      %xor3A_602 = arith.constant 8 : i32
      %xor3A_603 = vector.broadcast %xor3A_602 : i32 to vector<16xi32>
      %xor3A_604 = arith.xori %iota3A, %xor3A_603 : vector<16xi32>
      %lt3A_605 = arith.constant 0 : i32
      %lt3A_606 = vector.broadcast %lt3A_605 : i32 to vector<16xi32>
      %lt3A_607 = arith.cmpi slt, %xor3A_604, %lt3A_606 : vector<16xi32>
      %add3A_608 = arith.constant 16 : i32
      %add3A_609 = vector.broadcast %add3A_608 : i32 to vector<16xi32>
      %add3A_610 = arith.addi %xor3A_604, %add3A_609 : vector<16xi32>
      %select_n3A_611 = arith.select %lt3A_607, %add3A_610, %xor3A_604 : vector<16xi1>, vector<16xi32>
      %broadcast_in_dim3A_612 = vector.shape_cast %select_n3A_611 : vector<16xi32> to vector<16x1xi32>
      %gather3A_613 = vector.shape_cast %broadcast_in_dim3A_612 : vector<16x1xi32> to vector<16xi32>
      %gather3A_614 = tpu.dynamic_gather %min3A_601[%gather3A_613] in [0] : vector<16xi32>, vector<16xi32> -> vector<16xi32>
      %min3A_615 = arith.minsi %min3A_601, %gather3A_614 : vector<16xi32>
      %mul3A_616 = arith.constant 128 : i32
      %mul3A_617 = vector.broadcast %mul3A_616 : i32 to vector<16xi32>
      %mul3A_618 = arith.muli %min3A_460, %mul3A_617 : vector<16xi32>
      %add3A_619 = arith.addi %mul3A_618, %min3A_615 : vector<16xi32>
      tpu.vector_store_idx %arg10[%broadcast_in_dim3A_333], %max3A_402 masked %eq3A_4 : memref<64xf32, #tpu.memory_space<vmem>>[vector<16xi32>], vector<16xf32>, vector<16xi1>
      %add3A_620 = arith.constant 0 : i32
      %add3A_621 = vector.broadcast %add3A_620 : i32 to vector<16xi32>
      %add3A_622 = arith.addi %broadcast_in_dim3A_333, %add3A_621 : vector<16xi32>
      tpu.vector_store_idx %arg14[%add3A_622], %add3A_619 masked %eq3A_4 : memref<128xi32, #tpu.memory_space<vmem>>[vector<16xi32>], vector<16xi32>, vector<16xi1>
      %eq3A_623 = arith.cmpf oeq, %gather3A_471, %max3A_402 : vector<16xf32>
      %jit3A_624 = arith.constant 0xFF800000 : f32
      %broadcast_in_dim3A_625 = vector.broadcast %jit3A_624 : f32 to vector<16xf32>
      %select_n3A_626 = arith.select %eq3A_623, %broadcast_in_dim3A_625, %gather3A_471 : vector<16xi1>, vector<16xf32>
      %eq3A_627 = arith.cmpf oeq, %gather3A_471, %max3A_402 : vector<16xf32>
      %jit3A_628 = arith.constant 1 : i32
      %jit3A_629 = arith.constant 0 : i32
      %broadcast_in_dim3A_630 = vector.broadcast %jit3A_628 : i32 to vector<16xi32>
      %broadcast_in_dim3A_631 = vector.broadcast %jit3A_629 : i32 to vector<16xi32>
      %select_n3A_632 = arith.select %eq3A_627, %broadcast_in_dim3A_630, %broadcast_in_dim3A_631 : vector<16xi1>, vector<16xi32>
      %eq3A_633 = arith.cmpf oeq, %gather3A_475, %max3A_402 : vector<16xf32>
      %jit3A_634 = arith.constant 0xFF800000 : f32
      %broadcast_in_dim3A_635 = vector.broadcast %jit3A_634 : f32 to vector<16xf32>
      %select_n3A_636 = arith.select %eq3A_633, %broadcast_in_dim3A_635, %gather3A_475 : vector<16xi1>, vector<16xf32>
      %max3A_637 = arith.maximumf %select_n3A_626, %select_n3A_636 : vector<16xf32>
      %eq3A_638 = arith.cmpf oeq, %gather3A_475, %max3A_402 : vector<16xf32>
      %jit3A_639 = arith.constant 1 : i32
      %jit3A_640 = arith.constant 0 : i32
      %broadcast_in_dim3A_641 = vector.broadcast %jit3A_639 : i32 to vector<16xi32>
      %broadcast_in_dim3A_642 = vector.broadcast %jit3A_640 : i32 to vector<16xi32>
      %select_n3A_643 = arith.select %eq3A_638, %broadcast_in_dim3A_641, %broadcast_in_dim3A_642 : vector<16xi1>, vector<16xi32>
      %add3A_644 = arith.addi %select_n3A_632, %select_n3A_643 : vector<16xi32>
      %eq3A_645 = arith.cmpf oeq, %gather3A_479, %max3A_402 : vector<16xf32>
      %jit3A_646 = arith.constant 0xFF800000 : f32
      %broadcast_in_dim3A_647 = vector.broadcast %jit3A_646 : f32 to vector<16xf32>
      %select_n3A_648 = arith.select %eq3A_645, %broadcast_in_dim3A_647, %gather3A_479 : vector<16xi1>, vector<16xf32>
      %max3A_649 = arith.maximumf %max3A_637, %select_n3A_648 : vector<16xf32>
      %eq3A_650 = arith.cmpf oeq, %gather3A_479, %max3A_402 : vector<16xf32>
      %jit3A_651 = arith.constant 1 : i32
      %jit3A_652 = arith.constant 0 : i32
      %broadcast_in_dim3A_653 = vector.broadcast %jit3A_651 : i32 to vector<16xi32>
      %broadcast_in_dim3A_654 = vector.broadcast %jit3A_652 : i32 to vector<16xi32>
      %select_n3A_655 = arith.select %eq3A_650, %broadcast_in_dim3A_653, %broadcast_in_dim3A_654 : vector<16xi1>, vector<16xi32>
      %add3A_656 = arith.addi %add3A_644, %select_n3A_655 : vector<16xi32>
      %eq3A_657 = arith.cmpf oeq, %gather3A_483, %max3A_402 : vector<16xf32>
      %jit3A_658 = arith.constant 0xFF800000 : f32
      %broadcast_in_dim3A_659 = vector.broadcast %jit3A_658 : f32 to vector<16xf32>
      %select_n3A_660 = arith.select %eq3A_657, %broadcast_in_dim3A_659, %gather3A_483 : vector<16xi1>, vector<16xf32>
      %max3A_661 = arith.maximumf %max3A_649, %select_n3A_660 : vector<16xf32>
      %eq3A_662 = arith.cmpf oeq, %gather3A_483, %max3A_402 : vector<16xf32>
      %jit3A_663 = arith.constant 1 : i32
      %jit3A_664 = arith.constant 0 : i32
      %broadcast_in_dim3A_665 = vector.broadcast %jit3A_663 : i32 to vector<16xi32>
      %broadcast_in_dim3A_666 = vector.broadcast %jit3A_664 : i32 to vector<16xi32>
      %select_n3A_667 = arith.select %eq3A_662, %broadcast_in_dim3A_665, %broadcast_in_dim3A_666 : vector<16xi1>, vector<16xi32>
      %add3A_668 = arith.addi %add3A_656, %select_n3A_667 : vector<16xi32>
      %eq3A_669 = arith.cmpf oeq, %gather3A_487, %max3A_402 : vector<16xf32>
      %jit3A_670 = arith.constant 0xFF800000 : f32
      %broadcast_in_dim3A_671 = vector.broadcast %jit3A_670 : f32 to vector<16xf32>
      %select_n3A_672 = arith.select %eq3A_669, %broadcast_in_dim3A_671, %gather3A_487 : vector<16xi1>, vector<16xf32>
      %max3A_673 = arith.maximumf %max3A_661, %select_n3A_672 : vector<16xf32>
      %eq3A_674 = arith.cmpf oeq, %gather3A_487, %max3A_402 : vector<16xf32>
      %jit3A_675 = arith.constant 1 : i32
      %jit3A_676 = arith.constant 0 : i32
      %broadcast_in_dim3A_677 = vector.broadcast %jit3A_675 : i32 to vector<16xi32>
      %broadcast_in_dim3A_678 = vector.broadcast %jit3A_676 : i32 to vector<16xi32>
      %select_n3A_679 = arith.select %eq3A_674, %broadcast_in_dim3A_677, %broadcast_in_dim3A_678 : vector<16xi1>, vector<16xi32>
      %add3A_680 = arith.addi %add3A_668, %select_n3A_679 : vector<16xi32>
      %eq3A_681 = arith.cmpf oeq, %gather3A_491, %max3A_402 : vector<16xf32>
      %jit3A_682 = arith.constant 0xFF800000 : f32
      %broadcast_in_dim3A_683 = vector.broadcast %jit3A_682 : f32 to vector<16xf32>
      %select_n3A_684 = arith.select %eq3A_681, %broadcast_in_dim3A_683, %gather3A_491 : vector<16xi1>, vector<16xf32>
      %max3A_685 = arith.maximumf %max3A_673, %select_n3A_684 : vector<16xf32>
      %eq3A_686 = arith.cmpf oeq, %gather3A_491, %max3A_402 : vector<16xf32>
      %jit3A_687 = arith.constant 1 : i32
      %jit3A_688 = arith.constant 0 : i32
      %broadcast_in_dim3A_689 = vector.broadcast %jit3A_687 : i32 to vector<16xi32>
      %broadcast_in_dim3A_690 = vector.broadcast %jit3A_688 : i32 to vector<16xi32>
      %select_n3A_691 = arith.select %eq3A_686, %broadcast_in_dim3A_689, %broadcast_in_dim3A_690 : vector<16xi1>, vector<16xi32>
      %add3A_692 = arith.addi %add3A_680, %select_n3A_691 : vector<16xi32>
      %eq3A_693 = arith.cmpf oeq, %gather3A_495, %max3A_402 : vector<16xf32>
      %jit3A_694 = arith.constant 0xFF800000 : f32
      %broadcast_in_dim3A_695 = vector.broadcast %jit3A_694 : f32 to vector<16xf32>
      %select_n3A_696 = arith.select %eq3A_693, %broadcast_in_dim3A_695, %gather3A_495 : vector<16xi1>, vector<16xf32>
      %max3A_697 = arith.maximumf %max3A_685, %select_n3A_696 : vector<16xf32>
      %eq3A_698 = arith.cmpf oeq, %gather3A_495, %max3A_402 : vector<16xf32>
      %jit3A_699 = arith.constant 1 : i32
      %jit3A_700 = arith.constant 0 : i32
      %broadcast_in_dim3A_701 = vector.broadcast %jit3A_699 : i32 to vector<16xi32>
      %broadcast_in_dim3A_702 = vector.broadcast %jit3A_700 : i32 to vector<16xi32>
      %select_n3A_703 = arith.select %eq3A_698, %broadcast_in_dim3A_701, %broadcast_in_dim3A_702 : vector<16xi1>, vector<16xi32>
      %add3A_704 = arith.addi %add3A_692, %select_n3A_703 : vector<16xi32>
      %eq3A_705 = arith.cmpf oeq, %gather3A_499, %max3A_402 : vector<16xf32>
      %jit3A_706 = arith.constant 0xFF800000 : f32
      %broadcast_in_dim3A_707 = vector.broadcast %jit3A_706 : f32 to vector<16xf32>
      %select_n3A_708 = arith.select %eq3A_705, %broadcast_in_dim3A_707, %gather3A_499 : vector<16xi1>, vector<16xf32>
      %max3A_709 = arith.maximumf %max3A_697, %select_n3A_708 : vector<16xf32>
      %eq3A_710 = arith.cmpf oeq, %gather3A_499, %max3A_402 : vector<16xf32>
      %jit3A_711 = arith.constant 1 : i32
      %jit3A_712 = arith.constant 0 : i32
      %broadcast_in_dim3A_713 = vector.broadcast %jit3A_711 : i32 to vector<16xi32>
      %broadcast_in_dim3A_714 = vector.broadcast %jit3A_712 : i32 to vector<16xi32>
      %select_n3A_715 = arith.select %eq3A_710, %broadcast_in_dim3A_713, %broadcast_in_dim3A_714 : vector<16xi1>, vector<16xi32>
      %add3A_716 = arith.addi %add3A_704, %select_n3A_715 : vector<16xi32>
      %xor3A_717 = arith.constant 1 : i32
      %xor3A_718 = vector.broadcast %xor3A_717 : i32 to vector<16xi32>
      %xor3A_719 = arith.xori %iota3A, %xor3A_718 : vector<16xi32>
      %lt3A_720 = arith.constant 0 : i32
      %lt3A_721 = vector.broadcast %lt3A_720 : i32 to vector<16xi32>
      %lt3A_722 = arith.cmpi slt, %xor3A_719, %lt3A_721 : vector<16xi32>
      %add3A_723 = arith.constant 16 : i32
      %add3A_724 = vector.broadcast %add3A_723 : i32 to vector<16xi32>
      %add3A_725 = arith.addi %xor3A_719, %add3A_724 : vector<16xi32>
      %select_n3A_726 = arith.select %lt3A_722, %add3A_725, %xor3A_719 : vector<16xi1>, vector<16xi32>
      %broadcast_in_dim3A_727 = vector.shape_cast %select_n3A_726 : vector<16xi32> to vector<16x1xi32>
      %gather3A_728 = vector.shape_cast %broadcast_in_dim3A_727 : vector<16x1xi32> to vector<16xi32>
      %gather3A_729 = tpu.dynamic_gather %max3A_709[%gather3A_728] in [0] : vector<16xf32>, vector<16xi32> -> vector<16xf32>
      %max3A_730 = arith.maximumf %max3A_709, %gather3A_729 : vector<16xf32>
      %xor3A_731 = arith.constant 2 : i32
      %xor3A_732 = vector.broadcast %xor3A_731 : i32 to vector<16xi32>
      %xor3A_733 = arith.xori %iota3A, %xor3A_732 : vector<16xi32>
      %lt3A_734 = arith.constant 0 : i32
      %lt3A_735 = vector.broadcast %lt3A_734 : i32 to vector<16xi32>
      %lt3A_736 = arith.cmpi slt, %xor3A_733, %lt3A_735 : vector<16xi32>
      %add3A_737 = arith.constant 16 : i32
      %add3A_738 = vector.broadcast %add3A_737 : i32 to vector<16xi32>
      %add3A_739 = arith.addi %xor3A_733, %add3A_738 : vector<16xi32>
      %select_n3A_740 = arith.select %lt3A_736, %add3A_739, %xor3A_733 : vector<16xi1>, vector<16xi32>
      %broadcast_in_dim3A_741 = vector.shape_cast %select_n3A_740 : vector<16xi32> to vector<16x1xi32>
      %gather3A_742 = vector.shape_cast %broadcast_in_dim3A_741 : vector<16x1xi32> to vector<16xi32>
      %gather3A_743 = tpu.dynamic_gather %max3A_730[%gather3A_742] in [0] : vector<16xf32>, vector<16xi32> -> vector<16xf32>
      %max3A_744 = arith.maximumf %max3A_730, %gather3A_743 : vector<16xf32>
      %xor3A_745 = arith.constant 4 : i32
      %xor3A_746 = vector.broadcast %xor3A_745 : i32 to vector<16xi32>
      %xor3A_747 = arith.xori %iota3A, %xor3A_746 : vector<16xi32>
      %lt3A_748 = arith.constant 0 : i32
      %lt3A_749 = vector.broadcast %lt3A_748 : i32 to vector<16xi32>
      %lt3A_750 = arith.cmpi slt, %xor3A_747, %lt3A_749 : vector<16xi32>
      %add3A_751 = arith.constant 16 : i32
      %add3A_752 = vector.broadcast %add3A_751 : i32 to vector<16xi32>
      %add3A_753 = arith.addi %xor3A_747, %add3A_752 : vector<16xi32>
      %select_n3A_754 = arith.select %lt3A_750, %add3A_753, %xor3A_747 : vector<16xi1>, vector<16xi32>
      %broadcast_in_dim3A_755 = vector.shape_cast %select_n3A_754 : vector<16xi32> to vector<16x1xi32>
      %gather3A_756 = vector.shape_cast %broadcast_in_dim3A_755 : vector<16x1xi32> to vector<16xi32>
      %gather3A_757 = tpu.dynamic_gather %max3A_744[%gather3A_756] in [0] : vector<16xf32>, vector<16xi32> -> vector<16xf32>
      %max3A_758 = arith.maximumf %max3A_744, %gather3A_757 : vector<16xf32>
      %xor3A_759 = arith.constant 8 : i32
      %xor3A_760 = vector.broadcast %xor3A_759 : i32 to vector<16xi32>
      %xor3A_761 = arith.xori %iota3A, %xor3A_760 : vector<16xi32>
      %lt3A_762 = arith.constant 0 : i32
      %lt3A_763 = vector.broadcast %lt3A_762 : i32 to vector<16xi32>
      %lt3A_764 = arith.cmpi slt, %xor3A_761, %lt3A_763 : vector<16xi32>
      %add3A_765 = arith.constant 16 : i32
      %add3A_766 = vector.broadcast %add3A_765 : i32 to vector<16xi32>
      %add3A_767 = arith.addi %xor3A_761, %add3A_766 : vector<16xi32>
      %select_n3A_768 = arith.select %lt3A_764, %add3A_767, %xor3A_761 : vector<16xi1>, vector<16xi32>
      %broadcast_in_dim3A_769 = vector.shape_cast %select_n3A_768 : vector<16xi32> to vector<16x1xi32>
      %gather3A_770 = vector.shape_cast %broadcast_in_dim3A_769 : vector<16x1xi32> to vector<16xi32>
      %gather3A_771 = tpu.dynamic_gather %max3A_758[%gather3A_770] in [0] : vector<16xf32>, vector<16xi32> -> vector<16xf32>
      %max3A_772 = arith.maximumf %max3A_758, %gather3A_771 : vector<16xf32>
      %xor3A_773 = arith.constant 1 : i32
      %xor3A_774 = vector.broadcast %xor3A_773 : i32 to vector<16xi32>
      %xor3A_775 = arith.xori %iota3A, %xor3A_774 : vector<16xi32>
      %lt3A_776 = arith.constant 0 : i32
      %lt3A_777 = vector.broadcast %lt3A_776 : i32 to vector<16xi32>
      %lt3A_778 = arith.cmpi slt, %xor3A_775, %lt3A_777 : vector<16xi32>
      %add3A_779 = arith.constant 16 : i32
      %add3A_780 = vector.broadcast %add3A_779 : i32 to vector<16xi32>
      %add3A_781 = arith.addi %xor3A_775, %add3A_780 : vector<16xi32>
      %select_n3A_782 = arith.select %lt3A_778, %add3A_781, %xor3A_775 : vector<16xi1>, vector<16xi32>
      %broadcast_in_dim3A_783 = vector.shape_cast %select_n3A_782 : vector<16xi32> to vector<16x1xi32>
      %gather3A_784 = vector.shape_cast %broadcast_in_dim3A_783 : vector<16x1xi32> to vector<16xi32>
      %gather3A_785 = tpu.dynamic_gather %add3A_716[%gather3A_784] in [0] : vector<16xi32>, vector<16xi32> -> vector<16xi32>
      %add3A_786 = arith.addi %add3A_716, %gather3A_785 : vector<16xi32>
      %xor3A_787 = arith.constant 2 : i32
      %xor3A_788 = vector.broadcast %xor3A_787 : i32 to vector<16xi32>
      %xor3A_789 = arith.xori %iota3A, %xor3A_788 : vector<16xi32>
      %lt3A_790 = arith.constant 0 : i32
      %lt3A_791 = vector.broadcast %lt3A_790 : i32 to vector<16xi32>
      %lt3A_792 = arith.cmpi slt, %xor3A_789, %lt3A_791 : vector<16xi32>
      %add3A_793 = arith.constant 16 : i32
      %add3A_794 = vector.broadcast %add3A_793 : i32 to vector<16xi32>
      %add3A_795 = arith.addi %xor3A_789, %add3A_794 : vector<16xi32>
      %select_n3A_796 = arith.select %lt3A_792, %add3A_795, %xor3A_789 : vector<16xi1>, vector<16xi32>
      %broadcast_in_dim3A_797 = vector.shape_cast %select_n3A_796 : vector<16xi32> to vector<16x1xi32>
      %gather3A_798 = vector.shape_cast %broadcast_in_dim3A_797 : vector<16x1xi32> to vector<16xi32>
      %gather3A_799 = tpu.dynamic_gather %add3A_786[%gather3A_798] in [0] : vector<16xi32>, vector<16xi32> -> vector<16xi32>
      %add3A_800 = arith.addi %add3A_786, %gather3A_799 : vector<16xi32>
      %xor3A_801 = arith.constant 4 : i32
      %xor3A_802 = vector.broadcast %xor3A_801 : i32 to vector<16xi32>
      %xor3A_803 = arith.xori %iota3A, %xor3A_802 : vector<16xi32>
      %lt3A_804 = arith.constant 0 : i32
      %lt3A_805 = vector.broadcast %lt3A_804 : i32 to vector<16xi32>
      %lt3A_806 = arith.cmpi slt, %xor3A_803, %lt3A_805 : vector<16xi32>
      %add3A_807 = arith.constant 16 : i32
      %add3A_808 = vector.broadcast %add3A_807 : i32 to vector<16xi32>
      %add3A_809 = arith.addi %xor3A_803, %add3A_808 : vector<16xi32>
      %select_n3A_810 = arith.select %lt3A_806, %add3A_809, %xor3A_803 : vector<16xi1>, vector<16xi32>
      %broadcast_in_dim3A_811 = vector.shape_cast %select_n3A_810 : vector<16xi32> to vector<16x1xi32>
      %gather3A_812 = vector.shape_cast %broadcast_in_dim3A_811 : vector<16x1xi32> to vector<16xi32>
      %gather3A_813 = tpu.dynamic_gather %add3A_800[%gather3A_812] in [0] : vector<16xi32>, vector<16xi32> -> vector<16xi32>
      %add3A_814 = arith.addi %add3A_800, %gather3A_813 : vector<16xi32>
      %xor3A_815 = arith.constant 8 : i32
      %xor3A_816 = vector.broadcast %xor3A_815 : i32 to vector<16xi32>
      %xor3A_817 = arith.xori %iota3A, %xor3A_816 : vector<16xi32>
      %lt3A_818 = arith.constant 0 : i32
      %lt3A_819 = vector.broadcast %lt3A_818 : i32 to vector<16xi32>
      %lt3A_820 = arith.cmpi slt, %xor3A_817, %lt3A_819 : vector<16xi32>
      %add3A_821 = arith.constant 16 : i32
      %add3A_822 = vector.broadcast %add3A_821 : i32 to vector<16xi32>
      %add3A_823 = arith.addi %xor3A_817, %add3A_822 : vector<16xi32>
      %select_n3A_824 = arith.select %lt3A_820, %add3A_823, %xor3A_817 : vector<16xi1>, vector<16xi32>
      %broadcast_in_dim3A_825 = vector.shape_cast %select_n3A_824 : vector<16xi32> to vector<16x1xi32>
      %gather3A_826 = vector.shape_cast %broadcast_in_dim3A_825 : vector<16x1xi32> to vector<16xi32>
      %gather3A_827 = tpu.dynamic_gather %add3A_814[%gather3A_826] in [0] : vector<16xi32>, vector<16xi32> -> vector<16xi32>
      %add3A_828 = arith.addi %add3A_814, %gather3A_827 : vector<16xi32>
      %ge3A = arith.constant 2 : i32
      %ge3A_829 = vector.broadcast %ge3A : i32 to vector<16xi32>
      %ge3A_830 = arith.cmpi sge, %add3A_828, %ge3A_829 : vector<16xi32>
      %select_n3A_831 = arith.select %ge3A_830, %max3A_402, %max3A_772 : vector<16xi1>, vector<16xf32>
      %add3A_832 = arith.constant 0 : i32
      %add3A_833 = vector.broadcast %add3A_832 : i32 to vector<16xi32>
      %add3A_834 = arith.addi %add3A_619, %add3A_833 : vector<16xi32>
      %broadcast_in_dim3A_835 = arith.constant 0xFF800000 : f32
      %broadcast_in_dim3A_836 = vector.broadcast %broadcast_in_dim3A_835 : f32 to vector<16xf32>
      tpu.vector_store_idx %arg8[%add3A_834], %broadcast_in_dim3A_836 masked %eq3A_4 : memref<16384xf32, #tpu.memory_space<vmem>>[vector<16xi32>], vector<16xf32>, vector<16xi1>
      %add3A_837 = arith.constant 0 : i32
      %add3A_838 = vector.broadcast %add3A_837 : i32 to vector<16xi32>
      %add3A_839 = arith.addi %iota3A, %add3A_838 : vector<16xi32>
      %eq3A_840 = arith.cmpi eq, %add3A_839, %min3A_460 : vector<16xi32>
      %select_n3A_841 = arith.select %eq3A_840, %select_n3A_831, %scan3A_325 : vector<16xi1>, vector<16xf32>
      %add3A_842 = arith.constant 16 : i32
      %add3A_843 = vector.broadcast %add3A_842 : i32 to vector<16xi32>
      %add3A_844 = arith.addi %iota3A, %add3A_843 : vector<16xi32>
      %eq3A_845 = arith.cmpi eq, %add3A_844, %min3A_460 : vector<16xi32>
      %select_n3A_846 = arith.select %eq3A_845, %select_n3A_831, %scan3A_326 : vector<16xi1>, vector<16xf32>
      %add3A_847 = arith.constant 32 : i32
      %add3A_848 = vector.broadcast %add3A_847 : i32 to vector<16xi32>
      %add3A_849 = arith.addi %iota3A, %add3A_848 : vector<16xi32>
      %eq3A_850 = arith.cmpi eq, %add3A_849, %min3A_460 : vector<16xi32>
      %select_n3A_851 = arith.select %eq3A_850, %select_n3A_831, %scan3A_327 : vector<16xi1>, vector<16xf32>
      %add3A_852 = arith.constant 48 : i32
      %add3A_853 = vector.broadcast %add3A_852 : i32 to vector<16xi32>
      %add3A_854 = arith.addi %iota3A, %add3A_853 : vector<16xi32>
      %eq3A_855 = arith.cmpi eq, %add3A_854, %min3A_460 : vector<16xi32>
      %select_n3A_856 = arith.select %eq3A_855, %select_n3A_831, %scan3A_328 : vector<16xi1>, vector<16xf32>
      %gt3A_857 = arith.cmpf ogt, %scan3A_330, %scan3A_329 : vector<16xf32>
      %select_n3A_858 = arith.select %gt3A_857, %scan3A_330, %scan3A_329 : vector<16xi1>, vector<16xf32>
      %add3A_859 = arith.constant 16 : i32
      %add3A_860 = vector.broadcast %add3A_859 : i32 to vector<16xi32>
      %add3A_861 = arith.addi %iota3A, %add3A_860 : vector<16xi32>
      %select_n3A_862 = arith.select %gt3A_857, %add3A_861, %iota3A : vector<16xi1>, vector<16xi32>
      %gt3A_863 = arith.cmpf ogt, %scan3A_332, %scan3A_331 : vector<16xf32>
      %select_n3A_864 = arith.select %gt3A_863, %scan3A_332, %scan3A_331 : vector<16xi1>, vector<16xf32>
      %add3A_865 = arith.constant 48 : i32
      %add3A_866 = vector.broadcast %add3A_865 : i32 to vector<16xi32>
      %add3A_867 = arith.addi %iota3A, %add3A_866 : vector<16xi32>
      %add3A_868 = arith.constant 32 : i32
      %add3A_869 = vector.broadcast %add3A_868 : i32 to vector<16xi32>
      %add3A_870 = arith.addi %iota3A, %add3A_869 : vector<16xi32>
      %select_n3A_871 = arith.select %gt3A_863, %add3A_867, %add3A_870 : vector<16xi1>, vector<16xi32>
      %gt3A_872 = arith.cmpf ogt, %select_n3A_864, %select_n3A_858 : vector<16xf32>
      %select_n3A_873 = arith.select %gt3A_872, %select_n3A_864, %select_n3A_858 : vector<16xi1>, vector<16xf32>
      %select_n3A_874 = arith.select %gt3A_872, %select_n3A_871, %select_n3A_862 : vector<16xi1>, vector<16xi32>
      %xor3A_875 = arith.constant 1 : i32
      %xor3A_876 = vector.broadcast %xor3A_875 : i32 to vector<16xi32>
      %xor3A_877 = arith.xori %iota3A, %xor3A_876 : vector<16xi32>
      %lt3A_878 = arith.constant 0 : i32
      %lt3A_879 = vector.broadcast %lt3A_878 : i32 to vector<16xi32>
      %lt3A_880 = arith.cmpi slt, %xor3A_877, %lt3A_879 : vector<16xi32>
      %add3A_881 = arith.constant 16 : i32
      %add3A_882 = vector.broadcast %add3A_881 : i32 to vector<16xi32>
      %add3A_883 = arith.addi %xor3A_877, %add3A_882 : vector<16xi32>
      %select_n3A_884 = arith.select %lt3A_880, %add3A_883, %xor3A_877 : vector<16xi1>, vector<16xi32>
      %broadcast_in_dim3A_885 = vector.shape_cast %select_n3A_884 : vector<16xi32> to vector<16x1xi32>
      %gather3A_886 = vector.shape_cast %broadcast_in_dim3A_885 : vector<16x1xi32> to vector<16xi32>
      %gather3A_887 = tpu.dynamic_gather %select_n3A_873[%gather3A_886] in [0] : vector<16xf32>, vector<16xi32> -> vector<16xf32>
      %max3A_888 = arith.maximumf %select_n3A_873, %gather3A_887 : vector<16xf32>
      %xor3A_889 = arith.constant 2 : i32
      %xor3A_890 = vector.broadcast %xor3A_889 : i32 to vector<16xi32>
      %xor3A_891 = arith.xori %iota3A, %xor3A_890 : vector<16xi32>
      %lt3A_892 = arith.constant 0 : i32
      %lt3A_893 = vector.broadcast %lt3A_892 : i32 to vector<16xi32>
      %lt3A_894 = arith.cmpi slt, %xor3A_891, %lt3A_893 : vector<16xi32>
      %add3A_895 = arith.constant 16 : i32
      %add3A_896 = vector.broadcast %add3A_895 : i32 to vector<16xi32>
      %add3A_897 = arith.addi %xor3A_891, %add3A_896 : vector<16xi32>
      %select_n3A_898 = arith.select %lt3A_894, %add3A_897, %xor3A_891 : vector<16xi1>, vector<16xi32>
      %broadcast_in_dim3A_899 = vector.shape_cast %select_n3A_898 : vector<16xi32> to vector<16x1xi32>
      %gather3A_900 = vector.shape_cast %broadcast_in_dim3A_899 : vector<16x1xi32> to vector<16xi32>
      %gather3A_901 = tpu.dynamic_gather %max3A_888[%gather3A_900] in [0] : vector<16xf32>, vector<16xi32> -> vector<16xf32>
      %max3A_902 = arith.maximumf %max3A_888, %gather3A_901 : vector<16xf32>
      %xor3A_903 = arith.constant 4 : i32
      %xor3A_904 = vector.broadcast %xor3A_903 : i32 to vector<16xi32>
      %xor3A_905 = arith.xori %iota3A, %xor3A_904 : vector<16xi32>
      %lt3A_906 = arith.constant 0 : i32
      %lt3A_907 = vector.broadcast %lt3A_906 : i32 to vector<16xi32>
      %lt3A_908 = arith.cmpi slt, %xor3A_905, %lt3A_907 : vector<16xi32>
      %add3A_909 = arith.constant 16 : i32
      %add3A_910 = vector.broadcast %add3A_909 : i32 to vector<16xi32>
      %add3A_911 = arith.addi %xor3A_905, %add3A_910 : vector<16xi32>
      %select_n3A_912 = arith.select %lt3A_908, %add3A_911, %xor3A_905 : vector<16xi1>, vector<16xi32>
      %broadcast_in_dim3A_913 = vector.shape_cast %select_n3A_912 : vector<16xi32> to vector<16x1xi32>
      %gather3A_914 = vector.shape_cast %broadcast_in_dim3A_913 : vector<16x1xi32> to vector<16xi32>
      %gather3A_915 = tpu.dynamic_gather %max3A_902[%gather3A_914] in [0] : vector<16xf32>, vector<16xi32> -> vector<16xf32>
      %max3A_916 = arith.maximumf %max3A_902, %gather3A_915 : vector<16xf32>
      %xor3A_917 = arith.constant 8 : i32
      %xor3A_918 = vector.broadcast %xor3A_917 : i32 to vector<16xi32>
      %xor3A_919 = arith.xori %iota3A, %xor3A_918 : vector<16xi32>
      %lt3A_920 = arith.constant 0 : i32
      %lt3A_921 = vector.broadcast %lt3A_920 : i32 to vector<16xi32>
      %lt3A_922 = arith.cmpi slt, %xor3A_919, %lt3A_921 : vector<16xi32>
      %add3A_923 = arith.constant 16 : i32
      %add3A_924 = vector.broadcast %add3A_923 : i32 to vector<16xi32>
      %add3A_925 = arith.addi %xor3A_919, %add3A_924 : vector<16xi32>
      %select_n3A_926 = arith.select %lt3A_922, %add3A_925, %xor3A_919 : vector<16xi1>, vector<16xi32>
      %broadcast_in_dim3A_927 = vector.shape_cast %select_n3A_926 : vector<16xi32> to vector<16x1xi32>
      %gather3A_928 = vector.shape_cast %broadcast_in_dim3A_927 : vector<16x1xi32> to vector<16xi32>
      %gather3A_929 = tpu.dynamic_gather %max3A_916[%gather3A_928] in [0] : vector<16xf32>, vector<16xi32> -> vector<16xf32>
      %max3A_930 = arith.maximumf %max3A_916, %gather3A_929 : vector<16xf32>
      %eq3A_931 = arith.cmpf oeq, %select_n3A_873, %max3A_930 : vector<16xf32>
      %jit3A_932 = arith.constant 1048576 : i32
      %broadcast_in_dim3A_933 = vector.broadcast %jit3A_932 : i32 to vector<16xi32>
      %select_n3A_934 = arith.select %eq3A_931, %select_n3A_874, %broadcast_in_dim3A_933 : vector<16xi1>, vector<16xi32>
      %xor3A_935 = arith.constant 1 : i32
      %xor3A_936 = vector.broadcast %xor3A_935 : i32 to vector<16xi32>
      %xor3A_937 = arith.xori %iota3A, %xor3A_936 : vector<16xi32>
      %lt3A_938 = arith.constant 0 : i32
      %lt3A_939 = vector.broadcast %lt3A_938 : i32 to vector<16xi32>
      %lt3A_940 = arith.cmpi slt, %xor3A_937, %lt3A_939 : vector<16xi32>
      %add3A_941 = arith.constant 16 : i32
      %add3A_942 = vector.broadcast %add3A_941 : i32 to vector<16xi32>
      %add3A_943 = arith.addi %xor3A_937, %add3A_942 : vector<16xi32>
      %select_n3A_944 = arith.select %lt3A_940, %add3A_943, %xor3A_937 : vector<16xi1>, vector<16xi32>
      %broadcast_in_dim3A_945 = vector.shape_cast %select_n3A_944 : vector<16xi32> to vector<16x1xi32>
      %gather3A_946 = vector.shape_cast %broadcast_in_dim3A_945 : vector<16x1xi32> to vector<16xi32>
      %gather3A_947 = tpu.dynamic_gather %select_n3A_934[%gather3A_946] in [0] : vector<16xi32>, vector<16xi32> -> vector<16xi32>
      %min3A_948 = arith.minsi %select_n3A_934, %gather3A_947 : vector<16xi32>
      %xor3A_949 = arith.constant 2 : i32
      %xor3A_950 = vector.broadcast %xor3A_949 : i32 to vector<16xi32>
      %xor3A_951 = arith.xori %iota3A, %xor3A_950 : vector<16xi32>
      %lt3A_952 = arith.constant 0 : i32
      %lt3A_953 = vector.broadcast %lt3A_952 : i32 to vector<16xi32>
      %lt3A_954 = arith.cmpi slt, %xor3A_951, %lt3A_953 : vector<16xi32>
      %add3A_955 = arith.constant 16 : i32
      %add3A_956 = vector.broadcast %add3A_955 : i32 to vector<16xi32>
      %add3A_957 = arith.addi %xor3A_951, %add3A_956 : vector<16xi32>
      %select_n3A_958 = arith.select %lt3A_954, %add3A_957, %xor3A_951 : vector<16xi1>, vector<16xi32>
      %broadcast_in_dim3A_959 = vector.shape_cast %select_n3A_958 : vector<16xi32> to vector<16x1xi32>
      %gather3A_960 = vector.shape_cast %broadcast_in_dim3A_959 : vector<16x1xi32> to vector<16xi32>
      %gather3A_961 = tpu.dynamic_gather %min3A_948[%gather3A_960] in [0] : vector<16xi32>, vector<16xi32> -> vector<16xi32>
      %min3A_962 = arith.minsi %min3A_948, %gather3A_961 : vector<16xi32>
      %xor3A_963 = arith.constant 4 : i32
      %xor3A_964 = vector.broadcast %xor3A_963 : i32 to vector<16xi32>
      %xor3A_965 = arith.xori %iota3A, %xor3A_964 : vector<16xi32>
      %lt3A_966 = arith.constant 0 : i32
      %lt3A_967 = vector.broadcast %lt3A_966 : i32 to vector<16xi32>
      %lt3A_968 = arith.cmpi slt, %xor3A_965, %lt3A_967 : vector<16xi32>
      %add3A_969 = arith.constant 16 : i32
      %add3A_970 = vector.broadcast %add3A_969 : i32 to vector<16xi32>
      %add3A_971 = arith.addi %xor3A_965, %add3A_970 : vector<16xi32>
      %select_n3A_972 = arith.select %lt3A_968, %add3A_971, %xor3A_965 : vector<16xi1>, vector<16xi32>
      %broadcast_in_dim3A_973 = vector.shape_cast %select_n3A_972 : vector<16xi32> to vector<16x1xi32>
      %gather3A_974 = vector.shape_cast %broadcast_in_dim3A_973 : vector<16x1xi32> to vector<16xi32>
      %gather3A_975 = tpu.dynamic_gather %min3A_962[%gather3A_974] in [0] : vector<16xi32>, vector<16xi32> -> vector<16xi32>
      %min3A_976 = arith.minsi %min3A_962, %gather3A_975 : vector<16xi32>
      %xor3A_977 = arith.constant 8 : i32
      %xor3A_978 = vector.broadcast %xor3A_977 : i32 to vector<16xi32>
      %xor3A_979 = arith.xori %iota3A, %xor3A_978 : vector<16xi32>
      %lt3A_980 = arith.constant 0 : i32
      %lt3A_981 = vector.broadcast %lt3A_980 : i32 to vector<16xi32>
      %lt3A_982 = arith.cmpi slt, %xor3A_979, %lt3A_981 : vector<16xi32>
      %add3A_983 = arith.constant 16 : i32
      %add3A_984 = vector.broadcast %add3A_983 : i32 to vector<16xi32>
      %add3A_985 = arith.addi %xor3A_979, %add3A_984 : vector<16xi32>
      %select_n3A_986 = arith.select %lt3A_982, %add3A_985, %xor3A_979 : vector<16xi1>, vector<16xi32>
      %broadcast_in_dim3A_987 = vector.shape_cast %select_n3A_986 : vector<16xi32> to vector<16x1xi32>
      %gather3A_988 = vector.shape_cast %broadcast_in_dim3A_987 : vector<16x1xi32> to vector<16xi32>
      %gather3A_989 = tpu.dynamic_gather %min3A_976[%gather3A_988] in [0] : vector<16xi32>, vector<16xi32> -> vector<16xi32>
      %min3A_990 = arith.minsi %min3A_976, %gather3A_989 : vector<16xi32>
      %mul3A_991 = arith.constant 128 : i32
      %mul3A_992 = vector.broadcast %mul3A_991 : i32 to vector<16xi32>
      %mul3A_993 = arith.muli %min3A_990, %mul3A_992 : vector<16xi32>
      %add3A_994 = arith.constant 8192 : i32
      %add3A_995 = vector.broadcast %add3A_994 : i32 to vector<16xi32>
      %add3A_996 = arith.addi %add3A_995, %iota3A : vector<16xi32>
      %add3A_997 = arith.addi %mul3A_993, %add3A_996 : vector<16xi32>
      %add3A_998 = arith.constant 0 : i32
      %add3A_999 = vector.broadcast %add3A_998 : i32 to vector<16xi32>
      %add3A_1000 = arith.addi %add3A_997, %add3A_999 : vector<16xi32>
      %gather3A_1001 = tpu.vector_load_idx %arg8[%add3A_1000] : memref<16384xf32, #tpu.memory_space<vmem>>[vector<16xi32>], vector<16xf32>,
      %add3A_1002 = arith.constant 16 : i32
      %add3A_1003 = vector.broadcast %add3A_1002 : i32 to vector<16xi32>
      %add3A_1004 = arith.addi %add3A_997, %add3A_1003 : vector<16xi32>
      %gather3A_1005 = tpu.vector_load_idx %arg8[%add3A_1004] : memref<16384xf32, #tpu.memory_space<vmem>>[vector<16xi32>], vector<16xf32>,
      %add3A_1006 = arith.constant 32 : i32
      %add3A_1007 = vector.broadcast %add3A_1006 : i32 to vector<16xi32>
      %add3A_1008 = arith.addi %add3A_997, %add3A_1007 : vector<16xi32>
      %gather3A_1009 = tpu.vector_load_idx %arg8[%add3A_1008] : memref<16384xf32, #tpu.memory_space<vmem>>[vector<16xi32>], vector<16xf32>,
      %add3A_1010 = arith.constant 48 : i32
      %add3A_1011 = vector.broadcast %add3A_1010 : i32 to vector<16xi32>
      %add3A_1012 = arith.addi %add3A_997, %add3A_1011 : vector<16xi32>
      %gather3A_1013 = tpu.vector_load_idx %arg8[%add3A_1012] : memref<16384xf32, #tpu.memory_space<vmem>>[vector<16xi32>], vector<16xf32>,
      %add3A_1014 = arith.constant 64 : i32
      %add3A_1015 = vector.broadcast %add3A_1014 : i32 to vector<16xi32>
      %add3A_1016 = arith.addi %add3A_997, %add3A_1015 : vector<16xi32>
      %gather3A_1017 = tpu.vector_load_idx %arg8[%add3A_1016] : memref<16384xf32, #tpu.memory_space<vmem>>[vector<16xi32>], vector<16xf32>,
      %add3A_1018 = arith.constant 80 : i32
      %add3A_1019 = vector.broadcast %add3A_1018 : i32 to vector<16xi32>
      %add3A_1020 = arith.addi %add3A_997, %add3A_1019 : vector<16xi32>
      %gather3A_1021 = tpu.vector_load_idx %arg8[%add3A_1020] : memref<16384xf32, #tpu.memory_space<vmem>>[vector<16xi32>], vector<16xf32>,
      %add3A_1022 = arith.constant 96 : i32
      %add3A_1023 = vector.broadcast %add3A_1022 : i32 to vector<16xi32>
      %add3A_1024 = arith.addi %add3A_997, %add3A_1023 : vector<16xi32>
      %gather3A_1025 = tpu.vector_load_idx %arg8[%add3A_1024] : memref<16384xf32, #tpu.memory_space<vmem>>[vector<16xi32>], vector<16xf32>,
      %add3A_1026 = arith.constant 112 : i32
      %add3A_1027 = vector.broadcast %add3A_1026 : i32 to vector<16xi32>
      %add3A_1028 = arith.addi %add3A_997, %add3A_1027 : vector<16xi32>
      %gather3A_1029 = tpu.vector_load_idx %arg8[%add3A_1028] : memref<16384xf32, #tpu.memory_space<vmem>>[vector<16xi32>], vector<16xf32>,
      %eq3A_1030 = arith.cmpf oeq, %gather3A_1001, %max3A_930 : vector<16xf32>
      %jit3A_1031 = arith.constant 1048576 : i32
      %broadcast_in_dim3A_1032 = vector.broadcast %jit3A_1031 : i32 to vector<16xi32>
      %select_n3A_1033 = arith.select %eq3A_1030, %iota3A, %broadcast_in_dim3A_1032 : vector<16xi1>, vector<16xi32>
      %eq3A_1034 = arith.cmpf oeq, %gather3A_1005, %max3A_930 : vector<16xf32>
      %add3A_1035 = arith.constant 16 : i32
      %add3A_1036 = vector.broadcast %add3A_1035 : i32 to vector<16xi32>
      %add3A_1037 = arith.addi %iota3A, %add3A_1036 : vector<16xi32>
      %jit3A_1038 = arith.constant 1048576 : i32
      %broadcast_in_dim3A_1039 = vector.broadcast %jit3A_1038 : i32 to vector<16xi32>
      %select_n3A_1040 = arith.select %eq3A_1034, %add3A_1037, %broadcast_in_dim3A_1039 : vector<16xi1>, vector<16xi32>
      %min3A_1041 = arith.minsi %select_n3A_1033, %select_n3A_1040 : vector<16xi32>
      %eq3A_1042 = arith.cmpf oeq, %gather3A_1009, %max3A_930 : vector<16xf32>
      %add3A_1043 = arith.constant 32 : i32
      %add3A_1044 = vector.broadcast %add3A_1043 : i32 to vector<16xi32>
      %add3A_1045 = arith.addi %iota3A, %add3A_1044 : vector<16xi32>
      %jit3A_1046 = arith.constant 1048576 : i32
      %broadcast_in_dim3A_1047 = vector.broadcast %jit3A_1046 : i32 to vector<16xi32>
      %select_n3A_1048 = arith.select %eq3A_1042, %add3A_1045, %broadcast_in_dim3A_1047 : vector<16xi1>, vector<16xi32>
      %min3A_1049 = arith.minsi %min3A_1041, %select_n3A_1048 : vector<16xi32>
      %eq3A_1050 = arith.cmpf oeq, %gather3A_1013, %max3A_930 : vector<16xf32>
      %add3A_1051 = arith.constant 48 : i32
      %add3A_1052 = vector.broadcast %add3A_1051 : i32 to vector<16xi32>
      %add3A_1053 = arith.addi %iota3A, %add3A_1052 : vector<16xi32>
      %jit3A_1054 = arith.constant 1048576 : i32
      %broadcast_in_dim3A_1055 = vector.broadcast %jit3A_1054 : i32 to vector<16xi32>
      %select_n3A_1056 = arith.select %eq3A_1050, %add3A_1053, %broadcast_in_dim3A_1055 : vector<16xi1>, vector<16xi32>
      %min3A_1057 = arith.minsi %min3A_1049, %select_n3A_1056 : vector<16xi32>
      %eq3A_1058 = arith.cmpf oeq, %gather3A_1017, %max3A_930 : vector<16xf32>
      %add3A_1059 = arith.constant 64 : i32
      %add3A_1060 = vector.broadcast %add3A_1059 : i32 to vector<16xi32>
      %add3A_1061 = arith.addi %iota3A, %add3A_1060 : vector<16xi32>
      %jit3A_1062 = arith.constant 1048576 : i32
      %broadcast_in_dim3A_1063 = vector.broadcast %jit3A_1062 : i32 to vector<16xi32>
      %select_n3A_1064 = arith.select %eq3A_1058, %add3A_1061, %broadcast_in_dim3A_1063 : vector<16xi1>, vector<16xi32>
      %min3A_1065 = arith.minsi %min3A_1057, %select_n3A_1064 : vector<16xi32>
      %eq3A_1066 = arith.cmpf oeq, %gather3A_1021, %max3A_930 : vector<16xf32>
      %add3A_1067 = arith.constant 80 : i32
      %add3A_1068 = vector.broadcast %add3A_1067 : i32 to vector<16xi32>
      %add3A_1069 = arith.addi %iota3A, %add3A_1068 : vector<16xi32>
      %jit3A_1070 = arith.constant 1048576 : i32
      %broadcast_in_dim3A_1071 = vector.broadcast %jit3A_1070 : i32 to vector<16xi32>
      %select_n3A_1072 = arith.select %eq3A_1066, %add3A_1069, %broadcast_in_dim3A_1071 : vector<16xi1>, vector<16xi32>
      %min3A_1073 = arith.minsi %min3A_1065, %select_n3A_1072 : vector<16xi32>
      %eq3A_1074 = arith.cmpf oeq, %gather3A_1025, %max3A_930 : vector<16xf32>
      %add3A_1075 = arith.constant 96 : i32
      %add3A_1076 = vector.broadcast %add3A_1075 : i32 to vector<16xi32>
      %add3A_1077 = arith.addi %iota3A, %add3A_1076 : vector<16xi32>
      %jit3A_1078 = arith.constant 1048576 : i32
      %broadcast_in_dim3A_1079 = vector.broadcast %jit3A_1078 : i32 to vector<16xi32>
      %select_n3A_1080 = arith.select %eq3A_1074, %add3A_1077, %broadcast_in_dim3A_1079 : vector<16xi1>, vector<16xi32>
      %min3A_1081 = arith.minsi %min3A_1073, %select_n3A_1080 : vector<16xi32>
      %eq3A_1082 = arith.cmpf oeq, %gather3A_1029, %max3A_930 : vector<16xf32>
      %add3A_1083 = arith.constant 112 : i32
      %add3A_1084 = vector.broadcast %add3A_1083 : i32 to vector<16xi32>
      %add3A_1085 = arith.addi %iota3A, %add3A_1084 : vector<16xi32>
      %jit3A_1086 = arith.constant 1048576 : i32
      %broadcast_in_dim3A_1087 = vector.broadcast %jit3A_1086 : i32 to vector<16xi32>
      %select_n3A_1088 = arith.select %eq3A_1082, %add3A_1085, %broadcast_in_dim3A_1087 : vector<16xi1>, vector<16xi32>
      %min3A_1089 = arith.minsi %min3A_1081, %select_n3A_1088 : vector<16xi32>
      %xor3A_1090 = arith.constant 1 : i32
      %xor3A_1091 = vector.broadcast %xor3A_1090 : i32 to vector<16xi32>
      %xor3A_1092 = arith.xori %iota3A, %xor3A_1091 : vector<16xi32>
      %lt3A_1093 = arith.constant 0 : i32
      %lt3A_1094 = vector.broadcast %lt3A_1093 : i32 to vector<16xi32>
      %lt3A_1095 = arith.cmpi slt, %xor3A_1092, %lt3A_1094 : vector<16xi32>
      %add3A_1096 = arith.constant 16 : i32
      %add3A_1097 = vector.broadcast %add3A_1096 : i32 to vector<16xi32>
      %add3A_1098 = arith.addi %xor3A_1092, %add3A_1097 : vector<16xi32>
      %select_n3A_1099 = arith.select %lt3A_1095, %add3A_1098, %xor3A_1092 : vector<16xi1>, vector<16xi32>
      %broadcast_in_dim3A_1100 = vector.shape_cast %select_n3A_1099 : vector<16xi32> to vector<16x1xi32>
      %gather3A_1101 = vector.shape_cast %broadcast_in_dim3A_1100 : vector<16x1xi32> to vector<16xi32>
      %gather3A_1102 = tpu.dynamic_gather %min3A_1089[%gather3A_1101] in [0] : vector<16xi32>, vector<16xi32> -> vector<16xi32>
      %min3A_1103 = arith.minsi %min3A_1089, %gather3A_1102 : vector<16xi32>
      %xor3A_1104 = arith.constant 2 : i32
      %xor3A_1105 = vector.broadcast %xor3A_1104 : i32 to vector<16xi32>
      %xor3A_1106 = arith.xori %iota3A, %xor3A_1105 : vector<16xi32>
      %lt3A_1107 = arith.constant 0 : i32
      %lt3A_1108 = vector.broadcast %lt3A_1107 : i32 to vector<16xi32>
      %lt3A_1109 = arith.cmpi slt, %xor3A_1106, %lt3A_1108 : vector<16xi32>
      %add3A_1110 = arith.constant 16 : i32
      %add3A_1111 = vector.broadcast %add3A_1110 : i32 to vector<16xi32>
      %add3A_1112 = arith.addi %xor3A_1106, %add3A_1111 : vector<16xi32>
      %select_n3A_1113 = arith.select %lt3A_1109, %add3A_1112, %xor3A_1106 : vector<16xi1>, vector<16xi32>
      %broadcast_in_dim3A_1114 = vector.shape_cast %select_n3A_1113 : vector<16xi32> to vector<16x1xi32>
      %gather3A_1115 = vector.shape_cast %broadcast_in_dim3A_1114 : vector<16x1xi32> to vector<16xi32>
      %gather3A_1116 = tpu.dynamic_gather %min3A_1103[%gather3A_1115] in [0] : vector<16xi32>, vector<16xi32> -> vector<16xi32>
      %min3A_1117 = arith.minsi %min3A_1103, %gather3A_1116 : vector<16xi32>
      %xor3A_1118 = arith.constant 4 : i32
      %xor3A_1119 = vector.broadcast %xor3A_1118 : i32 to vector<16xi32>
      %xor3A_1120 = arith.xori %iota3A, %xor3A_1119 : vector<16xi32>
      %lt3A_1121 = arith.constant 0 : i32
      %lt3A_1122 = vector.broadcast %lt3A_1121 : i32 to vector<16xi32>
      %lt3A_1123 = arith.cmpi slt, %xor3A_1120, %lt3A_1122 : vector<16xi32>
      %add3A_1124 = arith.constant 16 : i32
      %add3A_1125 = vector.broadcast %add3A_1124 : i32 to vector<16xi32>
      %add3A_1126 = arith.addi %xor3A_1120, %add3A_1125 : vector<16xi32>
      %select_n3A_1127 = arith.select %lt3A_1123, %add3A_1126, %xor3A_1120 : vector<16xi1>, vector<16xi32>
      %broadcast_in_dim3A_1128 = vector.shape_cast %select_n3A_1127 : vector<16xi32> to vector<16x1xi32>
      %gather3A_1129 = vector.shape_cast %broadcast_in_dim3A_1128 : vector<16x1xi32> to vector<16xi32>
      %gather3A_1130 = tpu.dynamic_gather %min3A_1117[%gather3A_1129] in [0] : vector<16xi32>, vector<16xi32> -> vector<16xi32>
      %min3A_1131 = arith.minsi %min3A_1117, %gather3A_1130 : vector<16xi32>
      %xor3A_1132 = arith.constant 8 : i32
      %xor3A_1133 = vector.broadcast %xor3A_1132 : i32 to vector<16xi32>
      %xor3A_1134 = arith.xori %iota3A, %xor3A_1133 : vector<16xi32>
      %lt3A_1135 = arith.constant 0 : i32
      %lt3A_1136 = vector.broadcast %lt3A_1135 : i32 to vector<16xi32>
      %lt3A_1137 = arith.cmpi slt, %xor3A_1134, %lt3A_1136 : vector<16xi32>
      %add3A_1138 = arith.constant 16 : i32
      %add3A_1139 = vector.broadcast %add3A_1138 : i32 to vector<16xi32>
      %add3A_1140 = arith.addi %xor3A_1134, %add3A_1139 : vector<16xi32>
      %select_n3A_1141 = arith.select %lt3A_1137, %add3A_1140, %xor3A_1134 : vector<16xi1>, vector<16xi32>
      %broadcast_in_dim3A_1142 = vector.shape_cast %select_n3A_1141 : vector<16xi32> to vector<16x1xi32>
      %gather3A_1143 = vector.shape_cast %broadcast_in_dim3A_1142 : vector<16x1xi32> to vector<16xi32>
      %gather3A_1144 = tpu.dynamic_gather %min3A_1131[%gather3A_1143] in [0] : vector<16xi32>, vector<16xi32> -> vector<16xi32>
      %min3A_1145 = arith.minsi %min3A_1131, %gather3A_1144 : vector<16xi32>
      %mul3A_1146 = arith.constant 128 : i32
      %mul3A_1147 = vector.broadcast %mul3A_1146 : i32 to vector<16xi32>
      %mul3A_1148 = arith.muli %min3A_990, %mul3A_1147 : vector<16xi32>
      %add3A_1149 = arith.addi %mul3A_1148, %min3A_1145 : vector<16xi32>
      tpu.vector_store_idx %arg11[%broadcast_in_dim3A_333], %max3A_930 masked %eq3A_4 : memref<64xf32, #tpu.memory_space<vmem>>[vector<16xi32>], vector<16xf32>, vector<16xi1>
      %add3A_1150 = arith.constant 64 : i32
      %add3A_1151 = vector.broadcast %add3A_1150 : i32 to vector<16xi32>
      %add3A_1152 = arith.addi %broadcast_in_dim3A_333, %add3A_1151 : vector<16xi32>
      tpu.vector_store_idx %arg14[%add3A_1152], %add3A_1149 masked %eq3A_4 : memref<128xi32, #tpu.memory_space<vmem>>[vector<16xi32>], vector<16xi32>, vector<16xi1>
      %eq3A_1153 = arith.cmpf oeq, %gather3A_1001, %max3A_930 : vector<16xf32>
      %jit3A_1154 = arith.constant 0xFF800000 : f32
      %broadcast_in_dim3A_1155 = vector.broadcast %jit3A_1154 : f32 to vector<16xf32>
      %select_n3A_1156 = arith.select %eq3A_1153, %broadcast_in_dim3A_1155, %gather3A_1001 : vector<16xi1>, vector<16xf32>
      %eq3A_1157 = arith.cmpf oeq, %gather3A_1001, %max3A_930 : vector<16xf32>
      %jit3A_1158 = arith.constant 1 : i32
      %jit3A_1159 = arith.constant 0 : i32
      %broadcast_in_dim3A_1160 = vector.broadcast %jit3A_1158 : i32 to vector<16xi32>
      %broadcast_in_dim3A_1161 = vector.broadcast %jit3A_1159 : i32 to vector<16xi32>
      %select_n3A_1162 = arith.select %eq3A_1157, %broadcast_in_dim3A_1160, %broadcast_in_dim3A_1161 : vector<16xi1>, vector<16xi32>
      %eq3A_1163 = arith.cmpf oeq, %gather3A_1005, %max3A_930 : vector<16xf32>
      %jit3A_1164 = arith.constant 0xFF800000 : f32
      %broadcast_in_dim3A_1165 = vector.broadcast %jit3A_1164 : f32 to vector<16xf32>
      %select_n3A_1166 = arith.select %eq3A_1163, %broadcast_in_dim3A_1165, %gather3A_1005 : vector<16xi1>, vector<16xf32>
      %max3A_1167 = arith.maximumf %select_n3A_1156, %select_n3A_1166 : vector<16xf32>
      %eq3A_1168 = arith.cmpf oeq, %gather3A_1005, %max3A_930 : vector<16xf32>
      %jit3A_1169 = arith.constant 1 : i32
      %jit3A_1170 = arith.constant 0 : i32
      %broadcast_in_dim3A_1171 = vector.broadcast %jit3A_1169 : i32 to vector<16xi32>
      %broadcast_in_dim3A_1172 = vector.broadcast %jit3A_1170 : i32 to vector<16xi32>
      %select_n3A_1173 = arith.select %eq3A_1168, %broadcast_in_dim3A_1171, %broadcast_in_dim3A_1172 : vector<16xi1>, vector<16xi32>
      %add3A_1174 = arith.addi %select_n3A_1162, %select_n3A_1173 : vector<16xi32>
      %eq3A_1175 = arith.cmpf oeq, %gather3A_1009, %max3A_930 : vector<16xf32>
      %jit3A_1176 = arith.constant 0xFF800000 : f32
      %broadcast_in_dim3A_1177 = vector.broadcast %jit3A_1176 : f32 to vector<16xf32>
      %select_n3A_1178 = arith.select %eq3A_1175, %broadcast_in_dim3A_1177, %gather3A_1009 : vector<16xi1>, vector<16xf32>
      %max3A_1179 = arith.maximumf %max3A_1167, %select_n3A_1178 : vector<16xf32>
      %eq3A_1180 = arith.cmpf oeq, %gather3A_1009, %max3A_930 : vector<16xf32>
      %jit3A_1181 = arith.constant 1 : i32
      %jit3A_1182 = arith.constant 0 : i32
      %broadcast_in_dim3A_1183 = vector.broadcast %jit3A_1181 : i32 to vector<16xi32>
      %broadcast_in_dim3A_1184 = vector.broadcast %jit3A_1182 : i32 to vector<16xi32>
      %select_n3A_1185 = arith.select %eq3A_1180, %broadcast_in_dim3A_1183, %broadcast_in_dim3A_1184 : vector<16xi1>, vector<16xi32>
      %add3A_1186 = arith.addi %add3A_1174, %select_n3A_1185 : vector<16xi32>
      %eq3A_1187 = arith.cmpf oeq, %gather3A_1013, %max3A_930 : vector<16xf32>
      %jit3A_1188 = arith.constant 0xFF800000 : f32
      %broadcast_in_dim3A_1189 = vector.broadcast %jit3A_1188 : f32 to vector<16xf32>
      %select_n3A_1190 = arith.select %eq3A_1187, %broadcast_in_dim3A_1189, %gather3A_1013 : vector<16xi1>, vector<16xf32>
      %max3A_1191 = arith.maximumf %max3A_1179, %select_n3A_1190 : vector<16xf32>
      %eq3A_1192 = arith.cmpf oeq, %gather3A_1013, %max3A_930 : vector<16xf32>
      %jit3A_1193 = arith.constant 1 : i32
      %jit3A_1194 = arith.constant 0 : i32
      %broadcast_in_dim3A_1195 = vector.broadcast %jit3A_1193 : i32 to vector<16xi32>
      %broadcast_in_dim3A_1196 = vector.broadcast %jit3A_1194 : i32 to vector<16xi32>
      %select_n3A_1197 = arith.select %eq3A_1192, %broadcast_in_dim3A_1195, %broadcast_in_dim3A_1196 : vector<16xi1>, vector<16xi32>
      %add3A_1198 = arith.addi %add3A_1186, %select_n3A_1197 : vector<16xi32>
      %eq3A_1199 = arith.cmpf oeq, %gather3A_1017, %max3A_930 : vector<16xf32>
      %jit3A_1200 = arith.constant 0xFF800000 : f32
      %broadcast_in_dim3A_1201 = vector.broadcast %jit3A_1200 : f32 to vector<16xf32>
      %select_n3A_1202 = arith.select %eq3A_1199, %broadcast_in_dim3A_1201, %gather3A_1017 : vector<16xi1>, vector<16xf32>
      %max3A_1203 = arith.maximumf %max3A_1191, %select_n3A_1202 : vector<16xf32>
      %eq3A_1204 = arith.cmpf oeq, %gather3A_1017, %max3A_930 : vector<16xf32>
      %jit3A_1205 = arith.constant 1 : i32
      %jit3A_1206 = arith.constant 0 : i32
      %broadcast_in_dim3A_1207 = vector.broadcast %jit3A_1205 : i32 to vector<16xi32>
      %broadcast_in_dim3A_1208 = vector.broadcast %jit3A_1206 : i32 to vector<16xi32>
      %select_n3A_1209 = arith.select %eq3A_1204, %broadcast_in_dim3A_1207, %broadcast_in_dim3A_1208 : vector<16xi1>, vector<16xi32>
      %add3A_1210 = arith.addi %add3A_1198, %select_n3A_1209 : vector<16xi32>
      %eq3A_1211 = arith.cmpf oeq, %gather3A_1021, %max3A_930 : vector<16xf32>
      %jit3A_1212 = arith.constant 0xFF800000 : f32
      %broadcast_in_dim3A_1213 = vector.broadcast %jit3A_1212 : f32 to vector<16xf32>
      %select_n3A_1214 = arith.select %eq3A_1211, %broadcast_in_dim3A_1213, %gather3A_1021 : vector<16xi1>, vector<16xf32>
      %max3A_1215 = arith.maximumf %max3A_1203, %select_n3A_1214 : vector<16xf32>
      %eq3A_1216 = arith.cmpf oeq, %gather3A_1021, %max3A_930 : vector<16xf32>
      %jit3A_1217 = arith.constant 1 : i32
      %jit3A_1218 = arith.constant 0 : i32
      %broadcast_in_dim3A_1219 = vector.broadcast %jit3A_1217 : i32 to vector<16xi32>
      %broadcast_in_dim3A_1220 = vector.broadcast %jit3A_1218 : i32 to vector<16xi32>
      %select_n3A_1221 = arith.select %eq3A_1216, %broadcast_in_dim3A_1219, %broadcast_in_dim3A_1220 : vector<16xi1>, vector<16xi32>
      %add3A_1222 = arith.addi %add3A_1210, %select_n3A_1221 : vector<16xi32>
      %eq3A_1223 = arith.cmpf oeq, %gather3A_1025, %max3A_930 : vector<16xf32>
      %jit3A_1224 = arith.constant 0xFF800000 : f32
      %broadcast_in_dim3A_1225 = vector.broadcast %jit3A_1224 : f32 to vector<16xf32>
      %select_n3A_1226 = arith.select %eq3A_1223, %broadcast_in_dim3A_1225, %gather3A_1025 : vector<16xi1>, vector<16xf32>
      %max3A_1227 = arith.maximumf %max3A_1215, %select_n3A_1226 : vector<16xf32>
      %eq3A_1228 = arith.cmpf oeq, %gather3A_1025, %max3A_930 : vector<16xf32>
      %jit3A_1229 = arith.constant 1 : i32
      %jit3A_1230 = arith.constant 0 : i32
      %broadcast_in_dim3A_1231 = vector.broadcast %jit3A_1229 : i32 to vector<16xi32>
      %broadcast_in_dim3A_1232 = vector.broadcast %jit3A_1230 : i32 to vector<16xi32>
      %select_n3A_1233 = arith.select %eq3A_1228, %broadcast_in_dim3A_1231, %broadcast_in_dim3A_1232 : vector<16xi1>, vector<16xi32>
      %add3A_1234 = arith.addi %add3A_1222, %select_n3A_1233 : vector<16xi32>
      %eq3A_1235 = arith.cmpf oeq, %gather3A_1029, %max3A_930 : vector<16xf32>
      %jit3A_1236 = arith.constant 0xFF800000 : f32
      %broadcast_in_dim3A_1237 = vector.broadcast %jit3A_1236 : f32 to vector<16xf32>
      %select_n3A_1238 = arith.select %eq3A_1235, %broadcast_in_dim3A_1237, %gather3A_1029 : vector<16xi1>, vector<16xf32>
      %max3A_1239 = arith.maximumf %max3A_1227, %select_n3A_1238 : vector<16xf32>
      %eq3A_1240 = arith.cmpf oeq, %gather3A_1029, %max3A_930 : vector<16xf32>
      %jit3A_1241 = arith.constant 1 : i32
      %jit3A_1242 = arith.constant 0 : i32
      %broadcast_in_dim3A_1243 = vector.broadcast %jit3A_1241 : i32 to vector<16xi32>
      %broadcast_in_dim3A_1244 = vector.broadcast %jit3A_1242 : i32 to vector<16xi32>
      %select_n3A_1245 = arith.select %eq3A_1240, %broadcast_in_dim3A_1243, %broadcast_in_dim3A_1244 : vector<16xi1>, vector<16xi32>
      %add3A_1246 = arith.addi %add3A_1234, %select_n3A_1245 : vector<16xi32>
      %xor3A_1247 = arith.constant 1 : i32
      %xor3A_1248 = vector.broadcast %xor3A_1247 : i32 to vector<16xi32>
      %xor3A_1249 = arith.xori %iota3A, %xor3A_1248 : vector<16xi32>
      %lt3A_1250 = arith.constant 0 : i32
      %lt3A_1251 = vector.broadcast %lt3A_1250 : i32 to vector<16xi32>
      %lt3A_1252 = arith.cmpi slt, %xor3A_1249, %lt3A_1251 : vector<16xi32>
      %add3A_1253 = arith.constant 16 : i32
      %add3A_1254 = vector.broadcast %add3A_1253 : i32 to vector<16xi32>
      %add3A_1255 = arith.addi %xor3A_1249, %add3A_1254 : vector<16xi32>
      %select_n3A_1256 = arith.select %lt3A_1252, %add3A_1255, %xor3A_1249 : vector<16xi1>, vector<16xi32>
      %broadcast_in_dim3A_1257 = vector.shape_cast %select_n3A_1256 : vector<16xi32> to vector<16x1xi32>
      %gather3A_1258 = vector.shape_cast %broadcast_in_dim3A_1257 : vector<16x1xi32> to vector<16xi32>
      %gather3A_1259 = tpu.dynamic_gather %max3A_1239[%gather3A_1258] in [0] : vector<16xf32>, vector<16xi32> -> vector<16xf32>
      %max3A_1260 = arith.maximumf %max3A_1239, %gather3A_1259 : vector<16xf32>
      %xor3A_1261 = arith.constant 2 : i32
      %xor3A_1262 = vector.broadcast %xor3A_1261 : i32 to vector<16xi32>
      %xor3A_1263 = arith.xori %iota3A, %xor3A_1262 : vector<16xi32>
      %lt3A_1264 = arith.constant 0 : i32
      %lt3A_1265 = vector.broadcast %lt3A_1264 : i32 to vector<16xi32>
      %lt3A_1266 = arith.cmpi slt, %xor3A_1263, %lt3A_1265 : vector<16xi32>
      %add3A_1267 = arith.constant 16 : i32
      %add3A_1268 = vector.broadcast %add3A_1267 : i32 to vector<16xi32>
      %add3A_1269 = arith.addi %xor3A_1263, %add3A_1268 : vector<16xi32>
      %select_n3A_1270 = arith.select %lt3A_1266, %add3A_1269, %xor3A_1263 : vector<16xi1>, vector<16xi32>
      %broadcast_in_dim3A_1271 = vector.shape_cast %select_n3A_1270 : vector<16xi32> to vector<16x1xi32>
      %gather3A_1272 = vector.shape_cast %broadcast_in_dim3A_1271 : vector<16x1xi32> to vector<16xi32>
      %gather3A_1273 = tpu.dynamic_gather %max3A_1260[%gather3A_1272] in [0] : vector<16xf32>, vector<16xi32> -> vector<16xf32>
      %max3A_1274 = arith.maximumf %max3A_1260, %gather3A_1273 : vector<16xf32>
      %xor3A_1275 = arith.constant 4 : i32
      %xor3A_1276 = vector.broadcast %xor3A_1275 : i32 to vector<16xi32>
      %xor3A_1277 = arith.xori %iota3A, %xor3A_1276 : vector<16xi32>
      %lt3A_1278 = arith.constant 0 : i32
      %lt3A_1279 = vector.broadcast %lt3A_1278 : i32 to vector<16xi32>
      %lt3A_1280 = arith.cmpi slt, %xor3A_1277, %lt3A_1279 : vector<16xi32>
      %add3A_1281 = arith.constant 16 : i32
      %add3A_1282 = vector.broadcast %add3A_1281 : i32 to vector<16xi32>
      %add3A_1283 = arith.addi %xor3A_1277, %add3A_1282 : vector<16xi32>
      %select_n3A_1284 = arith.select %lt3A_1280, %add3A_1283, %xor3A_1277 : vector<16xi1>, vector<16xi32>
      %broadcast_in_dim3A_1285 = vector.shape_cast %select_n3A_1284 : vector<16xi32> to vector<16x1xi32>
      %gather3A_1286 = vector.shape_cast %broadcast_in_dim3A_1285 : vector<16x1xi32> to vector<16xi32>
      %gather3A_1287 = tpu.dynamic_gather %max3A_1274[%gather3A_1286] in [0] : vector<16xf32>, vector<16xi32> -> vector<16xf32>
      %max3A_1288 = arith.maximumf %max3A_1274, %gather3A_1287 : vector<16xf32>
      %xor3A_1289 = arith.constant 8 : i32
      %xor3A_1290 = vector.broadcast %xor3A_1289 : i32 to vector<16xi32>
      %xor3A_1291 = arith.xori %iota3A, %xor3A_1290 : vector<16xi32>
      %lt3A_1292 = arith.constant 0 : i32
      %lt3A_1293 = vector.broadcast %lt3A_1292 : i32 to vector<16xi32>
      %lt3A_1294 = arith.cmpi slt, %xor3A_1291, %lt3A_1293 : vector<16xi32>
      %add3A_1295 = arith.constant 16 : i32
      %add3A_1296 = vector.broadcast %add3A_1295 : i32 to vector<16xi32>
      %add3A_1297 = arith.addi %xor3A_1291, %add3A_1296 : vector<16xi32>
      %select_n3A_1298 = arith.select %lt3A_1294, %add3A_1297, %xor3A_1291 : vector<16xi1>, vector<16xi32>
      %broadcast_in_dim3A_1299 = vector.shape_cast %select_n3A_1298 : vector<16xi32> to vector<16x1xi32>
      %gather3A_1300 = vector.shape_cast %broadcast_in_dim3A_1299 : vector<16x1xi32> to vector<16xi32>
      %gather3A_1301 = tpu.dynamic_gather %max3A_1288[%gather3A_1300] in [0] : vector<16xf32>, vector<16xi32> -> vector<16xf32>
      %max3A_1302 = arith.maximumf %max3A_1288, %gather3A_1301 : vector<16xf32>
      %xor3A_1303 = arith.constant 1 : i32
      %xor3A_1304 = vector.broadcast %xor3A_1303 : i32 to vector<16xi32>
      %xor3A_1305 = arith.xori %iota3A, %xor3A_1304 : vector<16xi32>
      %lt3A_1306 = arith.constant 0 : i32
      %lt3A_1307 = vector.broadcast %lt3A_1306 : i32 to vector<16xi32>
      %lt3A_1308 = arith.cmpi slt, %xor3A_1305, %lt3A_1307 : vector<16xi32>
      %add3A_1309 = arith.constant 16 : i32
      %add3A_1310 = vector.broadcast %add3A_1309 : i32 to vector<16xi32>
      %add3A_1311 = arith.addi %xor3A_1305, %add3A_1310 : vector<16xi32>
      %select_n3A_1312 = arith.select %lt3A_1308, %add3A_1311, %xor3A_1305 : vector<16xi1>, vector<16xi32>
      %broadcast_in_dim3A_1313 = vector.shape_cast %select_n3A_1312 : vector<16xi32> to vector<16x1xi32>
      %gather3A_1314 = vector.shape_cast %broadcast_in_dim3A_1313 : vector<16x1xi32> to vector<16xi32>
      %gather3A_1315 = tpu.dynamic_gather %add3A_1246[%gather3A_1314] in [0] : vector<16xi32>, vector<16xi32> -> vector<16xi32>
      %add3A_1316 = arith.addi %add3A_1246, %gather3A_1315 : vector<16xi32>
      %xor3A_1317 = arith.constant 2 : i32
      %xor3A_1318 = vector.broadcast %xor3A_1317 : i32 to vector<16xi32>
      %xor3A_1319 = arith.xori %iota3A, %xor3A_1318 : vector<16xi32>
      %lt3A_1320 = arith.constant 0 : i32
      %lt3A_1321 = vector.broadcast %lt3A_1320 : i32 to vector<16xi32>
      %lt3A_1322 = arith.cmpi slt, %xor3A_1319, %lt3A_1321 : vector<16xi32>
      %add3A_1323 = arith.constant 16 : i32
      %add3A_1324 = vector.broadcast %add3A_1323 : i32 to vector<16xi32>
      %add3A_1325 = arith.addi %xor3A_1319, %add3A_1324 : vector<16xi32>
      %select_n3A_1326 = arith.select %lt3A_1322, %add3A_1325, %xor3A_1319 : vector<16xi1>, vector<16xi32>
      %broadcast_in_dim3A_1327 = vector.shape_cast %select_n3A_1326 : vector<16xi32> to vector<16x1xi32>
      %gather3A_1328 = vector.shape_cast %broadcast_in_dim3A_1327 : vector<16x1xi32> to vector<16xi32>
      %gather3A_1329 = tpu.dynamic_gather %add3A_1316[%gather3A_1328] in [0] : vector<16xi32>, vector<16xi32> -> vector<16xi32>
      %add3A_1330 = arith.addi %add3A_1316, %gather3A_1329 : vector<16xi32>
      %xor3A_1331 = arith.constant 4 : i32
      %xor3A_1332 = vector.broadcast %xor3A_1331 : i32 to vector<16xi32>
      %xor3A_1333 = arith.xori %iota3A, %xor3A_1332 : vector<16xi32>
      %lt3A_1334 = arith.constant 0 : i32
      %lt3A_1335 = vector.broadcast %lt3A_1334 : i32 to vector<16xi32>
      %lt3A_1336 = arith.cmpi slt, %xor3A_1333, %lt3A_1335 : vector<16xi32>
      %add3A_1337 = arith.constant 16 : i32
      %add3A_1338 = vector.broadcast %add3A_1337 : i32 to vector<16xi32>
      %add3A_1339 = arith.addi %xor3A_1333, %add3A_1338 : vector<16xi32>
      %select_n3A_1340 = arith.select %lt3A_1336, %add3A_1339, %xor3A_1333 : vector<16xi1>, vector<16xi32>
      %broadcast_in_dim3A_1341 = vector.shape_cast %select_n3A_1340 : vector<16xi32> to vector<16x1xi32>
      %gather3A_1342 = vector.shape_cast %broadcast_in_dim3A_1341 : vector<16x1xi32> to vector<16xi32>
      %gather3A_1343 = tpu.dynamic_gather %add3A_1330[%gather3A_1342] in [0] : vector<16xi32>, vector<16xi32> -> vector<16xi32>
      %add3A_1344 = arith.addi %add3A_1330, %gather3A_1343 : vector<16xi32>
      %xor3A_1345 = arith.constant 8 : i32
      %xor3A_1346 = vector.broadcast %xor3A_1345 : i32 to vector<16xi32>
      %xor3A_1347 = arith.xori %iota3A, %xor3A_1346 : vector<16xi32>
      %lt3A_1348 = arith.constant 0 : i32
      %lt3A_1349 = vector.broadcast %lt3A_1348 : i32 to vector<16xi32>
      %lt3A_1350 = arith.cmpi slt, %xor3A_1347, %lt3A_1349 : vector<16xi32>
      %add3A_1351 = arith.constant 16 : i32
      %add3A_1352 = vector.broadcast %add3A_1351 : i32 to vector<16xi32>
      %add3A_1353 = arith.addi %xor3A_1347, %add3A_1352 : vector<16xi32>
      %select_n3A_1354 = arith.select %lt3A_1350, %add3A_1353, %xor3A_1347 : vector<16xi1>, vector<16xi32>
      %broadcast_in_dim3A_1355 = vector.shape_cast %select_n3A_1354 : vector<16xi32> to vector<16x1xi32>
      %gather3A_1356 = vector.shape_cast %broadcast_in_dim3A_1355 : vector<16x1xi32> to vector<16xi32>
      %gather3A_1357 = tpu.dynamic_gather %add3A_1344[%gather3A_1356] in [0] : vector<16xi32>, vector<16xi32> -> vector<16xi32>
      %add3A_1358 = arith.addi %add3A_1344, %gather3A_1357 : vector<16xi32>
      %ge3A_1359 = arith.constant 2 : i32
      %ge3A_1360 = vector.broadcast %ge3A_1359 : i32 to vector<16xi32>
      %ge3A_1361 = arith.cmpi sge, %add3A_1358, %ge3A_1360 : vector<16xi32>
      %select_n3A_1362 = arith.select %ge3A_1361, %max3A_930, %max3A_1302 : vector<16xi1>, vector<16xf32>
      %add3A_1363 = arith.constant 8192 : i32
      %add3A_1364 = vector.broadcast %add3A_1363 : i32 to vector<16xi32>
      %add3A_1365 = arith.addi %add3A_1149, %add3A_1364 : vector<16xi32>
      %broadcast_in_dim3A_1366 = arith.constant 0xFF800000 : f32
      %broadcast_in_dim3A_1367 = vector.broadcast %broadcast_in_dim3A_1366 : f32 to vector<16xf32>
      tpu.vector_store_idx %arg8[%add3A_1365], %broadcast_in_dim3A_1367 masked %eq3A_4 : memref<16384xf32, #tpu.memory_space<vmem>>[vector<16xi32>], vector<16xf32>, vector<16xi1>
      %add3A_1368 = arith.constant 0 : i32
      %add3A_1369 = vector.broadcast %add3A_1368 : i32 to vector<16xi32>
      %add3A_1370 = arith.addi %iota3A, %add3A_1369 : vector<16xi32>
      %eq3A_1371 = arith.cmpi eq, %add3A_1370, %min3A_990 : vector<16xi32>
      %select_n3A_1372 = arith.select %eq3A_1371, %select_n3A_1362, %scan3A_329 : vector<16xi1>, vector<16xf32>
      %add3A_1373 = arith.constant 16 : i32
      %add3A_1374 = vector.broadcast %add3A_1373 : i32 to vector<16xi32>
      %add3A_1375 = arith.addi %iota3A, %add3A_1374 : vector<16xi32>
      %eq3A_1376 = arith.cmpi eq, %add3A_1375, %min3A_990 : vector<16xi32>
      %select_n3A_1377 = arith.select %eq3A_1376, %select_n3A_1362, %scan3A_330 : vector<16xi1>, vector<16xf32>
      %add3A_1378 = arith.constant 32 : i32
      %add3A_1379 = vector.broadcast %add3A_1378 : i32 to vector<16xi32>
      %add3A_1380 = arith.addi %iota3A, %add3A_1379 : vector<16xi32>
      %eq3A_1381 = arith.cmpi eq, %add3A_1380, %min3A_990 : vector<16xi32>
      %select_n3A_1382 = arith.select %eq3A_1381, %select_n3A_1362, %scan3A_331 : vector<16xi1>, vector<16xf32>
      %add3A_1383 = arith.constant 48 : i32
      %add3A_1384 = vector.broadcast %add3A_1383 : i32 to vector<16xi32>
      %add3A_1385 = arith.addi %iota3A, %add3A_1384 : vector<16xi32>
      %eq3A_1386 = arith.cmpi eq, %add3A_1385, %min3A_990 : vector<16xi32>
      %select_n3A_1387 = arith.select %eq3A_1386, %select_n3A_1362, %scan3A_332 : vector<16xi1>, vector<16xf32>
      scf.yield %select_n3A_841, %select_n3A_846, %select_n3A_851, %select_n3A_856, %select_n3A_1372, %select_n3A_1377, %select_n3A_1382, %select_n3A_1387 : vector<16xf32>, vector<16xf32>, vector<16xf32>, vector<16xf32>, vector<16xf32>, vector<16xf32>, vector<16xf32>, vector<16xf32>
    }
    %scan3A_154 = arith.constant 64 : i32
    %dma_wait3A_155 = arith.constant 0 : i32
    %dma_wait3A_156 = tpu.memref_slice %arg9[%dma_wait3A_155] : memref<16384xf32, #tpu.memory_space<vmem>> -> memref<8192xf32, #tpu.memory_space<vmem>>
    %dma_wait3A_157 = arith.constant 0 : i32
    %dma_wait3A_158 = tpu.memref_slice %arg3[%add3A_29, %dma_wait3A_157] : memref<64x8192xf32, #tpu.memory_space<hbm>> -> memref<1x8192xf32, #tpu.memory_space<hbm>>
    %dma_wait3A_159 = tpu.memref_squeeze %dma_wait3A_158 : memref<1x8192xf32, #tpu.memory_space<hbm>> -> memref<8192xf32, #tpu.memory_space<hbm>>
    %dma_wait3A_160 = arith.constant 0 : i32
    %dma_wait3A_161 = tpu.memref_slice %arg9[%dma_wait3A_160] : memref<16384xf32, #tpu.memory_space<vmem>> -> memref<8192xf32, #tpu.memory_space<vmem>>
    %dma_wait3A_162 = arith.constant 0 : i32
    %dma_wait3A_163 = tpu.memref_slice %arg3[%add3A_29, %dma_wait3A_162] : memref<64x8192xf32, #tpu.memory_space<hbm>> -> memref<1x8192xf32, #tpu.memory_space<hbm>>
    %dma_wait3A_164 = tpu.memref_squeeze %dma_wait3A_163 : memref<1x8192xf32, #tpu.memory_space<hbm>> -> memref<8192xf32, #tpu.memory_space<hbm>>
    tpu.wait_dma2 semaphore(%arg20 : memref<!tpu.dma_semaphore, #tpu.memory_space<semaphore_mem>>) src(%dma_wait3A_164 : memref<8192xf32, #tpu.memory_space<hbm>>) dst(%dma_wait3A_161 : memref<8192xf32, #tpu.memory_space<vmem>>)
    %dma_wait3A_165 = arith.constant 8192 : i32
    %dma_wait3A_166 = tpu.memref_slice %arg9[%dma_wait3A_165] : memref<16384xf32, #tpu.memory_space<vmem>> -> memref<8192xf32, #tpu.memory_space<vmem>>
    %dma_wait3A_167 = arith.constant 0 : i32
    %dma_wait3A_168 = tpu.memref_slice %arg3[%add3A_41, %dma_wait3A_167] : memref<64x8192xf32, #tpu.memory_space<hbm>> -> memref<1x8192xf32, #tpu.memory_space<hbm>>
    %dma_wait3A_169 = tpu.memref_squeeze %dma_wait3A_168 : memref<1x8192xf32, #tpu.memory_space<hbm>> -> memref<8192xf32, #tpu.memory_space<hbm>>
    %dma_wait3A_170 = arith.constant 8192 : i32
    %dma_wait3A_171 = tpu.memref_slice %arg9[%dma_wait3A_170] : memref<16384xf32, #tpu.memory_space<vmem>> -> memref<8192xf32, #tpu.memory_space<vmem>>
    %dma_wait3A_172 = arith.constant 0 : i32
    %dma_wait3A_173 = tpu.memref_slice %arg3[%add3A_41, %dma_wait3A_172] : memref<64x8192xf32, #tpu.memory_space<hbm>> -> memref<1x8192xf32, #tpu.memory_space<hbm>>
    %dma_wait3A_174 = tpu.memref_squeeze %dma_wait3A_173 : memref<1x8192xf32, #tpu.memory_space<hbm>> -> memref<8192xf32, #tpu.memory_space<hbm>>
    tpu.wait_dma2 semaphore(%arg20 : memref<!tpu.dma_semaphore, #tpu.memory_space<semaphore_mem>>) src(%dma_wait3A_174 : memref<8192xf32, #tpu.memory_space<hbm>>) dst(%dma_wait3A_171 : memref<8192xf32, #tpu.memory_space<vmem>>)
    %get3A = arith.constant 0 : index
    %get3A_175 = tpu.vector_load %arg14[%get3A] {strides = array<i32>} : memref<128xi32, #tpu.memory_space<vmem>>, vector<16xi32>,
    %add3A_176 = arith.constant 0 : i32
    %add3A_177 = vector.broadcast %add3A_176 : i32 to vector<16xi32>
    %add3A_178 = arith.addi %get3A_175, %add3A_177 : vector<16xi32>
    %gather3A = tpu.vector_load_idx %arg9[%add3A_178] : memref<16384xf32, #tpu.memory_space<vmem>>[vector<16xi32>], vector<16xf32>,
    %swap3A = arith.constant 0 : index
    %swap3A_179 = tpu.vector_load %arg12[%swap3A] {strides = array<i32>} : memref<64xf32, #tpu.memory_space<vmem>>, vector<16xf32>,
    tpu.vector_store %arg12[%swap3A], %gather3A {strides = array<i32>} : memref<64xf32, #tpu.memory_space<vmem>>, vector<16xf32>,
    %add3A_180 = arith.constant 0 : i32
    %add3A_181 = arith.addi %mul3A_2, %add3A_180 : i32
    %mul3A_182 = arith.constant 8192 : i32
    %mul3A_183 = arith.muli %add3A_181, %mul3A_182 : i32
    %add3A_184 = vector.broadcast %mul3A_183 : i32 to vector<16xi32>
    %add3A_185 = arith.addi %get3A_175, %add3A_184 : vector<16xi32>
    %swap3A_186 = arith.constant 0 : index
    %swap3A_187 = tpu.vector_load %arg15[%swap3A_186] {strides = array<i32>} : memref<64xi32, #tpu.memory_space<vmem>>, vector<16xi32>,
    tpu.vector_store %arg15[%swap3A_186], %add3A_185 {strides = array<i32>} : memref<64xi32, #tpu.memory_space<vmem>>, vector<16xi32>,
    %get3A_188 = arith.constant 16 : index
    %get3A_189 = tpu.vector_load %arg14[%get3A_188] {strides = array<i32>} : memref<128xi32, #tpu.memory_space<vmem>>, vector<16xi32>,
    %add3A_190 = arith.constant 0 : i32
    %add3A_191 = vector.broadcast %add3A_190 : i32 to vector<16xi32>
    %add3A_192 = arith.addi %get3A_189, %add3A_191 : vector<16xi32>
    %gather3A_193 = tpu.vector_load_idx %arg9[%add3A_192] : memref<16384xf32, #tpu.memory_space<vmem>>[vector<16xi32>], vector<16xf32>,
    %swap3A_194 = arith.constant 16 : index
    %swap3A_195 = tpu.vector_load %arg12[%swap3A_194] {strides = array<i32>} : memref<64xf32, #tpu.memory_space<vmem>>, vector<16xf32>,
    tpu.vector_store %arg12[%swap3A_194], %gather3A_193 {strides = array<i32>} : memref<64xf32, #tpu.memory_space<vmem>>, vector<16xf32>,
    %add3A_196 = arith.constant 0 : i32
    %add3A_197 = arith.addi %mul3A_2, %add3A_196 : i32
    %mul3A_198 = arith.constant 8192 : i32
    %mul3A_199 = arith.muli %add3A_197, %mul3A_198 : i32
    %add3A_200 = vector.broadcast %mul3A_199 : i32 to vector<16xi32>
    %add3A_201 = arith.addi %get3A_189, %add3A_200 : vector<16xi32>
    %swap3A_202 = arith.constant 16 : index
    %swap3A_203 = tpu.vector_load %arg15[%swap3A_202] {strides = array<i32>} : memref<64xi32, #tpu.memory_space<vmem>>, vector<16xi32>,
    tpu.vector_store %arg15[%swap3A_202], %add3A_201 {strides = array<i32>} : memref<64xi32, #tpu.memory_space<vmem>>, vector<16xi32>,
    %get3A_204 = arith.constant 32 : index
    %get3A_205 = tpu.vector_load %arg14[%get3A_204] {strides = array<i32>} : memref<128xi32, #tpu.memory_space<vmem>>, vector<16xi32>,
    %add3A_206 = arith.constant 0 : i32
    %add3A_207 = vector.broadcast %add3A_206 : i32 to vector<16xi32>
    %add3A_208 = arith.addi %get3A_205, %add3A_207 : vector<16xi32>
    %gather3A_209 = tpu.vector_load_idx %arg9[%add3A_208] : memref<16384xf32, #tpu.memory_space<vmem>>[vector<16xi32>], vector<16xf32>,
    %swap3A_210 = arith.constant 32 : index
    %swap3A_211 = tpu.vector_load %arg12[%swap3A_210] {strides = array<i32>} : memref<64xf32, #tpu.memory_space<vmem>>, vector<16xf32>,
    tpu.vector_store %arg12[%swap3A_210], %gather3A_209 {strides = array<i32>} : memref<64xf32, #tpu.memory_space<vmem>>, vector<16xf32>,
    %add3A_212 = arith.constant 0 : i32
    %add3A_213 = arith.addi %mul3A_2, %add3A_212 : i32
    %mul3A_214 = arith.constant 8192 : i32
    %mul3A_215 = arith.muli %add3A_213, %mul3A_214 : i32
    %add3A_216 = vector.broadcast %mul3A_215 : i32 to vector<16xi32>
    %add3A_217 = arith.addi %get3A_205, %add3A_216 : vector<16xi32>
    %swap3A_218 = arith.constant 32 : index
    %swap3A_219 = tpu.vector_load %arg15[%swap3A_218] {strides = array<i32>} : memref<64xi32, #tpu.memory_space<vmem>>, vector<16xi32>,
    tpu.vector_store %arg15[%swap3A_218], %add3A_217 {strides = array<i32>} : memref<64xi32, #tpu.memory_space<vmem>>, vector<16xi32>,
    %get3A_220 = arith.constant 48 : index
    %get3A_221 = tpu.vector_load %arg14[%get3A_220] {strides = array<i32>} : memref<128xi32, #tpu.memory_space<vmem>>, vector<16xi32>,
    %add3A_222 = arith.constant 0 : i32
    %add3A_223 = vector.broadcast %add3A_222 : i32 to vector<16xi32>
    %add3A_224 = arith.addi %get3A_221, %add3A_223 : vector<16xi32>
    %gather3A_225 = tpu.vector_load_idx %arg9[%add3A_224] : memref<16384xf32, #tpu.memory_space<vmem>>[vector<16xi32>], vector<16xf32>,
    %swap3A_226 = arith.constant 48 : index
    %swap3A_227 = tpu.vector_load %arg12[%swap3A_226] {strides = array<i32>} : memref<64xf32, #tpu.memory_space<vmem>>, vector<16xf32>,
    tpu.vector_store %arg12[%swap3A_226], %gather3A_225 {strides = array<i32>} : memref<64xf32, #tpu.memory_space<vmem>>, vector<16xf32>,
    %add3A_228 = arith.constant 0 : i32
    %add3A_229 = arith.addi %mul3A_2, %add3A_228 : i32
    %mul3A_230 = arith.constant 8192 : i32
    %mul3A_231 = arith.muli %add3A_229, %mul3A_230 : i32
    %add3A_232 = vector.broadcast %mul3A_231 : i32 to vector<16xi32>
    %add3A_233 = arith.addi %get3A_221, %add3A_232 : vector<16xi32>
    %swap3A_234 = arith.constant 48 : index
    %swap3A_235 = tpu.vector_load %arg15[%swap3A_234] {strides = array<i32>} : memref<64xi32, #tpu.memory_space<vmem>>, vector<16xi32>,
    tpu.vector_store %arg15[%swap3A_234], %add3A_233 {strides = array<i32>} : memref<64xi32, #tpu.memory_space<vmem>>, vector<16xi32>,
    %get3A_236 = arith.constant 64 : index
    %get3A_237 = tpu.vector_load %arg14[%get3A_236] {strides = array<i32>} : memref<128xi32, #tpu.memory_space<vmem>>, vector<16xi32>,
    %add3A_238 = arith.constant 8192 : i32
    %add3A_239 = vector.broadcast %add3A_238 : i32 to vector<16xi32>
    %add3A_240 = arith.addi %get3A_237, %add3A_239 : vector<16xi32>
    %gather3A_241 = tpu.vector_load_idx %arg9[%add3A_240] : memref<16384xf32, #tpu.memory_space<vmem>>[vector<16xi32>], vector<16xf32>,
    %swap3A_242 = arith.constant 0 : index
    %swap3A_243 = tpu.vector_load %arg13[%swap3A_242] {strides = array<i32>} : memref<64xf32, #tpu.memory_space<vmem>>, vector<16xf32>,
    tpu.vector_store %arg13[%swap3A_242], %gather3A_241 {strides = array<i32>} : memref<64xf32, #tpu.memory_space<vmem>>, vector<16xf32>,
    %add3A_244 = arith.constant 1 : i32
    %add3A_245 = arith.addi %mul3A_2, %add3A_244 : i32
    %mul3A_246 = arith.constant 8192 : i32
    %mul3A_247 = arith.muli %add3A_245, %mul3A_246 : i32
    %add3A_248 = vector.broadcast %mul3A_247 : i32 to vector<16xi32>
    %add3A_249 = arith.addi %get3A_237, %add3A_248 : vector<16xi32>
    %swap3A_250 = arith.constant 0 : index
    %swap3A_251 = tpu.vector_load %arg16[%swap3A_250] {strides = array<i32>} : memref<64xi32, #tpu.memory_space<vmem>>, vector<16xi32>,
    tpu.vector_store %arg16[%swap3A_250], %add3A_249 {strides = array<i32>} : memref<64xi32, #tpu.memory_space<vmem>>, vector<16xi32>,
    %get3A_252 = arith.constant 80 : index
    %get3A_253 = tpu.vector_load %arg14[%get3A_252] {strides = array<i32>} : memref<128xi32, #tpu.memory_space<vmem>>, vector<16xi32>,
    %add3A_254 = arith.constant 8192 : i32
    %add3A_255 = vector.broadcast %add3A_254 : i32 to vector<16xi32>
    %add3A_256 = arith.addi %get3A_253, %add3A_255 : vector<16xi32>
    %gather3A_257 = tpu.vector_load_idx %arg9[%add3A_256] : memref<16384xf32, #tpu.memory_space<vmem>>[vector<16xi32>], vector<16xf32>,
    %swap3A_258 = arith.constant 16 : index
    %swap3A_259 = tpu.vector_load %arg13[%swap3A_258] {strides = array<i32>} : memref<64xf32, #tpu.memory_space<vmem>>, vector<16xf32>,
    tpu.vector_store %arg13[%swap3A_258], %gather3A_257 {strides = array<i32>} : memref<64xf32, #tpu.memory_space<vmem>>, vector<16xf32>,
    %add3A_260 = arith.constant 1 : i32
    %add3A_261 = arith.addi %mul3A_2, %add3A_260 : i32
    %mul3A_262 = arith.constant 8192 : i32
    %mul3A_263 = arith.muli %add3A_261, %mul3A_262 : i32
    %add3A_264 = vector.broadcast %mul3A_263 : i32 to vector<16xi32>
    %add3A_265 = arith.addi %get3A_253, %add3A_264 : vector<16xi32>
    %swap3A_266 = arith.constant 16 : index
    %swap3A_267 = tpu.vector_load %arg16[%swap3A_266] {strides = array<i32>} : memref<64xi32, #tpu.memory_space<vmem>>, vector<16xi32>,
    tpu.vector_store %arg16[%swap3A_266], %add3A_265 {strides = array<i32>} : memref<64xi32, #tpu.memory_space<vmem>>, vector<16xi32>,
    %get3A_268 = arith.constant 96 : index
    %get3A_269 = tpu.vector_load %arg14[%get3A_268] {strides = array<i32>} : memref<128xi32, #tpu.memory_space<vmem>>, vector<16xi32>,
    %add3A_270 = arith.constant 8192 : i32
    %add3A_271 = vector.broadcast %add3A_270 : i32 to vector<16xi32>
    %add3A_272 = arith.addi %get3A_269, %add3A_271 : vector<16xi32>
    %gather3A_273 = tpu.vector_load_idx %arg9[%add3A_272] : memref<16384xf32, #tpu.memory_space<vmem>>[vector<16xi32>], vector<16xf32>,
    %swap3A_274 = arith.constant 32 : index
    %swap3A_275 = tpu.vector_load %arg13[%swap3A_274] {strides = array<i32>} : memref<64xf32, #tpu.memory_space<vmem>>, vector<16xf32>,
    tpu.vector_store %arg13[%swap3A_274], %gather3A_273 {strides = array<i32>} : memref<64xf32, #tpu.memory_space<vmem>>, vector<16xf32>,
    %add3A_276 = arith.constant 1 : i32
    %add3A_277 = arith.addi %mul3A_2, %add3A_276 : i32
    %mul3A_278 = arith.constant 8192 : i32
    %mul3A_279 = arith.muli %add3A_277, %mul3A_278 : i32
    %add3A_280 = vector.broadcast %mul3A_279 : i32 to vector<16xi32>
    %add3A_281 = arith.addi %get3A_269, %add3A_280 : vector<16xi32>
    %swap3A_282 = arith.constant 32 : index
    %swap3A_283 = tpu.vector_load %arg16[%swap3A_282] {strides = array<i32>} : memref<64xi32, #tpu.memory_space<vmem>>, vector<16xi32>,
    tpu.vector_store %arg16[%swap3A_282], %add3A_281 {strides = array<i32>} : memref<64xi32, #tpu.memory_space<vmem>>, vector<16xi32>,
    %get3A_284 = arith.constant 112 : index
    %get3A_285 = tpu.vector_load %arg14[%get3A_284] {strides = array<i32>} : memref<128xi32, #tpu.memory_space<vmem>>, vector<16xi32>,
    %add3A_286 = arith.constant 8192 : i32
    %add3A_287 = vector.broadcast %add3A_286 : i32 to vector<16xi32>
    %add3A_288 = arith.addi %get3A_285, %add3A_287 : vector<16xi32>
    %gather3A_289 = tpu.vector_load_idx %arg9[%add3A_288] : memref<16384xf32, #tpu.memory_space<vmem>>[vector<16xi32>], vector<16xf32>,
    %swap3A_290 = arith.constant 48 : index
    %swap3A_291 = tpu.vector_load %arg13[%swap3A_290] {strides = array<i32>} : memref<64xf32, #tpu.memory_space<vmem>>, vector<16xf32>,
    tpu.vector_store %arg13[%swap3A_290], %gather3A_289 {strides = array<i32>} : memref<64xf32, #tpu.memory_space<vmem>>, vector<16xf32>,
    %add3A_292 = arith.constant 1 : i32
    %add3A_293 = arith.addi %mul3A_2, %add3A_292 : i32
    %mul3A_294 = arith.constant 8192 : i32
    %mul3A_295 = arith.muli %add3A_293, %mul3A_294 : i32
    %add3A_296 = vector.broadcast %mul3A_295 : i32 to vector<16xi32>
    %add3A_297 = arith.addi %get3A_285, %add3A_296 : vector<16xi32>
    %swap3A_298 = arith.constant 48 : index
    %swap3A_299 = tpu.vector_load %arg16[%swap3A_298] {strides = array<i32>} : memref<64xi32, #tpu.memory_space<vmem>>, vector<16xi32>,
    tpu.vector_store %arg16[%swap3A_298], %add3A_297 {strides = array<i32>} : memref<64xi32, #tpu.memory_space<vmem>>, vector<16xi32>,
    %dma_start3A_300 = arith.constant 0 : i32
    %dma_start3A_301 = arith.constant 0 : i32
    %dma_start3A_302 = tpu.memref_slice %arg4[%dma_start3A_300, %dma_start3A_301] : memref<524288x128xf32, #tpu.memory_space<hbm>> -> memref<524288x128xf32, #tpu.memory_space<hbm>>
    tpu.enqueue_indirect_dma source(%dma_start3A_302 : memref<524288x128xf32, #tpu.memory_space<hbm>>) target(%arg17 : memref<64x128xf32, #tpu.memory_space<vmem>>) offsets(%arg15 : memref<64xi32, #tpu.memory_space<vmem>>) semaphore(%arg21 : memref<!tpu.dma_semaphore, #tpu.memory_space<semaphore_mem>>)
    %dma_start3A_303 = arith.constant 0 : i32
    %dma_start3A_304 = arith.constant 0 : i32
    %dma_start3A_305 = tpu.memref_slice %arg4[%dma_start3A_303, %dma_start3A_304] : memref<524288x128xf32, #tpu.memory_space<hbm>> -> memref<524288x128xf32, #tpu.memory_space<hbm>>
    tpu.enqueue_indirect_dma source(%dma_start3A_305 : memref<524288x128xf32, #tpu.memory_space<hbm>>) target(%arg18 : memref<64x128xf32, #tpu.memory_space<vmem>>) offsets(%arg16 : memref<64xi32, #tpu.memory_space<vmem>>) semaphore(%arg21 : memref<!tpu.dma_semaphore, #tpu.memory_space<semaphore_mem>>)
    %add3A_306 = arith.constant 0 : i32
    %add3A_307 = arith.addi %mul3A_2, %add3A_306 : i32
    "tpu.region"() ({
      %run_scoped3A = tpu.sem_alloc : memref<!tpu.dma_semaphore, #tpu.memory_space<semaphore_mem>>
      %dma_start3A_324 = arith.constant 0 : i32
      %dma_start3A_325 = tpu.memref_slice %arg5[%add3A_307, %dma_start3A_324] : memref<64x64xf32, #tpu.memory_space<hbm>> -> memref<1x64xf32, #tpu.memory_space<hbm>>
      %dma_start3A_326 = tpu.memref_squeeze %dma_start3A_325 : memref<1x64xf32, #tpu.memory_space<hbm>> -> memref<64xf32, #tpu.memory_space<hbm>>
      %dma_start3A_327 = arith.constant 0 : i32
      %dma_start3A_328 = tpu.memref_slice %arg5[%add3A_307, %dma_start3A_327] : memref<64x64xf32, #tpu.memory_space<hbm>> -> memref<1x64xf32, #tpu.memory_space<hbm>>
      %dma_start3A_329 = tpu.memref_squeeze %dma_start3A_328 : memref<1x64xf32, #tpu.memory_space<hbm>> -> memref<64xf32, #tpu.memory_space<hbm>>
      tpu.enqueue_dma source(%arg10 : memref<64xf32, #tpu.memory_space<vmem>>) target(%dma_start3A_329 : memref<64xf32, #tpu.memory_space<hbm>>) target_semaphore(%run_scoped3A : memref<!tpu.dma_semaphore, #tpu.memory_space<semaphore_mem>>)
      %dma_wait3A_330 = arith.constant 0 : i32
      %dma_wait3A_331 = tpu.memref_slice %arg5[%add3A_307, %dma_wait3A_330] : memref<64x64xf32, #tpu.memory_space<hbm>> -> memref<1x64xf32, #tpu.memory_space<hbm>>
      %dma_wait3A_332 = tpu.memref_squeeze %dma_wait3A_331 : memref<1x64xf32, #tpu.memory_space<hbm>> -> memref<64xf32, #tpu.memory_space<hbm>>
      %dma_wait3A_333 = arith.constant 0 : i32
      %dma_wait3A_334 = tpu.memref_slice %arg5[%add3A_307, %dma_wait3A_333] : memref<64x64xf32, #tpu.memory_space<hbm>> -> memref<1x64xf32, #tpu.memory_space<hbm>>
      %dma_wait3A_335 = tpu.memref_squeeze %dma_wait3A_334 : memref<1x64xf32, #tpu.memory_space<hbm>> -> memref<64xf32, #tpu.memory_space<hbm>>
      tpu.wait_dma2 semaphore(%run_scoped3A : memref<!tpu.dma_semaphore, #tpu.memory_space<semaphore_mem>>) src(%arg10 : memref<64xf32, #tpu.memory_space<vmem>>) dst(%dma_wait3A_335 : memref<64xf32, #tpu.memory_space<hbm>>)
      tpu.yield
    }) : () -> ()
    %add3A_308 = arith.constant 0 : i32
    %add3A_309 = arith.addi %mul3A_2, %add3A_308 : i32
    "tpu.region"() ({
      %run_scoped3A = tpu.sem_alloc : memref<!tpu.dma_semaphore, #tpu.memory_space<semaphore_mem>>
      %dma_start3A_324 = arith.constant 0 : i32
      %dma_start3A_325 = tpu.memref_slice %arg6[%add3A_309, %dma_start3A_324] : memref<64x64xf32, #tpu.memory_space<hbm>> -> memref<1x64xf32, #tpu.memory_space<hbm>>
      %dma_start3A_326 = tpu.memref_squeeze %dma_start3A_325 : memref<1x64xf32, #tpu.memory_space<hbm>> -> memref<64xf32, #tpu.memory_space<hbm>>
      %dma_start3A_327 = arith.constant 0 : i32
      %dma_start3A_328 = tpu.memref_slice %arg6[%add3A_309, %dma_start3A_327] : memref<64x64xf32, #tpu.memory_space<hbm>> -> memref<1x64xf32, #tpu.memory_space<hbm>>
      %dma_start3A_329 = tpu.memref_squeeze %dma_start3A_328 : memref<1x64xf32, #tpu.memory_space<hbm>> -> memref<64xf32, #tpu.memory_space<hbm>>
      tpu.enqueue_dma source(%arg12 : memref<64xf32, #tpu.memory_space<vmem>>) target(%dma_start3A_329 : memref<64xf32, #tpu.memory_space<hbm>>) target_semaphore(%run_scoped3A : memref<!tpu.dma_semaphore, #tpu.memory_space<semaphore_mem>>)
      %dma_wait3A_330 = arith.constant 0 : i32
      %dma_wait3A_331 = tpu.memref_slice %arg6[%add3A_309, %dma_wait3A_330] : memref<64x64xf32, #tpu.memory_space<hbm>> -> memref<1x64xf32, #tpu.memory_space<hbm>>
      %dma_wait3A_332 = tpu.memref_squeeze %dma_wait3A_331 : memref<1x64xf32, #tpu.memory_space<hbm>> -> memref<64xf32, #tpu.memory_space<hbm>>
      %dma_wait3A_333 = arith.constant 0 : i32
      %dma_wait3A_334 = tpu.memref_slice %arg6[%add3A_309, %dma_wait3A_333] : memref<64x64xf32, #tpu.memory_space<hbm>> -> memref<1x64xf32, #tpu.memory_space<hbm>>
      %dma_wait3A_335 = tpu.memref_squeeze %dma_wait3A_334 : memref<1x64xf32, #tpu.memory_space<hbm>> -> memref<64xf32, #tpu.memory_space<hbm>>
      tpu.wait_dma2 semaphore(%run_scoped3A : memref<!tpu.dma_semaphore, #tpu.memory_space<semaphore_mem>>) src(%arg12 : memref<64xf32, #tpu.memory_space<vmem>>) dst(%dma_wait3A_335 : memref<64xf32, #tpu.memory_space<hbm>>)
      tpu.yield
    }) : () -> ()
    %add3A_310 = arith.constant 1 : i32
    %add3A_311 = arith.addi %mul3A_2, %add3A_310 : i32
    "tpu.region"() ({
      %run_scoped3A = tpu.sem_alloc : memref<!tpu.dma_semaphore, #tpu.memory_space<semaphore_mem>>
      %dma_start3A_324 = arith.constant 0 : i32
      %dma_start3A_325 = tpu.memref_slice %arg5[%add3A_311, %dma_start3A_324] : memref<64x64xf32, #tpu.memory_space<hbm>> -> memref<1x64xf32, #tpu.memory_space<hbm>>
      %dma_start3A_326 = tpu.memref_squeeze %dma_start3A_325 : memref<1x64xf32, #tpu.memory_space<hbm>> -> memref<64xf32, #tpu.memory_space<hbm>>
      %dma_start3A_327 = arith.constant 0 : i32
      %dma_start3A_328 = tpu.memref_slice %arg5[%add3A_311, %dma_start3A_327] : memref<64x64xf32, #tpu.memory_space<hbm>> -> memref<1x64xf32, #tpu.memory_space<hbm>>
      %dma_start3A_329 = tpu.memref_squeeze %dma_start3A_328 : memref<1x64xf32, #tpu.memory_space<hbm>> -> memref<64xf32, #tpu.memory_space<hbm>>
      tpu.enqueue_dma source(%arg11 : memref<64xf32, #tpu.memory_space<vmem>>) target(%dma_start3A_329 : memref<64xf32, #tpu.memory_space<hbm>>) target_semaphore(%run_scoped3A : memref<!tpu.dma_semaphore, #tpu.memory_space<semaphore_mem>>)
      %dma_wait3A_330 = arith.constant 0 : i32
      %dma_wait3A_331 = tpu.memref_slice %arg5[%add3A_311, %dma_wait3A_330] : memref<64x64xf32, #tpu.memory_space<hbm>> -> memref<1x64xf32, #tpu.memory_space<hbm>>
      %dma_wait3A_332 = tpu.memref_squeeze %dma_wait3A_331 : memref<1x64xf32, #tpu.memory_space<hbm>> -> memref<64xf32, #tpu.memory_space<hbm>>
      %dma_wait3A_333 = arith.constant 0 : i32
      %dma_wait3A_334 = tpu.memref_slice %arg5[%add3A_311, %dma_wait3A_333] : memref<64x64xf32, #tpu.memory_space<hbm>> -> memref<1x64xf32, #tpu.memory_space<hbm>>
      %dma_wait3A_335 = tpu.memref_squeeze %dma_wait3A_334 : memref<1x64xf32, #tpu.memory_space<hbm>> -> memref<64xf32, #tpu.memory_space<hbm>>
      tpu.wait_dma2 semaphore(%run_scoped3A : memref<!tpu.dma_semaphore, #tpu.memory_space<semaphore_mem>>) src(%arg11 : memref<64xf32, #tpu.memory_space<vmem>>) dst(%dma_wait3A_335 : memref<64xf32, #tpu.memory_space<hbm>>)
      tpu.yield
    }) : () -> ()
    %add3A_312 = arith.constant 1 : i32
    %add3A_313 = arith.addi %mul3A_2, %add3A_312 : i32
    "tpu.region"() ({
      %run_scoped3A = tpu.sem_alloc : memref<!tpu.dma_semaphore, #tpu.memory_space<semaphore_mem>>
      %dma_start3A_324 = arith.constant 0 : i32
      %dma_start3A_325 = tpu.memref_slice %arg6[%add3A_313, %dma_start3A_324] : memref<64x64xf32, #tpu.memory_space<hbm>> -> memref<1x64xf32, #tpu.memory_space<hbm>>
      %dma_start3A_326 = tpu.memref_squeeze %dma_start3A_325 : memref<1x64xf32, #tpu.memory_space<hbm>> -> memref<64xf32, #tpu.memory_space<hbm>>
      %dma_start3A_327 = arith.constant 0 : i32
      %dma_start3A_328 = tpu.memref_slice %arg6[%add3A_313, %dma_start3A_327] : memref<64x64xf32, #tpu.memory_space<hbm>> -> memref<1x64xf32, #tpu.memory_space<hbm>>
      %dma_start3A_329 = tpu.memref_squeeze %dma_start3A_328 : memref<1x64xf32, #tpu.memory_space<hbm>> -> memref<64xf32, #tpu.memory_space<hbm>>
      tpu.enqueue_dma source(%arg13 : memref<64xf32, #tpu.memory_space<vmem>>) target(%dma_start3A_329 : memref<64xf32, #tpu.memory_space<hbm>>) target_semaphore(%run_scoped3A : memref<!tpu.dma_semaphore, #tpu.memory_space<semaphore_mem>>)
      %dma_wait3A_330 = arith.constant 0 : i32
      %dma_wait3A_331 = tpu.memref_slice %arg6[%add3A_313, %dma_wait3A_330] : memref<64x64xf32, #tpu.memory_space<hbm>> -> memref<1x64xf32, #tpu.memory_space<hbm>>
      %dma_wait3A_332 = tpu.memref_squeeze %dma_wait3A_331 : memref<1x64xf32, #tpu.memory_space<hbm>> -> memref<64xf32, #tpu.memory_space<hbm>>
      %dma_wait3A_333 = arith.constant 0 : i32
      %dma_wait3A_334 = tpu.memref_slice %arg6[%add3A_313, %dma_wait3A_333] : memref<64x64xf32, #tpu.memory_space<hbm>> -> memref<1x64xf32, #tpu.memory_space<hbm>>
      %dma_wait3A_335 = tpu.memref_squeeze %dma_wait3A_334 : memref<1x64xf32, #tpu.memory_space<hbm>> -> memref<64xf32, #tpu.memory_space<hbm>>
      tpu.wait_dma2 semaphore(%run_scoped3A : memref<!tpu.dma_semaphore, #tpu.memory_space<semaphore_mem>>) src(%arg13 : memref<64xf32, #tpu.memory_space<vmem>>) dst(%dma_wait3A_335 : memref<64xf32, #tpu.memory_space<hbm>>)
      tpu.yield
    }) : () -> ()
    %dma_wait3A_314 = arith.constant 0 : i32
    %dma_wait3A_315 = arith.constant 0 : i32
    %dma_wait3A_316 = tpu.memref_slice %arg4[%dma_wait3A_314, %dma_wait3A_315] : memref<524288x128xf32, #tpu.memory_space<hbm>> -> memref<524288x128xf32, #tpu.memory_space<hbm>>
    tpu.wait_indirect_dma semaphore(%arg21 : memref<!tpu.dma_semaphore, #tpu.memory_space<semaphore_mem>>) src(%dma_wait3A_316 : memref<524288x128xf32, #tpu.memory_space<hbm>>) dst(%arg17 : memref<64x128xf32, #tpu.memory_space<vmem>>)
    %add3A_317 = arith.constant 0 : i32
    %add3A_318 = arith.addi %mul3A_2, %add3A_317 : i32
    "tpu.region"() ({
      %run_scoped3A = tpu.sem_alloc : memref<!tpu.dma_semaphore, #tpu.memory_space<semaphore_mem>>
      %dma_start3A_324 = arith.constant 0 : i32
      %dma_start3A_325 = arith.constant 0 : i32
      %dma_start3A_326 = tpu.memref_slice %arg7[%add3A_318, %dma_start3A_324, %dma_start3A_325] : memref<64x64x128xf32, #tpu.memory_space<hbm>> -> memref<1x64x128xf32, #tpu.memory_space<hbm>>
      %dma_start3A_327 = tpu.memref_squeeze %dma_start3A_326 : memref<1x64x128xf32, #tpu.memory_space<hbm>> -> memref<64x128xf32, #tpu.memory_space<hbm>>
      %dma_start3A_328 = arith.constant 0 : i32
      %dma_start3A_329 = arith.constant 0 : i32
      %dma_start3A_330 = tpu.memref_slice %arg7[%add3A_318, %dma_start3A_328, %dma_start3A_329] : memref<64x64x128xf32, #tpu.memory_space<hbm>> -> memref<1x64x128xf32, #tpu.memory_space<hbm>>
      %dma_start3A_331 = tpu.memref_squeeze %dma_start3A_330 : memref<1x64x128xf32, #tpu.memory_space<hbm>> -> memref<64x128xf32, #tpu.memory_space<hbm>>
      tpu.enqueue_dma source(%arg17 : memref<64x128xf32, #tpu.memory_space<vmem>>) target(%dma_start3A_331 : memref<64x128xf32, #tpu.memory_space<hbm>>) target_semaphore(%run_scoped3A : memref<!tpu.dma_semaphore, #tpu.memory_space<semaphore_mem>>)
      %dma_wait3A_332 = arith.constant 0 : i32
      %dma_wait3A_333 = arith.constant 0 : i32
      %dma_wait3A_334 = tpu.memref_slice %arg7[%add3A_318, %dma_wait3A_332, %dma_wait3A_333] : memref<64x64x128xf32, #tpu.memory_space<hbm>> -> memref<1x64x128xf32, #tpu.memory_space<hbm>>
      %dma_wait3A_335 = tpu.memref_squeeze %dma_wait3A_334 : memref<1x64x128xf32, #tpu.memory_space<hbm>> -> memref<64x128xf32, #tpu.memory_space<hbm>>
      %dma_wait3A_336 = arith.constant 0 : i32
      %dma_wait3A_337 = arith.constant 0 : i32
      %dma_wait3A_338 = tpu.memref_slice %arg7[%add3A_318, %dma_wait3A_336, %dma_wait3A_337] : memref<64x64x128xf32, #tpu.memory_space<hbm>> -> memref<1x64x128xf32, #tpu.memory_space<hbm>>
      %dma_wait3A_339 = tpu.memref_squeeze %dma_wait3A_338 : memref<1x64x128xf32, #tpu.memory_space<hbm>> -> memref<64x128xf32, #tpu.memory_space<hbm>>
      tpu.wait_dma2 semaphore(%run_scoped3A : memref<!tpu.dma_semaphore, #tpu.memory_space<semaphore_mem>>) src(%arg17 : memref<64x128xf32, #tpu.memory_space<vmem>>) dst(%dma_wait3A_339 : memref<64x128xf32, #tpu.memory_space<hbm>>)
      tpu.yield
    }) : () -> ()
    %dma_wait3A_319 = arith.constant 0 : i32
    %dma_wait3A_320 = arith.constant 0 : i32
    %dma_wait3A_321 = tpu.memref_slice %arg4[%dma_wait3A_319, %dma_wait3A_320] : memref<524288x128xf32, #tpu.memory_space<hbm>> -> memref<524288x128xf32, #tpu.memory_space<hbm>>
    tpu.wait_indirect_dma semaphore(%arg21 : memref<!tpu.dma_semaphore, #tpu.memory_space<semaphore_mem>>) src(%dma_wait3A_321 : memref<524288x128xf32, #tpu.memory_space<hbm>>) dst(%arg18 : memref<64x128xf32, #tpu.memory_space<vmem>>)
    %add3A_322 = arith.constant 1 : i32
    %add3A_323 = arith.addi %mul3A_2, %add3A_322 : i32
    "tpu.region"() ({
      %run_scoped3A = tpu.sem_alloc : memref<!tpu.dma_semaphore, #tpu.memory_space<semaphore_mem>>
      %dma_start3A_324 = arith.constant 0 : i32
      %dma_start3A_325 = arith.constant 0 : i32
      %dma_start3A_326 = tpu.memref_slice %arg7[%add3A_323, %dma_start3A_324, %dma_start3A_325] : memref<64x64x128xf32, #tpu.memory_space<hbm>> -> memref<1x64x128xf32, #tpu.memory_space<hbm>>
      %dma_start3A_327 = tpu.memref_squeeze %dma_start3A_326 : memref<1x64x128xf32, #tpu.memory_space<hbm>> -> memref<64x128xf32, #tpu.memory_space<hbm>>
      %dma_start3A_328 = arith.constant 0 : i32
      %dma_start3A_329 = arith.constant 0 : i32
      %dma_start3A_330 = tpu.memref_slice %arg7[%add3A_323, %dma_start3A_328, %dma_start3A_329] : memref<64x64x128xf32, #tpu.memory_space<hbm>> -> memref<1x64x128xf32, #tpu.memory_space<hbm>>
      %dma_start3A_331 = tpu.memref_squeeze %dma_start3A_330 : memref<1x64x128xf32, #tpu.memory_space<hbm>> -> memref<64x128xf32, #tpu.memory_space<hbm>>
      tpu.enqueue_dma source(%arg18 : memref<64x128xf32, #tpu.memory_space<vmem>>) target(%dma_start3A_331 : memref<64x128xf32, #tpu.memory_space<hbm>>) target_semaphore(%run_scoped3A : memref<!tpu.dma_semaphore, #tpu.memory_space<semaphore_mem>>)
      %dma_wait3A_332 = arith.constant 0 : i32
      %dma_wait3A_333 = arith.constant 0 : i32
      %dma_wait3A_334 = tpu.memref_slice %arg7[%add3A_323, %dma_wait3A_332, %dma_wait3A_333] : memref<64x64x128xf32, #tpu.memory_space<hbm>> -> memref<1x64x128xf32, #tpu.memory_space<hbm>>
      %dma_wait3A_335 = tpu.memref_squeeze %dma_wait3A_334 : memref<1x64x128xf32, #tpu.memory_space<hbm>> -> memref<64x128xf32, #tpu.memory_space<hbm>>
      %dma_wait3A_336 = arith.constant 0 : i32
      %dma_wait3A_337 = arith.constant 0 : i32
      %dma_wait3A_338 = tpu.memref_slice %arg7[%add3A_323, %dma_wait3A_336, %dma_wait3A_337] : memref<64x64x128xf32, #tpu.memory_space<hbm>> -> memref<1x64x128xf32, #tpu.memory_space<hbm>>
      %dma_wait3A_339 = tpu.memref_squeeze %dma_wait3A_338 : memref<1x64x128xf32, #tpu.memory_space<hbm>> -> memref<64x128xf32, #tpu.memory_space<hbm>>
      tpu.wait_dma2 semaphore(%run_scoped3A : memref<!tpu.dma_semaphore, #tpu.memory_space<semaphore_mem>>) src(%arg18 : memref<64x128xf32, #tpu.memory_space<vmem>>) dst(%dma_wait3A_339 : memref<64x128xf32, #tpu.memory_space<hbm>>)
      tpu.yield
    }) : () -> ()
    return
  }
}

</mosaic_0001>

<sc_bundles>
// kernel: kernel.3.cloned.1.call-start
scs
__scs_entry_jumppad:
0x0: {  	(pc) =	sbr.rel $0x88, $3  }
0x1: {  	(tag) =	ssettag $0x0;
	lr =	simm.s32 $0x1  }
0x2: {  	[smem:$0x3F9E] =	sst lr;
	_ =	strace $0xD0000000  }
0x3: {  	_ = 	snop  }
0x4: {  	_ = 	snop  }
0x5: {  	_ = 	snop  }
0x6: {  	_ = 	snop  }
0x7: {  	_ = 	snop  }
__scs_overlays_trampoline_lowered:
0x8: {  	[smem:$0x3FAD] =	sst s0  }
0x9: {  	[smem:$0x3FAE] =	sst s1  }
0xa: {  	[smem:$0x3FAF] =	sst s2  }
0xb: {  	[smem:$0x3FB0] =	sst s3  }
0xc: {  	[smem:$0x3FB1] =	sst s4  }
0xd: {  	[smem:$0x3FB2] =	sst s5  }
0xe: {  	[smem:$0x3FB3] =	sst s6  }
0xf: {  	[smem:$0x3FB4] =	sst s7  }
0x10: {  	[smem:$0x3FB5] =	sst s8  }
0x11: {  	[smem:$0x3FB6] =	sst s9;
	s0 =	simm.s32 @!p0 $0x0  }
0x12: {  	s1 =	sld [smem:$0x3F9C];
	s0 =	simm.s32 @p0 $0x1  }
0x13: {  	[smem:$0x3FB7] =	sst s0;
	s0 =	simm.s32 @!p1 $0x0  }
0x14: {  	s2 =	sld [smem:$0x3F9B];
	s0 =	simm.s32 @p1 $0x1  }
0x15: {  	[smem:$0x3FB8] =	sst s0;
	s0 =	simm.s32 @!p2 $0x0  }
0x16: {  	s3 =	sld [smem:$0x3FDB];
	s0 =	simm.s32 @p2 $0x1  }
0x17: {  	s4 =	simm.s32 $0x1BF5;
	[smem:$0x3FBA] =	sst s0  }
0x18: {  	s0 =	sld [smem:$0x3F9D];
	_ =	swait.ge [sflag:s4], $0x0  }
0x19: {  	s7 =	sld [smem:$0x3F9E]  }
0x1a: {  	s8 =	sadd.s32 $0xFFFFE003, lr  }
0x1b: {  	s9 =	sadd.s32 $0xFFFFFEF7, lr;
	s5 =	simm.s32 $0xFFFFFFFF;
	p2 =	slt.u32 s8, $0xFFFFF086  }
0x1c: {  	p1 =	slt.u32 s9, $0xF7A;
	s5 =	simm.s32 @!p2 $0x0  }
0x1d: {  	s5 =	simm.s32 @p1 $0x1;
	p0 =	seq.s32 s7, s2  }
0x1e: {  	s7 =	smul.u32 @!p0 $0xF7A, s2;
	p2 =	seq.s32 @!p0 s5, $0x0  }
0x1f: {  	s9 =	smul.u32 $0xF7A, s1;
	s8 =	simm.s32 @!p0 $0x1BF5;
	p2 =	por !p2, p0  }
0x20: {  	[sflag:s8] =	ssyncset.s32 @!p0 $0xFFFFF086;
	s6 =	sadd.s32 @!p0 s3, s7;
	s7 =	simm.s32 @!p0 $0x108  }
0x21: {  	s3 =	sadd.s32 s3, s9;
	s6 =	sadd.s32 @!p0 $0x88, s6;
	s7 =	simm.s32 @p2 $0x1082  }
0x22: {  	[simem:s7], [sflag:s8] =	dma.local @!p0 [hbm:s6], $0xF7A  }
0x23: {  	s9 =	sor.u32 $0xD0000000, s2;
	s6 =	simm.s32 $0x108;
	_ =	swait.ge @!p0 [sflag:s8], $0x0  }
0x24: {  	s3 =	sadd.s32 $0x88, s3;
	s6 =	simm.s32 @!p1 $0x1082;
	[sflag:s4] =	ssyncset.s32 $0xFFFFF086  }
0x25: {  	[simem:s6], [sflag:s4] =	dma.local [hbm:s3], $0xF7A  }
0x26: {  	[smem:$0x3F9E] =	sst s1;
	(tag) =	ssettag s2;
	_ =	strace s9  }
0x27: {  	s1 =	sld [smem:$0x3FAE]  }
0x28: {  	s2 =	sld [smem:$0x3FAF]  }
0x29: {  	s4 =	sld [smem:$0x3FB1]  }
0x2a: {  	p0 =	seq.s32 s5, $0x0;
	s5 =	sld [smem:$0x3FB2]  }
0x2b: {  	s6 =	sld [smem:$0x3FB3]  }
0x2c: {  	s7 =	sld [smem:$0x3FB4]  }
0x2d: {  	s3 =	simm.s32 $0x108;
	s8 =	sld [smem:$0x3FB5]  }
0x2e: {  	s3 =	simm.s32 @!p0 $0x1082;
	s9 =	sld [smem:$0x3FB6]  }
0x2f: {  	lr =	sadd.s32 s0, s3;
	s0 =	sld [smem:$0x3FAD]  }
0x30: {  	s3 =	sld [smem:$0x3FB0]  }
0x31: {  	[smem:$0x3FB9] =	sst s10  }
0x32: {  	s10 =	sld [smem:$0x3FB7];
	_ =	sdelay $0x3  }
0x33: {  	p0 =	seq.s32 s10, $0x1;
	s10 =	sld [smem:$0x3FB9];
	_ =	sdelay $0x3  }
0x34: {  	[smem:$0x3FB9] =	sst s10  }
0x35: {  	s10 =	sld [smem:$0x3FB8];
	_ =	sdelay $0x3  }
0x36: {  	p1 =	seq.s32 s10, $0x1;
	s10 =	sld [smem:$0x3FB9];
	_ =	sdelay $0x3  }
0x37: {  	[smem:$0x3FB9] =	sst s10  }
0x38: {  	s10 =	sld [smem:$0x3FBA]  }
0x39: {  	_ = 	snop;
	(pc) =	sbr.ind lr, $3  }
0x3a: {  	_ = 	snop  }
0x3b: {  	_ = 	snop  }
0x3c: {  	p2 =	seq.s32 s10, $0x1;
	s10 =	sld [smem:$0x3FB9]  }
0x3d: {  	_ =	shalt  }
0x3e: {  	_ =	shalt  }
0x3f: {  	_ =	shalt  }
0x40: {  	_ =	shalt  }
0x41: {  	_ =	shalt  }
0x42: {  	_ =	shalt  }
0x43: {  	_ =	shalt  }
0x44: {  	_ =	shalt  }
0x45: {  	_ =	shalt  }
0x46: {  	_ =	shalt  }
0x47: {  	_ =	shalt  }
0x48: {  	_ =	shalt  }
0x49: {  	_ =	shalt  }
0x4a: {  	_ =	shalt  }
0x4b: {  	_ =	shalt  }
0x4c: {  	_ =	shalt  }
0x4d: {  	_ =	shalt  }
0x4e: {  	_ =	shalt  }
0x4f: {  	_ =	shalt  }
0x50: {  	_ =	shalt  }
0x51: {  	_ =	shalt  }
0x52: {  	_ =	shalt  }
0x53: {  	_ =	shalt  }
0x54: {  	_ =	shalt  }
0x55: {  	_ =	shalt  }
0x56: {  	_ =	shalt  }
0x57: {  	_ =	shalt  }
0x58: {  	_ =	shalt  }
0x59: {  	_ =	shalt  }
0x5a: {  	_ =	shalt  }
0x5b: {  	_ =	shalt  }
0x5c: {  	_ =	shalt  }
0x5d: {  	_ =	shalt  }
0x5e: {  	_ =	shalt  }
0x5f: {  	_ =	shalt  }
0x60: {  	_ =	shalt  }
0x61: {  	_ =	shalt  }
0x62: {  	_ =	shalt  }
0x63: {  	_ =	shalt  }
0x64: {  	_ =	shalt  }
0x65: {  	_ =	shalt  }
0x66: {  	_ =	shalt  }
0x67: {  	_ =	shalt  }
0x68: {  	_ =	shalt  }
0x69: {  	_ =	shalt  }
0x6a: {  	_ =	shalt  }
0x6b: {  	_ =	shalt  }
0x6c: {  	_ =	shalt  }
0x6d: {  	_ =	shalt  }
0x6e: {  	_ =	shalt  }
0x6f: {  	_ =	shalt  }
0x70: {  	_ =	shalt  }
0x71: {  	_ =	shalt  }
0x72: {  	_ =	shalt  }
0x73: {  	_ =	shalt  }
0x74: {  	_ =	shalt  }
0x75: {  	_ =	shalt  }
0x76: {  	_ =	shalt  }
0x77: {  	_ =	shalt  }
0x78: {  	_ =	shalt  }
0x79: {  	_ =	shalt  }
0x7a: {  	_ =	shalt  }
0x7b: {  	_ =	shalt  }
0x7c: {  	_ =	shalt  }
0x7d: {  	_ =	shalt  }
0x7e: {  	_ =	shalt  }
0x7f: {  	_ =	shalt  }
0x80: {  	_ =	shalt  }
0x81: {  	_ =	shalt  }
0x82: {  	_ =	shalt  }
0x83: {  	_ =	shalt  }
0x84: {  	_ =	shalt  }
0x85: {  	_ =	shalt  }
0x86: {  	_ =	shalt  }
0x87: {  	_ =	shalt  }
.Lfunc_end0:
.L_simem_size_0:
called_computation_lowered:
.L_overlay_start_0:
0x88: {  	s2 =	sld [smem:$0x3FD9]  }
0x89: {  	s3 =	sld [smem:$0x3FFE];
	_ =	sdelay $0x1  }
0x8a: {  	s1 =	srdreg.scid  }
0x8b: {  	s0 =	sand.u32 $0x1, s1  }
0x8c: {  	s15 =	sshll.u32 s0, $0xA;
	s2 =	sadd.s32 s3, s2  }
0x8d: {  	s2 =	sadd.s32 s2, s15  }
0x8e: {  	[smem:$0x3FC5] =	sst s2  }
0x8f: {  	_ = 	snop  }
0x90: {  	s2 =	sld [smem:$0x3FD0]  }
0x91: {  	s16 =	sld [smem:$0x3FC9]  }
0x92: {  	s4 =	sld [smem:$0x3FC8]  }
0x93: {  	s6 =	simm.s32 $0xA;
	s7 =	simm.s32 $0x10;
	s5 =	sld [smem:$0x3FC7]  }
0x94: {  	[smem:s7], [sflag:s6] =	dma.local [hbm:s2], $0x1  }
0x95: {  	_ =	swait.eq [sflag:s6], $0x1  }
0x96: {  	s17 =	sld [smem:$0x10];
	[sflag:s6] =	ssyncset.done $0x0  }
0x97: {  	s18 =	sld [smem:$0x11];
	[sflag:s6] =	ssyncadd.s32 $0xFFFFFFFF  }
0x98: {  	s19 =	sld [smem:$0x12];
	(tm) =	ssettm $0x1  }
0x99: {  	s8 =	sld [smem:$0x3FFB];
	_ =	sdelay $0x3  }
0x9a: {  	_ =	strace s8  }
0x9b: {  	s8 =	sld [smem:$0x3FFC];
	_ =	sdelay $0x3  }
0x9c: {  	_ =	strace s8  }
0x9d: {  	s8 =	sld [smem:$0x3FFD];
	_ =	sdelay $0x3  }
0x9e: {  	_ =	strace s8  }
0x9f: {  	_ =	strace $0x8FFFFFFF  }
0xa0: {  	s20 =	sld [smem:$0x3FDB];
	_ =	sdelay $0x1  }
0xa1: {  	s9 =	simm.s32 $_scs_section_size  }
0xa2: {  	s10 =	simm.s32 $_size__tile_overlayer_lowered;
	s11 =	simm.s32 $_tile_overlayer_lowered  }
0xa3: {  	s23 =	simm.s32 $0x1BFF;
	s22 =	sshll.u32 s11, $0x1;
	s8 =	sadd.s32 s9, s20  }
0xa4: {  	s12 =	simm.s32 $0x0;
	s21 =	sshll.u32 s10, $0x1;
	s10 =	sadd.s32 s22, s8  }
0xa5: {  	[timem:s12], [sflag:s23] =	dma.local [hbm:s10], s21  }
0xa6: {  	_ =	swait.ge [sflag:s23], s21  }
0xa7: {  	s9 =	ssub.s32 $0x0, s21;
	[sflag:s23] =	ssyncset.done $0x0  }
0xa8: {  	[sflag:s23] =	ssyncadd.s32 s9;
	_ =	sdelay $0x1  }
0xa9: {  	s24 =	simm.s32 $0x1B8B  }
0xaa: {  	_ =	swait.ge [sflag:s24], $0x1  }
0xab: {  	[sflag:s24] =	ssyncset.done $0x0  }
0xac: {  	s25 =	simm.s32 $0x1B8E;
	[sflag:s24] =	ssyncadd.s32 $0xFFFFFFFF  }
0xad: {  	s26 =	simm.s32 $execute0_lowered;
	[smem:$0x3FD2] =	sst s25  }
0xae: {  	s9 =	sshll.u32 s26, $0x1;
	_ =	strace $0x80000046;
	[dreg:$0x1] =	wrdreg $0xFFFFFFFF  }
0xaf: {  	s28 =	simm.s32 $_size_execute0_lowered;
	s8 =	sadd.s32 s8, s9;
	[dreg:$0x0] =	wrdreg $0x0  }
0xb0: {  	s9 =	sshll.u32 s28, $0x1;
	[dreg:$0x2] =	wrdreg s8  }
0xb1: {  	[dreg:$0x3] =	wrdreg s9  }
0xb2: {  	[dreg:$0x4] =	wrdreg $0xC0  }
0xb3: {  	_ =	task [dreg:s12], $0x5FFFF  }
0xb4: {  	[dreg:$0x1] =	wrdreg $0xFFFFFFFF  }
0xb5: {  	[dreg:$0x0] =	wrdreg $0x60  }
0xb6: {  	[dreg:$0x2] =	wrdreg s16  }
0xb7: {  	[dreg:$0x3] =	wrdreg s4  }
0xb8: {  	[dreg:$0x4] =	wrdreg s5  }
0xb9: {  	[dreg:$0x5] =	wrdreg s17  }
0xba: {  	[dreg:$0x6] =	wrdreg s18  }
0xbb: {  	[dreg:$0x7] =	wrdreg s19  }
0xbc: {  	[dreg:$0x8] =	wrdreg $0x9  }
0xbd: {  	_ =	task.clear_ibuf [dreg:s12], $0x9FFFF;
	_ =	strace $0x90000046  }
0xbe: {  	s29 =	simm.s32 $0x9;
	_ =	strace $0x80000048  }
0xbf: {  	_ =	swait.ge [sflag:s29], $0x1  }
0xc0: {  	[sflag:s29] =	ssyncadd.s32 $0xFFFFFFFF  }
0xc1: {  	_ =	strace $0x90000048  }
0xc2: {  	_ =	sfence  }
0xc3: {  	s30 =	sld [smem:$0x0];
	_ =	sdelay $0x2  }
0xc4: {  	s31 =	sshll.u32 s1, $0xD;
	s1 =	sshrl.u32 s1, $0x2  }
0xc5: {  	s3 =	sand.u32 $0x4000, s31;
	s1 =	sadd.s32 s1, s30  }
0xc6: {  	s0 =	sor.u32 s3, s0;
	s1 =	sshll.u32 s1, $0x11  }
0xc7: {  	s0 =	sor.u32 s1, s0  }
0xc8: {  	s0 =	sadd.s32 $0x8F2B, s0  }
0xc9: {  	[sflag:s0] =	ssyncadd.remote.s32 $0x1  }
0xca: {  	_ =	sfence.sel $0xFFFF  }
0xcb: {  	[dreg:$0x0] =	wrdreg $0xFFFFFFFF;
	(pc) =	sbr.abs _section_cstart, $3  }
0xcc: {  	[dreg:$0x1] =	wrdreg $0xFFFFFFFF  }
0xcd: {  	_ =	task.clear_ibuf [dreg:s12], $0x2FFFF;
	_ =	strace $0x9FFFFFFF  }
0xce: {  	(tm) =	ssettm $0x7FFFFFFF  }
0xcf: {  	_ =	shalt  }
tec
execute0_lowered:
.L_overlay_start_1:
0x0: {  	(tag) =	ssettag $0x1  }
0x1: {  	s5 =	rddreg [dreg:$0x0]  }
0x2: {  	s7 =	rddreg [dreg:$0x1]  }
0x3: {  	s10 =	rddreg [dreg:$0x3]  }
0x4: {  	s0 =	srdreg.scid;
	s20 =	rddreg [dreg:$0x4];
	v10 =	vimm.s32 $0xEFCDAB89;
	v13 =	vimm.s32 $0x67452301  }
0x5: {  	s1 =	stileid.u32;
	s21 =	rddreg [dreg:$0x5];
	s3 =	simm.s32 $0x0;
	v15 =	vimm.s32 $0x54761032;
	v16 =	vimm.s32 $0xBA98FEDC;
	v17 =	vimm.s32 $0x32107654  }
0x6: {  	v0 =	vlaneseq.u32;
	v20 =	vimm.s32 $0x76543210;
	s18 =	simm.s32 $0x4000;
	v22 =	vimm.s32 $0x0;
	s28 =	simm.s32 $0x8380;
	s30 =	simm.s32 $0xA380  }
0x7: {  	s31 =	simm.s32 $0x4;
	s17 =	simm.s32 $0x3;
	s19 =	simm.s32 $0x0;
	v1 =	vmul.u32 $0x80, v0;
	v12 =	vunpack.c.l.s4.s8 v10;
	v11 =	vor.u32 $0x10, v0  }
0x8: {  	s4 =	sand.u32 $0x1, s0;
	s2 =	sshll.u32 s1, $0x1;
	[smem:$0x7FF] =	sst s3;
	v15 =	vunpack.c.l.s4.s8 v15;
	v16 =	vunpack.c.l.s4.s8 v16;
	v21 =	vor.u32 $0x70, v0  }
0x9: {  	s23 =	sshrl.u32 s1, $0x1;
	v53 =	vor.u32 $0x2000, v0;
	v54 =	vor.u32 $0x2010, v0;
	v55 =	vor.u32 $0x2020, v0;
	s11 =	sor.u32 s4, s2;
	s4 =	ssub.s32 $0x2, s4  }
0xa: {  	v56 =	vor.u32 $0x2030, v0;
	v57 =	vor.u32 $0x2040, v0;
	v58 =	vor.u32 $0x2050, v0;
	s9 =	sshll.u32 s23, $0x10;
	s16 =	sshll.u32 s23, $0xA;
	s23 =	simm.s32 $0x8080  }
0xb: {  	v30 =	vor.u32 $0x2060, v0;
	v31 =	vor.u32 $0x2070, v0;
	s12 =	sshllo.u32 s11, $0x1;
	s6 =	sshll.u32 s11, $0xE;
	v4 =	vor.u32 $0x800, v1;
	s8 =	sshll.u32 s11, $0x8  }
0xc: {  	v5 =	vor.u32 $0x1000, v1;
	v6 =	vor.u32 $0x1800, v1;
	v7 =	vor.u32 $0x2000, v1;
	s14 =	sshrl.u32 s4, $0x1;
	s26 =	sshll.u32 s11, $0xB;
	s22 =	sshll.u32 s12, $0xD  }
0xd: {  	v8 =	vor.u32 $0x2800, v1;
	v9 =	vor.u32 $0x3000, v1;
	v10 =	vor.u32 $0x3800, v1;
	s8 =	sand.u32 $0x300, s8;
	s13 =	sshll.u32 s12, $0x7;
	s14 =	ssub.s32 s4, s14  }
0xe: {  	v14 =	vunpack.c.0.s8.s32 v12;
	v12 =	vunpack.c.l.s4.s8 v13;
	v13 =	vimm.s32 $0xDCFE98BA;
	s29 =	sshll.u32 s12, $0xA;
	s12 =	sadd.s32 s21, s26;
	s15 =	sor.u32 s9, s8  }
0xf: {  	v15 =	vunpack.c.0.s8.s32 v15;
	v2 =	vmov s6;
	v13 =	vunpack.c.l.s4.s8 v13;
	s13 =	sand.u32 $0x380, s13;
	s8 =	sor.u32 s16, s8;
	s14 =	smax.u32 s14, $0x1  }
0x10: {  	[tilespmem:$0x1FF80] =	vst v2;
	v2 =	vmov s22;
	v18 =	vunpack.c.0.s8.s32 v12;
	v12 =	vunpack.c.l.s4.s8 v17;
	s22 =	simm.s32 $0x8200;
	s15 =	sshrl.u32 s15, $0x3;
	s9 =	sor.u32 s9, s13  }
0x11: {  	v16 =	vunpack.c.0.s8.s32 v16;
	v17 =	vimm.s32 $0xFEDCBA98;
	[tilespmem:$0x1FF90] =	vst v2;
	v13 =	vunpack.c.0.s8.s32 v13;
	s25 =	sshrl.u32 s8, $0x3;
	s13 =	sor.u32 s16, s13;
	s16 =	simm.s32 $0x400  }
0x12: {  	v17 =	vunpack.c.l.s4.s8 v17;
	_ =	strace $0x80000047;
	s24 =	sadd.s32 s5, s15;
	s9 =	sshrl.u32 s9, $0x3;
	v19 =	vunpack.c.0.s8.s32 v12;
	v12 =	vor.u32 $0x20, v0;
	[tilespmem:$0x1FFA0] =	vst v53  }
0x13: {  	s6 =	sadd.s32 s7, s15;
	s8 =	sadd.s32 s10, s25;
	s13 =	sshrl.u32 s13, $0x3;
	v14 =	vcombine.low v18, v14;
	v18 =	vunpack.c.l.s4.s8 v20;
	v20 =	vor.u32 $0x60, v0;
	[tilespmem:$0x1FFB0] =	vst v54  }
0x14: {  	s15 =	simm.s32 $0x80;
	[tilespmem:$0x1FFC0] =	vst v55;
	[dreg:$0x7] =	wrdreg s24;
	s5 =	sadd.s32 s5, s9;
	v15 =	vcombine.low v15, v13;
	v17 =	vunpack.c.0.s8.s32 v17;
	v13 =	vor.u32 $0x30, v0  }
0x15: {  	[tilespmem:$0x1FFD0] =	vst v56;
	s7 =	sadd.s32 s7, s9;
	s9 =	sadd.s32 s20, s25;
	s10 =	sadd.s32 s10, s13;
	v16 =	vcombine.low v19, v16;
	v14 =	vand.u32 $0xF, v14;
	v18 =	vunpack.c.0.s8.s32 v18  }
0x16: {  	[tilespmem:$0x1FFE0] =	vst v57;
	s11 =	sadd.s32 s20, s13;
	s13 =	sadd.s32 s21, s29;
	s20 =	simm.s32 $0x1;
	v19 =	vor.u32 $0x50, v0;
	v15 =	vand.u32 $0xF, v15;
	v17 =	vand.u32 $0xF, v17  }
0x17: {  	[tilespmem:$0x1FFF0] =	vst v58;
	s21 =	simm.s32 $0x8000;
	s24 =	simm.s32 $0x2;
	s25 =	simm.s32 $0x40;
	v16 =	vand.u32 $0xF, v16;
	v17 =	vcombine.low v17, v18;
	v18 =	vor.u32 $0x40, v0  }
.LBB2_1:
0x18: {  	s0 =	rddreg [dreg:$0x7]  }
0x19: {  	[tilespmem:s3], [sflag:$0x1] =	stream.strided.gather [hbm4b:s0+s15], $0x2000, s16, s15, $0x38;
	[tilespmem:$0xC380] =	vst v63  }
0x1a: {  	s1 =	simm.s32 $0x2000  }
0x1b: {  	[tilespmem:s1], [sflag:$0x1] =	stream.strided.gather [hbm4b:s5+s15], $0x2000, s16, s15, $0x38;
	[tilespmem:$0xC380] =	vst v63  }
0x1c: {  	_ = 	snop  }
0x1d: {  	[tilespmem:s18], [sflag:$0x2] =	stream.strided.gather [hbm4b:s6+s15], $0x2000, s16, s15, $0x38;
	[tilespmem:$0xC380] =	vst v63  }
0x1e: {  	s2 =	simm.s32 $0x6000  }
0x1f: {  	v32 =	vadd.s32 s3, v0;
	[tilespmem:s2], [sflag:$0x2] =	stream.strided.gather [hbm4b:s7+s15], $0x2000, s16, s15, $0x38;
	[tilespmem:$0xC380] =	vst v63  }
0x20: {  	v37 =	vand.u32 $0x7F, v32;
	_ =	swait.ge [sflag:s20], $0x2000  }
0x21: {  	v33 =	vor.u32 v1, v37;
	[sflag:s20] =	ssyncset.done $0x0  }
0x22: {  	v59 =	vor.u32 v4, v37;
	[sflag:s20] =	ssyncadd.s32 $0xFFFFE000  }
0x23: {  	s4 =	simm.s32 $0x1;
	v40 =	vor.u32 v9, v37;
	_ =	swait.ge [sflag:s20], $0x2000  }
0x24: {  	v61 =	vadd.s32 s4, v0;
	v43 =	vor.u32 v5, v37;
	[sflag:s20] =	ssyncset.done $0x0  }
0x25: {  	v62 =	vor.u32 v7, v37;
	v45 =	vand.u32 $0x7F, v61;
	[sflag:s20] =	ssyncadd.s32 $0xFFFFE000  }
0x26: {  	v63 =	vor.u32 v10, v45;
	v41 =	vld.idx.msk [tilespmem:v33+s3+$0x0], $0xffff  }
0x27: {  	v46 =	vor.u32 v4, v45;
	v44 =	vld.idx.msk [tilespmem:v59+s3+$0x0], $0xffff  }
0x28: {  	v47 =	vor.u32 v6, v37;
	v40 =	vld.idx.msk [tilespmem:v40+s3+$0x0], $0xffff  }
0x29: {  	v24 =	vor.u32 v8, v37;
	v43 =	vld.idx.msk [tilespmem:v43+s3+$0x0], $0xffff  }
0x2a: {  	v48 =	vor.u32 v1, v45;
	v49 =	vld.idx.msk [tilespmem:v62+s3+$0x0], $0xffff  }
0x2b: {  	v25 =	vor.u32 v5, v45;
	v33 =	vld.idx.msk [tilespmem:v63+s3+$0x0], $0xffff  }
0x2c: {  	v26 =	vor.u32 v6, v45;
	s2 =	simm.s32 $0x2;
	v53 =	vld.idx.msk [tilespmem:v46+s3+$0x0], $0xffff  }
0x2d: {  	v27 =	vor.u32 v7, v45;
	v58 =	vadd.s32 s2, v0;
	v47 =	vld.idx.msk [tilespmem:v47+s3+$0x0], $0xffff  }
0x2e: {  	v50 =	vor.u32 v8, v45;
	v39 =	vand.u32 $0x7F, v58;
	v54 =	vld.idx.msk [tilespmem:v24+s3+$0x0], $0xffff  }
0x2f: {  	v34 =	vor.u32 v6, v39;
	v48 =	vld.idx.msk [tilespmem:v48+s3+$0x0], $0xffff  }
0x30: {  	v35 =	vor.u32 v4, v39;
	v57 =	vld.idx.msk [tilespmem:v25+s3+$0x0], $0xffff  }
0x31: {  	v38 =	vor.u32 v7, v39;
	v59 =	vld.idx.msk [tilespmem:v26+s3+$0x0], $0xffff  }
0x32: {  	v42 =	vor.u32 v5, v39;
	v62 =	vld.idx.msk [tilespmem:v27+s3+$0x0], $0xffff  }
0x33: {  	v60 =	vor.u32 v9, v39;
	v2 =	vld.idx.msk [tilespmem:v50+s3+$0x0], $0xffff  }
0x34: {  	v55 =	vor.u32 v8, v39;
	v51 =	vld.idx.msk [tilespmem:v34+s3+$0x0], $0xffff  }
0x35: {  	s26 =	simm.s32 $0x3;
	v23 =	vimm.f32 $-Inf;
	v36 =	vld.idx.msk [tilespmem:v35+s3+$0x0], $0xffff  }
0x36: {  	v37 =	vor.u32 v10, v37;
	v45 =	vor.u32 v9, v45;
	v63 =	vadd.s32 s26, v0;
	v34 =	vld.idx.msk [tilespmem:v38+s3+$0x0], $0xffff  }
0x37: {  	v52 =	vld.idx.msk [tilespmem:v42+s3+$0x0], $0xffff;
	v56 =	vand.u32 $0x7F, v63;
	v38 =	vor.u32 v1, v39;
	v42 =	vor.u32 v10, v39  }
0x38: {  	v32 =	vld.idx.msk [tilespmem:v60+s3+$0x0], $0xffff;
	v35 =	vor.u32 v10, v56;
	v60 =	vor.u32 v1, v56;
	v63 =	vor.u32 v4, v56  }
0x39: {  	v46 =	vld.idx.msk [tilespmem:v55+s3+$0x0], $0xffff;
	v3 =	vor.u32 v5, v56;
	v55 =	vor.u32 v6, v56;
	v50 =	vor.u32 v8, v56  }
0x3a: {  	v58 =	vmax.f32 v23, v43;
	v61 =	vmax.f32 v23, v49;
	v24 =	vmax.f32 v23, v41  }
0x3b: {  	v45 =	vld.idx.msk [tilespmem:v45+s3+$0x0], $0xffff;
	v43 =	vor.u32 v9, v56;
	v25 =	vmax.f32 v23, v47;
	v47 =	vmax.f32 v23, v40  }
0x3c: {  	v49 =	vor.u32 v7, v56;
	v26 =	vmax.f32 v23, v44;
	v39 =	vmax.f32 v24, v48;
	v48 =	vld.idx.msk [tilespmem:v37+s3+$0x0], $0xffff  }
0x3d: {  	v27 =	vmax.f32 v23, v54;
	v57 =	vmax.f32 v58, v57;
	v59 =	vmax.f32 v25, v59;
	v40 =	vld.idx.msk [tilespmem:v60+s3+$0x0], $0xffff  }
0x3e: {  	v56 =	vmax.f32 v26, v53;
	v54 =	vmax.f32 v61, v62;
	v37 =	vimm.f32 $-Inf;
	v41 =	vld.idx.msk [tilespmem:v63+s3+$0x0], $0xffff  }
0x3f: {  	s29 =	simm.s32 $0x4;
	s26 =	simm.s32 $0x0;
	v44 =	vmax.f32 v57, v52;
	v52 =	vmax.f32 v59, v51;
	v51 =	vmax.f32 v27, v2;
	v53 =	vld.idx.msk [tilespmem:v3+s3+$0x0], $0xffff  }
.LBB2_2:
0x40: {  	s0 =	sadd.s32 $0x2, s29  }
0x41: {  	v2 =	vadd.s32 s29, v0;
	s1 =	sadd.s32 $0x3, s29;
	v3 =	vmax.f32 v56, v36;
	v34 =	vmax.f32 v54, v34;
	v36 =	vld.idx.msk [tilespmem:v55+s26+$0x0], $0xffff;
	s4 =	smov.u32 s29;
	s2 =	sadd.s32 $0x4, s29  }
0x42: {  	p0 =	sne.s32 s29, $0x7C;
	v45 =	vmax.f32 v47, v45;
	v2 =	vand.u32 $0x7F, v2;
	v54 =	vadd.s32 s0, v0;
	v47 =	vld.idx.msk [tilespmem:v49+s26+$0x0], $0xffff  }
0x43: {  	v46 =	vmax.f32 v51, v46;
	v49 =	vor.u32 v1, v2;
	v54 =	vand.u32 $0x7F, v54;
	v50 =	vld.idx.msk [tilespmem:v50+s26+$0x0], $0xffff  }
0x44: {  	v32 =	vmax.f32 v45, v32;
	v51 =	vor.u32 v4, v2;
	v55 =	vor.u32 v5, v54;
	v43 =	vld.idx.msk [tilespmem:v43+s26+$0x0], $0xffff  }
0x45: {  	v45 =	vor.u32 v5, v2;
	v56 =	vor.u32 v6, v54;
	v37 =	vmax.f32 v37, v48;
	v42 =	vld.idx.msk [tilespmem:v42+s26+$0x0], $0xffff  }
0x46: {  	v57 =	vor.u32 v9, v2;
	v48 =	vor.u32 v6, v2;
	v58 =	vor.u32 v4, v54;
	v35 =	vld.idx.msk [tilespmem:v35+s26+$0x0], $0xffff  }
0x47: {  	v59 =	vor.u32 v7, v2;
	v60 =	vor.u32 v7, v54;
	v52 =	vmax.f32 v52, v36;
	v38 =	vld.idx.msk [tilespmem:v38+s26+$0x0], $0xffff;
	s26 =	simm.s32 $0x0  }
0x48: {  	s0 =	sadd.s32 $0x1, s4;
	v61 =	vor.u32 v8, v2;
	v62 =	vor.u32 v9, v54;
	v44 =	vmax.f32 v44, v53;
	v49 =	vld.idx.msk [tilespmem:v49+s26+$0x0], $0xffff  }
0x49: {  	v53 =	vor.u32 v8, v54;
	v36 =	vadd.s32 s0, v0;
	v47 =	vmax.f32 v34, v47;
	v51 =	vld.idx.msk [tilespmem:v51+s26+$0x0], $0xffff  }
0x4a: {  	v24 =	vadd.s32 s1, v0;
	v63 =	vand.u32 $0x7F, v36;
	v25 =	vmax.f32 v32, v43;
	v56 =	vld.idx.msk [tilespmem:v56+s26+$0x0], $0xffff  }
0x4b: {  	v23 =	vor.u32 v10, v63;
	v43 =	vor.u32 v1, v63;
	v32 =	vmax.f32 v37, v33;
	v36 =	vld.idx.msk [tilespmem:v58+s26+$0x0], $0xffff  }
0x4c: {  	v24 =	vand.u32 $0x7F, v24;
	v58 =	vor.u32 v4, v63;
	v34 =	vld.idx.msk [tilespmem:v60+s26+$0x0], $0xffff;
	v60 =	vmax.f32 v46, v50  }
0x4d: {  	v3 =	vmax.f32 v3, v41;
	v33 =	vmax.f32 v32, v42;
	v46 =	vor.u32 v5, v63;
	v50 =	vld.idx.msk [tilespmem:v57+s26+$0x0], $0xffff  }
0x4e: {  	v41 =	vor.u32 v6, v63;
	v37 =	vmax.f32 v33, v35;
	v38 =	vmax.f32 v39, v38;
	v32 =	vld.idx.msk [tilespmem:v62+s26+$0x0], $0xffff  }
0x4f: {  	v35 =	vor.u32 v10, v24;
	v39 =	vor.u32 v7, v63;
	v40 =	vmax.f32 v38, v40;
	v57 =	vld.idx.msk [tilespmem:v55+s26+$0x0], $0xffff  }
0x50: {  	v42 =	vor.u32 v8, v63;
	v38 =	vld.idx.msk [tilespmem:v45+s26+$0x0], $0xffff  }
0x51: {  	v55 =	vor.u32 v9, v63;
	v45 =	vld.idx.msk [tilespmem:v59+s26+$0x0], $0xffff  }
0x52: {  	v33 =	vld.idx.msk [tilespmem:v23+s26+$0x0], $0xffff  }
0x53: {  	v23 =	vld.idx.msk [tilespmem:v58+s26+$0x0], $0xffff  }
0x54: {  	v48 =	vld.idx.msk [tilespmem:v48+s26+$0x0], $0xffff  }
0x55: {  	v58 =	vld.idx.msk [tilespmem:v61+s26+$0x0], $0xffff  }
0x56: {  	v59 =	vld.idx.msk [tilespmem:v43+s26+$0x0], $0xffff  }
0x57: {  	v44 =	vmax.f32 v44, v38;
	v61 =	vld.idx.msk [tilespmem:v46+s26+$0x0], $0xffff  }
0x58: {  	v62 =	vor.u32 v1, v24;
	v41 =	vld.idx.msk [tilespmem:v41+s26+$0x0], $0xffff  }
0x59: {  	v27 =	vor.u32 v4, v24;
	v63 =	vmax.f32 v47, v45;
	v26 =	vld.idx.msk [tilespmem:v39+s26+$0x0], $0xffff  }
0x5a: {  	v2 =	vor.u32 v10, v2;
	v38 =	vor.u32 v1, v54;
	v28 =	vld.idx.msk [tilespmem:v42+s26+$0x0], $0xffff;
	v42 =	vor.u32 v10, v54  }
0x5b: {  	v29 =	vor.u32 v5, v24;
	v43 =	vor.u32 v9, v24;
	v39 =	vmax.f32 v40, v49;
	v45 =	vld.idx.msk [tilespmem:v55+s26+$0x0], $0xffff  }
.Ltmp0:
0x5c: {  	v48 =	vmax.f32 v52, v48;
	v39 =	vmax.f32 v39, v59;
	v55 =	vor.u32 v6, v24;
	v46 =	vld.idx.msk [tilespmem:v53+s26+$0x0], $0xffff;
	(pc) =	sbr.rel @p0 .LBB2_2-.Ltmp0, $4  }
0x5d: {  	v47 =	vmax.f32 v25, v50;
	v49 =	vor.u32 v7, v24;
	v25 =	vmax.f32 v44, v61;
	v40 =	vld.idx.msk [tilespmem:v62+s26+$0x0], $0xffff  }
0x5e: {  	v3 =	vmax.f32 v3, v51;
	v50 =	vor.u32 v8, v24;
	v51 =	vmax.f32 v48, v41;
	v41 =	vld.idx.msk [tilespmem:v27+s26+$0x0], $0xffff  }
0x5f: {  	v24 =	vmax.f32 v60, v58;
	v44 =	vmax.f32 v25, v57;
	v52 =	vmax.f32 v51, v56;
	v48 =	vld.idx.msk [tilespmem:v2+s26+$0x0], $0xffff  }
0x60: {  	s29 =	smov.u32 s2;
	v56 =	vmax.f32 v3, v23;
	v54 =	vmax.f32 v63, v26;
	v51 =	vmax.f32 v24, v28;
	v53 =	vld.idx.msk [tilespmem:v29+s26+$0x0], $0xffff  }
0x61: {  	_ =	sdelay $0x3  }
0x62: {  	v2 =	vld.idx.msk [tilespmem:v55+s26+$0x0], $0xffff  }
0x63: {  	v3 =	vld.idx.msk [tilespmem:v38+s26+$0x0], $0xffff;
	_ =	sdelay $0x4  }
0x64: {  	v23 =	vmax.f32 v56, v36;
	v38 =	vmax.f32 v52, v2;
	v2 =	vmax.f32 v39, v3  }
0x65: {  	v41 =	vmax.f32 v23, v41;
	v39 =	vmax.f32 v44, v53;
	v40 =	vmax.f32 v2, v40  }
0x66: {  	vm0 =	vgt.f32 v38, v39;
	vm1 =	vgt.f32 v41, v40  }
0x67: {  	v3 =	vsel vm0, v38, v39;
	v2 =	vsel vm1, v41, v40  }
0x68: {  	vm2 =	vgt.f32 v3, v2  }
0x69: {  	v2 =	vsel vm2, v3, v2  }
0x6a: {  	v3 =	vperm.xlane v2, v14;
	_ =	sdelay $0x1  }
0x6b: {  	v3 =	vmax.f32 v2, v3  }
0x6c: {  	v23 =	vperm.xlane v3, v15;
	_ =	sdelay $0x1  }
0x6d: {  	v3 =	vmax.f32 v3, v23  }
0x6e: {  	v23 =	vperm.xlane v3, v16;
	_ =	sdelay $0x1  }
0x6f: {  	v3 =	vmax.f32 v3, v23  }
0x70: {  	v23 =	vperm.xlane v3, v17;
	_ =	sdelay $0x1  }
0x71: {  	v24 =	vsel vm0, v13, v12;
	v25 =	vsel vm1, v11, v0;
	v44 =	vmax.f32 v3, v23  }
0x72: {  	v3 =	vsel vm2, v24, v25;
	vm0 =	veq.f32 v2, v44  }
0x73: {  	v2 =	vnsel vm0, $0x100000, v3  }
0x74: {  	v3 =	vperm.xlane v2, v14;
	_ =	sdelay $0x1  }
0x75: {  	vm0 =	vlt.s32 v2, v3  }
0x76: {  	v2 =	vsel vm0, v2, v3  }
0x77: {  	v3 =	vperm.xlane v2, v15;
	_ =	sdelay $0x1  }
0x78: {  	vm0 =	vlt.s32 v2, v3  }
0x79: {  	v2 =	vsel vm0, v2, v3  }
0x7a: {  	v63 =	vperm.xlane v2, v16;
	_ =	sdelay $0x1  }
0x7b: {  	v36 =	vld.idx.msk [tilespmem:v43+s26+$0x0], $0xffff;
	vm0 =	vlt.s32 v2, v63  }
0x7c: {  	v23 =	vld.idx.msk [tilespmem:v49+s26+$0x0], $0xffff;
	v2 =	vsel vm0, v2, v63  }
0x7d: {  	v3 =	vld.idx.msk [tilespmem:v50+s26+$0x0], $0xffff;
	v29 =	vperm.xlane v2, v17  }
0x7e: {  	v26 =	vld.idx.msk [tilespmem:v42+s26+$0x0], $0xffff  }
0x7f: {  	v27 =	vld.idx.msk [tilespmem:v35+s26+$0x0], $0xffff;
	v43 =	vmax.f32 v54, v34;
	v28 =	vmax.f32 v47, v45;
	vm0 =	vlt.s32 v2, v29  }
0x80: {  	v28 =	vmax.f32 v28, v32;
	v49 =	vmax.f32 v51, v46;
	v45 =	vsel vm0, v2, v29  }
0x81: {  	v32 =	vmax.f32 v43, v23;
	v50 =	vmax.f32 v37, v48;
	v2 =	vshll.u32 v45, $0x7  }
0x82: {  	v23 =	vmax.f32 v50, v33;
	v35 =	vmax.f32 v49, v3;
	v3 =	vor.u32 v21, v2  }
0x83: {  	v23 =	vmax.f32 v23, v26;
	v52 =	vor.u32 v20, v2  }
0x84: {  	v33 =	vmax.f32 v28, v36;
	v34 =	vmax.f32 v23, v27;
	v53 =	vor.u32 v19, v2  }
0x85: {  	vm2 =	vgt.f32 v34, v33;
	vm0 =	vgt.f32 v35, v32;
	v54 =	vor.u32 v18, v2  }
0x86: {  	v51 =	vsel vm2, v34, v33;
	v23 =	vsel vm0, v35, v32;
	v55 =	vor.u32 v13, v2  }
0x87: {  	vm5 =	vgt.f32 v51, v23;
	v29 =	vor.u32 v12, v2;
	v3 =	vld.idx.msk [tilespmem:v3+s3+$0x0], $0xffff  }
0x88: {  	v56 =	vor.u32 v11, v2;
	v23 =	vsel vm5, v51, v23;
	v25 =	vld.idx.msk [tilespmem:v52+s3+$0x0], $0xffff  }
0x89: {  	v57 =	vor.u32 v0, v2;
	v28 =	vperm.xlane v23, v14;
	v26 =	vld.idx.msk [tilespmem:v53+s3+$0x0], $0xffff  }
0x8a: {  	v24 =	vld.idx.msk [tilespmem:v54+s3+$0x0], $0xffff  }
0x8b: {  	v28 =	vmax.f32 v23, v28;
	v27 =	vld.idx.msk [tilespmem:v55+s3+$0x0], $0xffff  }
0x8c: {  	v58 =	vperm.xlane v28, v15;
	v29 =	vld.idx.msk [tilespmem:v29+s3+$0x0], $0xffff  }
0x8d: {  	v59 =	vld.idx.msk [tilespmem:v56+s3+$0x0], $0xffff  }
0x8e: {  	v63 =	vld.idx.msk [tilespmem:v57+s3+$0x0], $0xffff;
	v28 =	vmax.f32 v28, v58  }
0x8f: {  	v62 =	vsel vm2, v13, v12;
	v60 =	vsel vm0, v11, v0;
	v42 =	vperm.xlane v28, v16  }
0x90: {  	v52 =	vsel vm5, v62, v60;
	vm1 =	veq.f32 v3, v44;
	vm0 =	veq.f32 v25, v44  }
0x91: {  	vm2 =	veq.f32 v26, v44;
	v28 =	vmax.f32 v28, v42;
	vm3 =	veq.f32 v24, v44  }
0x92: {  	vm4 =	veq.f32 v27, v44;
	vm15 =	veq.f32 v29, v44;
	v61 =	vnsel vm1, $0x100000, v21  }
0x93: {  	vm6 =	veq.f32 v59, v44;
	vm8 =	veq.f32 v63, v44;
	v51 =	vsel vm0, v20, v61  }
0x94: {  	v42 =	vperm.xlane v28, v17;
	v53 =	vsel vm6, $0x1, v22;
	v37 =	vsel vm2, v19, v51  }
0x95: {  	v54 =	vsel vm15, $0x1, v22;
	v56 =	vsel vm8, $0x1, v22;
	v37 =	vsel vm3, v18, v37  }
0x96: {  	v43 =	vsel vm6, $0xFF800000, v59;
	v59 =	vsel vm4, $0x1, v22;
	v37 =	vsel vm4, v13, v37  }
0x97: {  	v50 =	vsel vm0, $0x1, v22;
	v36 =	vmax.f32 v28, v42;
	v28 =	vsel vm15, v12, v37  }
0x98: {  	v48 =	vmax.f32 v63, v43;
	vm7 =	veq.f32 v23, v36;
	v23 =	vsel vm6, v11, v28  }
0x99: {  	v61 =	vsel vm3, $0x1, v22;
	v28 =	vnsel vm7, $0x100000, v52;
	v23 =	vsel vm8, v0, v23  }
0x9a: {  	v43 =	vsel vm8, v43, v48;
	v57 =	vperm.xlane v28, v14;
	v55 =	vperm.xlane v23, v14  }
0x9b: {  	v63 =	vsel vm2, $0x1, v22;
	v42 =	vadd.s32 v56, v53;
	v29 =	vmax.f32 v43, v29  }
0x9c: {  	v42 =	vadd.s32 v54, v42;
	vm7 =	vlt.s32 v28, v57;
	vm10 =	vlt.s32 v23, v55  }
0x9d: {  	v29 =	vsel vm15, v43, v29;
	v28 =	vsel vm7, v28, v57;
	v23 =	vsel vm10, v23, v55  }
0x9e: {  	v27 =	vmax.f32 v29, v27;
	v58 =	vperm.xlane v28, v15;
	v47 =	vperm.xlane v23, v15  }
0x9f: {  	v48 =	vsel vm1, $0x1, v22;
	v42 =	vadd.s32 v59, v42;
	v27 =	vsel vm4, v29, v27  }
0xa0: {  	v24 =	vmax.f32 v27, v24;
	vm12 =	vlt.s32 v28, v58;
	vm11 =	vlt.s32 v23, v47  }
0xa1: {  	v24 =	vsel vm3, v27, v24;
	v28 =	vsel vm12, v28, v58;
	v23 =	vsel vm11, v23, v47  }
0xa2: {  	v26 =	vmax.f32 v24, v26;
	v60 =	vperm.xlane v28, v16;
	v29 =	vperm.xlane v23, v16  }
0xa3: {  	v37 =	vmov s26;
	v27 =	vadd.s32 v61, v42;
	v24 =	vsel vm2, v24, v26  }
0xa4: {  	v25 =	vmax.f32 v24, v25;
	vm13 =	vlt.s32 v28, v60;
	vm3 =	vlt.s32 v23, v29  }
0xa5: {  	v24 =	vsel vm0, v24, v25;
	v62 =	vsel vm13, v28, v60;
	v23 =	vsel vm3, v23, v29  }
0xa6: {  	v55 =	vld [tilespmem:$0x1FFC0];
	v3 =	vmax.f32 v24, v3;
	v29 =	vperm.xlane v62, v17;
	v28 =	vperm.xlane v23, v17  }
0xa7: {  	v52 =	vimm.f32 $-Inf;
	v49 =	vadd.s32 v63, v27;
	v3 =	vsel vm1, v24, v3;
	v58 =	vld [tilespmem:$0x1FFF0]  }
0xa8: {  	v53 =	vld [tilespmem:$0x1FFA0];
	v24 =	vadd.s32 v50, v49;
	vm3 =	vlt.s32 v62, v29;
	vm2 =	vlt.s32 v23, v28  }
0xa9: {  	v56 =	vld [tilespmem:$0x1FFD0];
	v24 =	vadd.s32 v48, v24;
	v42 =	vsel vm3, v62, v29;
	v23 =	vsel vm2, v23, v28  }
0xaa: {  	v62 =	vperm.xlane v24, v14;
	v43 =	vshll.u32 v42, $0x7;
	v2 =	vadd.s32 v2, v23  }
0xab: {  	v23 =	vperm.xlane v3, v14;
	v51 =	vadd.s32 v31, v43;
	v54 =	vadd.s32 v55, v43  }
0xac: {  	v28 =	vadd.s32 v58, v43;
	v61 =	vadd.s32 v30, v43;
	v26 =	vand.u32 $0xFFFFFF80, v51  }
0xad: {  	v60 =	vand.u32 $0xFFFFFF80, v54;
	v27 =	vand.u32 $0xFFFFFF80, v61;
	v54 =	vld [tilespmem:$0x1FFB0];
	v26 =	vor.u32 v21, v26  }
0xae: {  	v29 =	vadd.s32 v53, v43;
	v57 =	vadd.s32 v56, v43;
	v27 =	vor.u32 v20, v27  }
0xaf: {  	[tilespmem:v37+s21+$0x0] =	vst.idx.msk $0x1, v44;
	v24 =	vadd.s32 v24, v62;
	v59 =	vand.u32 $0xFFFFFF80, v57;
	v25 =	vor.u32 v12, v60  }
0xb0: {  	[tilespmem:v37+s22+$0x0] =	vst.idx.msk $0x1, v2;
	v28 =	vand.u32 $0xFFFFFF80, v28;
	v46 =	vor.u32 v13, v59;
	v3 =	vmax.f32 v3, v23  }
0xb1: {  	v29 =	vand.u32 $0xFFFFFF80, v29;
	v57 =	vld [tilespmem:$0x1FFE0];
	v28 =	vor.u32 v19, v28;
	v60 =	vperm.xlane v3, v15;
	[tilespmem:v2+s3+$0x0] =	vst.idx.msk $0x1, v52  }
0xb2: {  	v23 =	vperm.xlane v24, v15;
	v29 =	vor.u32 v0, v29;
	v63 =	vadd.s32 v54, v43;
	v26 =	vld.idx.msk [tilespmem:v26+s3+$0x0], $0xffff  }
0xb3: {  	v3 =	vmax.f32 v3, v60;
	v2 =	vand.u32 $0xFFFFFF80, v63;
	v27 =	vld.idx.msk [tilespmem:v27+s3+$0x0], $0xffff  }
0xb4: {  	v23 =	vadd.s32 v23, v24;
	v59 =	vperm.xlane v3, v16;
	v25 =	vld.idx.msk [tilespmem:v25+s3+$0x0], $0xffff;
	v2 =	vor.u32 v11, v2  }
0xb5: {  	v63 =	vperm.xlane v23, v16;
	v46 =	vld.idx.msk [tilespmem:v46+s3+$0x0], $0xffff  }
0xb6: {  	vm7 =	veq.s32 v45, v12;
	vm0 =	veq.s32 v45, v13;
	v28 =	vld.idx.msk [tilespmem:v28+s3+$0x0], $0xffff;
	v3 =	vmax.f32 v3, v59  }
0xb7: {  	v61 =	vadd.s32 v57, v43;
	v29 =	vld.idx.msk [tilespmem:v29+s3+$0x0], $0xffff;
	v23 =	vadd.s32 v63, v23;
	v48 =	vperm.xlane v3, v17  }
0xb8: {  	vm1 =	veq.s32 v45, v0;
	v62 =	vand.u32 $0xFFFFFF80, v61;
	v47 =	vperm.xlane v23, v17  }
0xb9: {  	vm2 =	veq.s32 v45, v11;
	v24 =	vor.u32 v18, v62;
	v3 =	vmax.f32 v3, v48;
	v2 =	vld.idx.msk [tilespmem:v2+s3+$0x0], $0xffff  }
0xba: {  	vm3 =	veq.f32 v26, v36;
	vm4 =	veq.f32 v27, v36;
	v23 =	vadd.s32 v47, v23  }
0xbb: {  	vm15 =	veq.f32 v46, v36;
	vm12 =	veq.f32 v25, v36;
	vm13 =	veq.f32 v28, v36  }
0xbc: {  	vm9 =	veq.f32 v29, v36;
	v60 =	vnsel vm3, $0x100000, v21;
	vm14 =	vgt.s32 v23, $0x1  }
0xbd: {  	v23 =	vsel vm3, $0x1, v22;
	v62 =	vsel vm9, $0x1, v22;
	v63 =	vsel vm13, $0x1, v22  }
0xbe: {  	v49 =	vsel vm15, $0x1, v22;
	v3 =	vsel vm14, v44, v3;
	vm14 =	veq.f32 v2, v36  }
0xbf: {  	v61 =	vsel vm4, v20, v60;
	v44 =	vsel vm4, $0x1, v22;
	v2 =	vsel vm14, $0xFF800000, v2  }
0xc0: {  	v24 =	vld.idx.msk [tilespmem:v24+s3+$0x0], $0xffff;
	v38 =	vsel vm0, v3, v38;
	v39 =	vsel vm7, v3, v39;
	v29 =	vmax.f32 v29, v2  }
0xc1: {  	v45 =	vsel vm13, v19, v61;
	v40 =	vsel vm1, v3, v40;
	v2 =	vsel vm9, v2, v29  }
0xc2: {  	v41 =	vsel vm2, v3, v41;
	v3 =	vsel vm12, $0x1, v22;
	v25 =	vmax.f32 v2, v25  }
0xc3: {  	vm0 =	vgt.f32 v38, v39;
	vm1 =	vgt.f32 v41, v40;
	v2 =	vsel vm12, v2, v25  }
0xc4: {  	v50 =	vsel vm1, v41, v40;
	v29 =	vsel vm14, $0x1, v22;
	v46 =	vmax.f32 v2, v46  }
0xc5: {  	vm10 =	veq.f32 v24, v36;
	v29 =	vadd.s32 v62, v29;
	v2 =	vsel vm15, v2, v46  }
0xc6: {  	v3 =	vadd.s32 v3, v29;
	v29 =	vsel vm10, v18, v45;
	v24 =	vmax.f32 v2, v24  }
0xc7: {  	v51 =	vsel vm0, v38, v39;
	v29 =	vsel vm15, v13, v29;
	v2 =	vsel vm10, v2, v24  }
0xc8: {  	vm2 =	vgt.f32 v51, v50;
	v59 =	vsel vm12, v12, v29;
	v28 =	vmax.f32 v2, v28  }
0xc9: {  	v45 =	vsel vm2, v51, v50;
	v24 =	vsel vm14, v11, v59;
	v2 =	vsel vm13, v2, v28  }
0xca: {  	v24 =	vsel vm9, v0, v24;
	v28 =	vperm.xlane v45, v14;
	v27 =	vmax.f32 v2, v27  }
0xcb: {  	v3 =	vadd.s32 v49, v3;
	v60 =	vperm.xlane v24, v14;
	v2 =	vsel vm4, v2, v27  }
0xcc: {  	[tilespmem:v37+s23+$0x0] =	vst.idx.msk $0x1, v36;
	v29 =	vsel vm10, $0x1, v22;
	v61 =	vmax.f32 v45, v28;
	v26 =	vmax.f32 v2, v26  }
0xcd: {  	vm15 =	vlt.s32 v24, v60;
	v62 =	vperm.xlane v61, v15;
	v2 =	vsel vm3, v2, v26  }
0xce: {  	v3 =	vadd.s32 v29, v3;
	v24 =	vsel vm15, v24, v60;
	v26 =	vperm.xlane v2, v14  }
0xcf: {  	v3 =	vadd.s32 v63, v3;
	v63 =	vperm.xlane v24, v15;
	v25 =	vmax.f32 v61, v62  }
0xd0: {  	v3 =	vadd.s32 v44, v3;
	v28 =	vperm.xlane v25, v16;
	v2 =	vmax.f32 v2, v26  }
0xd1: {  	v44 =	vadd.s32 v23, v3;
	vm3 =	vlt.s32 v24, v63;
	v3 =	vperm.xlane v2, v15  }
0xd2: {  	v48 =	vperm.xlane v44, v14;
	v47 =	vsel vm3, v24, v63;
	v50 =	vmax.f32 v25, v28  }
0xd3: {  	s29 =	simm.s32 $0x2;
	s26 =	simm.s32 $0x1;
	v49 =	vperm.xlane v47, v16;
	v51 =	vperm.xlane v50, v17;
	v46 =	vmax.f32 v2, v3  }
.LBB2_4:
0xd4: {  	p0 =	sne.s32 s29, $0x3F;
	v2 =	vsel vm0, v13, v12;
	v3 =	vor.u32 $0x40, v37;
	v23 =	vadd.s32 v44, v48;
	s2 =	smov.u32 s29;
	s29 =	sadd.s32 $0x1, s29  }
0xd5: {  	v24 =	vsel vm1, v11, v0;
	v44 =	vmax.f32 v50, v51;
	vm0 =	vlt.s32 v47, v49  }
0xd6: {  	v2 =	vsel vm2, v2, v24;
	vm1 =	veq.f32 v45, v44;
	v24 =	vsel vm0, v47, v49  }
0xd7: {  	v26 =	vperm.xlane v23, v15;
	v2 =	vnsel vm1, $0x100000, v2;
	v25 =	vperm.xlane v24, v17  }
0xd8: {  	v27 =	vperm.xlane v2, v14  }
0xd9: {  	v23 =	vadd.s32 v26, v23;
	vm0 =	vlt.s32 v24, v25  }
0xda: {  	vm1 =	vlt.s32 v2, v27;
	v24 =	vsel vm0, v24, v25;
	v25 =	vperm.xlane v23, v16  }
0xdb: {  	v2 =	vsel vm1, v2, v27;
	v26 =	vadd.s32 v43, v24;
	v27 =	vperm.xlane v46, v16  }
0xdc: {  	v24 =	vand.u32 $0x7F, v24;
	v28 =	vperm.xlane v2, v15;
	[tilespmem:v3+s22+$0x0] =	vst.idx.msk $0x1, v26;
	v3 =	vand.u32 $0xFFFFFF80, v26  }
0xdd: {  	v23 =	vadd.s32 v25, v23;
	v26 =	vmax.f32 v46, v27;
	v3 =	vor.u32 v24, v3  }
0xde: {  	vm0 =	vlt.s32 v2, v28;
	v24 =	vperm.xlane v26, v17;
	v3 =	vadd.s32 $0x2000, v3  }
0xdf: {  	v25 =	vperm.xlane v23, v17;
	v2 =	vsel vm0, v2, v28  }
0xe0: {  	vm1 =	veq.s32 v42, v13;
	v27 =	vperm.xlane v2, v16;
	v24 =	vmax.f32 v26, v24  }
0xe1: {  	vm2 =	veq.s32 v42, v12;
	v23 =	vadd.s32 v25, v23;
	vm0 =	veq.s32 v42, v0  }
0xe2: {  	vm5 =	veq.s32 v42, v11;
	vm4 =	vgt.s32 v23, $0x1;
	vm3 =	vlt.s32 v2, v27  }
0xe3: {  	v23 =	vsel vm4, v36, v24;
	v2 =	vsel vm3, v2, v27;
	[tilespmem:v3+s3+$0x0] =	vst.idx.msk $0x1, v52  }
0xe4: {  	v32 =	vsel vm0, v23, v32;
	v35 =	vsel vm5, v23, v35;
	v3 =	vperm.xlane v2, v17  }
0xe5: {  	v33 =	vsel vm2, v23, v33;
	v34 =	vsel vm1, v23, v34;
	vm0 =	vgt.f32 v35, v32  }
0xe6: {  	vm2 =	vgt.f32 v34, v33;
	v23 =	vsel vm0, v35, v32;
	vm1 =	vlt.s32 v2, v3  }
0xe7: {  	v45 =	vsel vm1, v2, v3;
	v2 =	vsel vm2, v34, v33  }
0xe8: {  	v43 =	vshll.u32 v45, $0x7;
	vm4 =	vgt.f32 v2, v23  }
0xe9: {  	v3 =	vor.u32 v20, v43;
	v24 =	vor.u32 v21, v43;
	v2 =	vsel vm4, v2, v23  }
0xea: {  	v23 =	vor.u32 v13, v43;
	v25 =	vor.u32 v18, v43;
	v26 =	vor.u32 v19, v43  }
0xeb: {  	v27 =	vor.u32 v0, v43;
	v28 =	vor.u32 v11, v43;
	v29 =	vperm.xlane v2, v14;
	_ =	sdelay $0x1  }
0xec: {  	v29 =	vmax.f32 v2, v29  }
0xed: {  	v36 =	vor.u32 v12, v43;
	v37 =	vperm.xlane v29, v15;
	v24 =	vld.idx.msk [tilespmem:v24+s3+$0x0], $0xffff  }
0xee: {  	v3 =	vld.idx.msk [tilespmem:v3+s3+$0x0], $0xffff  }
0xef: {  	v29 =	vmax.f32 v29, v37;
	v26 =	vld.idx.msk [tilespmem:v26+s3+$0x0], $0xffff  }
0xf0: {  	v25 =	vld.idx.msk [tilespmem:v25+s3+$0x0], $0xffff  }
0xf1: {  	v23 =	vld.idx.msk [tilespmem:v23+s3+$0x0], $0xffff  }
0xf2: {  	v42 =	vld.idx.msk [tilespmem:v36+s3+$0x0], $0xffff;
	v36 =	vperm.xlane v29, v16  }
0xf3: {  	v46 =	vsel vm2, v13, v12;
	v37 =	vsel vm0, v11, v0;
	vm1 =	veq.f32 v24, v44;
	v28 =	vld.idx.msk [tilespmem:v28+s3+$0x0], $0xffff  }
0xf4: {  	vm0 =	veq.f32 v3, v44;
	v47 =	vnsel vm1, $0x100000, v21;
	v27 =	vld.idx.msk [tilespmem:v27+s3+$0x0], $0xffff;
	v29 =	vmax.f32 v29, v36  }
0xf5: {  	vm2 =	veq.f32 v26, v44;
	v36 =	vsel vm0, v20, v47;
	v47 =	vperm.xlane v29, v17  }
0xf6: {  	v37 =	vsel vm4, v46, v37;
	vm3 =	veq.f32 v25, v44;
	v36 =	vsel vm2, v19, v36  }
0xf7: {  	vm4 =	veq.f32 v23, v44;
	v46 =	vsel vm3, v18, v36;
	v36 =	vmax.f32 v29, v47  }
0xf8: {  	vm5 =	veq.f32 v42, v44;
	v29 =	vsel vm4, v13, v46;
	vm6 =	veq.f32 v2, v36  }
0xf9: {  	vm7 =	veq.f32 v28, v44;
	v2 =	vsel vm5, v12, v29;
	v29 =	vnsel vm6, $0x100000, v37  }
0xfa: {  	vm6 =	veq.f32 v27, v44;
	v2 =	vsel vm7, v11, v2;
	v46 =	vsel vm7, $0x1, v22  }
0xfb: {  	v47 =	vsel vm5, $0x1, v22;
	v37 =	vmov s26;
	s26 =	smov.u32 s2;
	v2 =	vsel vm6, v0, v2  }
0xfc: {  	v49 =	vsel vm6, $0x1, v22;
	v50 =	vperm.xlane v29, v14;
	v48 =	vperm.xlane v2, v14  }
0xfd: {  	v28 =	vsel vm7, $0xFF800000, v28;
	v46 =	vadd.s32 v49, v46;
	v49 =	vsel vm1, $0x1, v22  }
0xfe: {  	v27 =	vmax.f32 v27, v28;
	vm8 =	vlt.s32 v29, v50;
	vm7 =	vlt.s32 v2, v48  }
0xff: {  	v27 =	vsel vm6, v28, v27;
	v28 =	vsel vm8, v29, v50;
	v2 =	vsel vm7, v2, v48  }
0x100: {  	v42 =	vmax.f32 v27, v42;
	v48 =	vperm.xlane v28, v15;
	v29 =	vperm.xlane v2, v15  }
0x101: {  	v27 =	vsel vm5, v27, v42;
	v42 =	vadd.s32 v47, v46;
	v46 =	vsel vm4, $0x1, v22  }
0x102: {  	v23 =	vmax.f32 v27, v23;
	vm6 =	vlt.s32 v28, v48;
	vm5 =	vlt.s32 v2, v29  }
0x103: {  	v23 =	vsel vm4, v27, v23;
	v27 =	vsel vm6, v28, v48;
	v2 =	vsel vm5, v2, v29  }
0x104: {  	v25 =	vmax.f32 v23, v25;
	v29 =	vperm.xlane v27, v16;
	v28 =	vperm.xlane v2, v16  }
0x105: {  	v42 =	vadd.s32 v46, v42;
	v23 =	vsel vm3, v23, v25;
	v25 =	vsel vm3, $0x1, v22  }
0x106: {  	v26 =	vmax.f32 v23, v26;
	vm4 =	vlt.s32 v27, v29;
	vm3 =	vlt.s32 v2, v28  }
0x107: {  	v23 =	vsel vm2, v23, v26;
	v26 =	vsel vm4, v27, v29;
	v2 =	vsel vm3, v2, v28  }
0x108: {  	v3 =	vmax.f32 v23, v3;
	v28 =	vperm.xlane v26, v17;
	v27 =	vperm.xlane v2, v17  }
0x109: {  	v25 =	vadd.s32 v25, v42;
	v29 =	vsel vm2, $0x1, v22;
	v3 =	vsel vm0, v23, v3  }
0x10a: {  	v23 =	vmax.f32 v3, v24;
	vm3 =	vlt.s32 v26, v28;
	vm2 =	vlt.s32 v2, v27  }
0x10b: {  	v3 =	vsel vm1, v3, v23;
	v42 =	vsel vm3, v26, v28;
	v2 =	vsel vm2, v2, v27  }
0x10c: {  	v23 =	vperm.xlane v3, v14;
	v2 =	vadd.s32 v43, v2;
	v43 =	vshll.u32 v42, $0x7;
	[tilespmem:v37+s21+$0x0] =	vst.idx.msk $0x1, v44  }
0x10d: {  	v24 =	vadd.s32 v29, v25;
	v25 =	vsel vm0, $0x1, v22;
	v26 =	vadd.s32 v31, v43;
	[tilespmem:v37+s22+$0x0] =	vst.idx.msk $0x1, v2  }
0x10e: {  	v27 =	vadd.s32 v55, v43;
	v28 =	vadd.s32 v58, v43;
	v26 =	vand.u32 $0xFFFFFF80, v26  }
0x10f: {  	v24 =	vadd.s32 v25, v24;
	v25 =	vand.u32 $0xFFFFFF80, v27;
	v26 =	vor.u32 v21, v26  }
0x110: {  	v27 =	vadd.s32 v53, v43;
	v28 =	vand.u32 $0xFFFFFF80, v28;
	v25 =	vor.u32 v12, v25  }
0x111: {  	v29 =	vadd.s32 v54, v43;
	v46 =	vadd.s32 v30, v43;
	v27 =	vand.u32 $0xFFFFFF80, v27  }
0x112: {  	v46 =	vand.u32 $0xFFFFFF80, v46;
	[tilespmem:v2+s3+$0x0] =	vst.idx.msk $0x1, v52;
	v2 =	vand.u32 $0xFFFFFF80, v29;
	v29 =	vadd.s32 v57, v43  }
0x113: {  	v24 =	vadd.s32 v49, v24;
	v46 =	vor.u32 v20, v46;
	v2 =	vor.u32 v11, v2  }
0x114: {  	v47 =	vperm.xlane v24, v14;
	v48 =	vadd.s32 v56, v43;
	v29 =	vand.u32 $0xFFFFFF80, v29;
	v26 =	vld.idx.msk [tilespmem:v26+s3+$0x0], $0xffff  }
0x115: {  	v48 =	vand.u32 $0xFFFFFF80, v48;
	v28 =	vor.u32 v19, v28;
	v27 =	vor.u32 v0, v27;
	v25 =	vld.idx.msk [tilespmem:v25+s3+$0x0], $0xffff  }
0x116: {  	v24 =	vadd.s32 v24, v47;
	v47 =	vor.u32 v13, v48;
	v29 =	vor.u32 v18, v29  }
0x117: {  	v3 =	vmax.f32 v3, v23;
	v23 =	vperm.xlane v24, v15  }
0x118: {  	v48 =	vperm.xlane v3, v15;
	v46 =	vld.idx.msk [tilespmem:v46+s3+$0x0], $0xffff  }
0x119: {  	v23 =	vadd.s32 v23, v24;
	v2 =	vld.idx.msk [tilespmem:v2+s3+$0x0], $0xffff  }
0x11a: {  	v24 =	vperm.xlane v23, v16;
	v3 =	vmax.f32 v3, v48;
	vm3 =	veq.f32 v26, v36;
	v28 =	vld.idx.msk [tilespmem:v28+s3+$0x0], $0xffff  }
0x11b: {  	v48 =	vperm.xlane v3, v16;
	v47 =	vld.idx.msk [tilespmem:v47+s3+$0x0], $0xffff  }
0x11c: {  	vm9 =	veq.s32 v45, v0;
	vm1 =	veq.s32 v45, v11;
	v23 =	vadd.s32 v24, v23;
	v24 =	vld.idx.msk [tilespmem:v27+s3+$0x0], $0xffff  }
0x11d: {  	vm0 =	veq.s32 v45, v13;
	v3 =	vmax.f32 v3, v48;
	v27 =	vperm.xlane v23, v17;
	v29 =	vld.idx.msk [tilespmem:v29+s3+$0x0], $0xffff  }
0x11e: {  	v48 =	vperm.xlane v3, v17;
	v49 =	vnsel vm3, $0x100000, v21;
	vm4 =	veq.f32 v46, v36;
	[tilespmem:v37+s23+$0x0] =	vst.idx.msk $0x1, v36  }
0x11f: {  	vm6 =	veq.s32 v45, v12;
	v23 =	vadd.s32 v27, v23;
	v27 =	vsel vm4, v20, v49  }
0x120: {  	v3 =	vmax.f32 v3, v48;
	vm2 =	vgt.s32 v23, $0x1;
	v23 =	vsel vm3, $0x1, v22  }
0x121: {  	v3 =	vsel vm2, v44, v3;
	vm2 =	veq.f32 v47, v36;
	v44 =	vsel vm4, $0x1, v22  }
0x122: {  	vm8 =	veq.f32 v25, v36;
	vm5 =	veq.f32 v28, v36;
	v38 =	vsel vm0, v3, v38  }
0x123: {  	vm7 =	veq.f32 v2, v36;
	v27 =	vsel vm5, v19, v27;
	v39 =	vsel vm6, v3, v39  }
0x124: {  	v2 =	vsel vm7, $0xFF800000, v2;
	vm6 =	veq.f32 v24, v36;
	vm0 =	vgt.f32 v38, v39  }
0x125: {  	v40 =	vsel vm9, v3, v40;
	v24 =	vmax.f32 v24, v2;
	v45 =	vsel vm6, $0x1, v22  }
0x126: {  	v41 =	vsel vm1, v3, v41;
	v3 =	vsel vm8, $0x1, v22;
	v2 =	vsel vm6, v2, v24  }
0x127: {  	v48 =	vsel vm5, $0x1, v22;
	v24 =	vsel vm7, $0x1, v22;
	v25 =	vmax.f32 v2, v25  }
0x128: {  	v24 =	vadd.s32 v45, v24;
	v2 =	vsel vm8, v2, v25;
	v25 =	vsel vm2, $0x1, v22  }
0x129: {  	vm9 =	veq.f32 v29, v36;
	v3 =	vadd.s32 v3, v24;
	v24 =	vmax.f32 v2, v47  }
0x12a: {  	v27 =	vsel vm9, v18, v27;
	v2 =	vsel vm2, v2, v24;
	v24 =	vsel vm9, $0x1, v22  }
0x12b: {  	vm1 =	vgt.f32 v41, v40;
	v27 =	vsel vm2, v13, v27;
	v29 =	vmax.f32 v2, v29  }
0x12c: {  	v45 =	vsel vm1, v41, v40;
	v47 =	vsel vm0, v38, v39;
	v2 =	vsel vm9, v2, v29  }
0x12d: {  	v27 =	vsel vm8, v12, v27;
	vm2 =	vgt.f32 v47, v45;
	v28 =	vmax.f32 v2, v28  }
0x12e: {  	v27 =	vsel vm7, v11, v27;
	v45 =	vsel vm2, v47, v45;
	v2 =	vsel vm5, v2, v28  }
0x12f: {  	v27 =	vsel vm6, v0, v27;
	v28 =	vperm.xlane v45, v14;
	v29 =	vmax.f32 v2, v46  }
0x130: {  	v3 =	vadd.s32 v25, v3;
	v46 =	vperm.xlane v27, v14;
	v2 =	vsel vm4, v2, v29  }
0x131: {  	v3 =	vadd.s32 v24, v3;
	v25 =	vmax.f32 v45, v28;
	v24 =	vmax.f32 v2, v26  }
0x132: {  	v26 =	vperm.xlane v25, v15;
	vm4 =	vlt.s32 v27, v46;
	v2 =	vsel vm3, v2, v24  }
0x133: {  	v3 =	vadd.s32 v48, v3;
	v24 =	vsel vm4, v27, v46;
	v27 =	vperm.xlane v2, v14  }
.Ltmp1:
0x134: {  	v3 =	vadd.s32 v44, v3;
	v25 =	vmax.f32 v25, v26;
	v26 =	vperm.xlane v24, v15;
	(pc) =	sbr.rel @p0 .LBB2_4-.Ltmp1, $4  }
0x135: {  	v44 =	vadd.s32 v23, v3;
	v28 =	vperm.xlane v25, v16;
	v2 =	vmax.f32 v2, v27  }
0x136: {  	v48 =	vperm.xlane v44, v14;
	vm3 =	vlt.s32 v24, v26;
	v3 =	vperm.xlane v2, v15  }
0x137: {  	v50 =	vmax.f32 v25, v28;
	v47 =	vsel vm3, v24, v26  }
0x138: {  	v51 =	vperm.xlane v50, v17;
	v49 =	vperm.xlane v47, v16;
	v46 =	vmax.f32 v2, v3  }
0x139: {  	_ = 	snop  }
0x13a: {  	v2 =	vsel vm0, v13, v12;
	v3 =	vsel vm1, v11, v0;
	v38 =	vmax.f32 v50, v51  }
0x13b: {  	v2 =	vsel vm2, v2, v3;
	vm6 =	veq.f32 v45, v38  }
0x13c: {  	v2 =	vnsel vm6, $0x100000, v2  }
0x13d: {  	v23 =	vperm.xlane v2, v14  }
0x13e: {  	vm7 =	vlt.s32 v47, v49  }
0x13f: {  	v25 =	vadd.s32 v44, v48;
	v3 =	vsel vm7, v47, v49;
	vm0 =	vlt.s32 v2, v23  }
0x140: {  	v26 =	vperm.xlane v25, v15;
	v24 =	vperm.xlane v3, v17;
	v2 =	vsel vm0, v2, v23  }
0x141: {  	v29 =	vor.u32 $0x40, v37;
	vm8 =	veq.s32 v42, v13;
	v23 =	vperm.xlane v2, v15  }
0x142: {  	v47 =	vperm.xlane v46, v16;
	v44 =	vadd.s32 v26, v25;
	vm1 =	vlt.s32 v3, v24  }
0x143: {  	v27 =	vperm.xlane v44, v16;
	v3 =	vsel vm1, v3, v24;
	vm0 =	vlt.s32 v2, v23  }
0x144: {  	v45 =	vadd.s32 v43, v3;
	v3 =	vand.u32 $0x7F, v3;
	v2 =	vsel vm0, v2, v23  }
0x145: {  	v28 =	vand.u32 $0xFFFFFF80, v45;
	v23 =	vadd.s32 v27, v44;
	v49 =	vperm.xlane v2, v16  }
0x146: {  	v26 =	vmax.f32 v46, v47;
	v3 =	vor.u32 v3, v28;
	v28 =	vperm.xlane v23, v17  }
0x147: {  	vm9 =	veq.s32 v42, v0;
	v48 =	vperm.xlane v26, v17;
	vm0 =	vlt.s32 v2, v49  }
0x148: {  	vm3 =	veq.s32 v42, v12;
	v23 =	vadd.s32 v28, v23;
	v2 =	vsel vm0, v2, v49  }
0x149: {  	v24 =	vmax.f32 v26, v48;
	vm10 =	vgt.s32 v23, $0x1;
	v23 =	vperm.xlane v2, v17  }
0x14a: {  	vm4 =	veq.s32 v42, v11;
	v3 =	vadd.s32 $0x2000, v3;
	v24 =	vsel vm10, v36, v24  }
0x14b: {  	v50 =	vsel vm9, v24, v32;
	v51 =	vsel vm4, v24, v35;
	vm11 =	vlt.s32 v2, v23  }
0x14c: {  	v28 =	vsel vm3, v24, v33;
	v24 =	vsel vm8, v24, v34;
	v2 =	vsel vm11, v2, v23  }
0x14d: {  	vm12 =	vgt.f32 v51, v50;
	vm13 =	vgt.f32 v24, v28;
	v2 =	vshll.u32 v2, $0x7  }
0x14e: {  	v23 =	vsel vm12, v51, v50;
	v24 =	vsel vm13, v24, v28;
	v59 =	vor.u32 v21, v2  }
0x14f: {  	vm14 =	vgt.f32 v24, v23;
	v60 =	vor.u32 v20, v2  }
0x150: {  	v23 =	vsel vm14, v24, v23;
	v61 =	vor.u32 v19, v2  }
0x151: {  	[tilespmem:v29+s22+$0x0] =	vst.idx.msk $0x1, v45;
	v62 =	vor.u32 v18, v2;
	v28 =	vperm.xlane v23, v14  }
0x152: {  	[tilespmem:v3+s3+$0x0] =	vst.idx.msk $0x1, v52;
	v3 =	vor.u32 v13, v2  }
0x153: {  	v29 =	vor.u32 v12, v2;
	v28 =	vmax.f32 v23, v28;
	v26 =	vld.idx.msk [tilespmem:v59+s3+$0x0], $0xffff  }
0x154: {  	v63 =	vor.u32 v11, v2;
	v36 =	vperm.xlane v28, v15;
	v27 =	vld.idx.msk [tilespmem:v60+s3+$0x0], $0xffff  }
0x155: {  	v37 =	vor.u32 v0, v2;
	v24 =	vld.idx.msk [tilespmem:v61+s3+$0x0], $0xffff  }
0x156: {  	v25 =	vld.idx.msk [tilespmem:v62+s3+$0x0], $0xffff;
	v28 =	vmax.f32 v28, v36  }
0x157: {  	v3 =	vld.idx.msk [tilespmem:v3+s3+$0x0], $0xffff;
	v33 =	vperm.xlane v28, v16  }
0x158: {  	v39 =	vsel vm12, v11, v0;
	v40 =	vsel vm13, v13, v12;
	v29 =	vld.idx.msk [tilespmem:v29+s3+$0x0], $0xffff;
	vm15 =	veq.f32 v26, v38  }
0x159: {  	v32 =	vld.idx.msk [tilespmem:v63+s3+$0x0], $0xffff;
	v28 =	vmax.f32 v28, v33;
	vm4 =	veq.f32 v27, v38;
	v41 =	vnsel vm15, $0x100000, v21  }
0x15a: {  	v42 =	vld.idx.msk [tilespmem:v37+s3+$0x0], $0xffff;
	vm5 =	veq.f32 v24, v38;
	v44 =	vperm.xlane v28, v17;
	v43 =	vsel vm4, v20, v41  }
0x15b: {  	v45 =	vsel vm14, v40, v39;
	vm6 =	veq.f32 v25, v38;
	v24 =	vsel vm5, v19, v43  }
0x15c: {  	vm7 =	veq.f32 v3, v38;
	v46 =	vmax.f32 v28, v44;
	v3 =	vsel vm6, v18, v24  }
0x15d: {  	vm8 =	veq.f32 v29, v38;
	vm9 =	veq.f32 v23, v46;
	v3 =	vsel vm7, v13, v3  }
0x15e: {  	vm10 =	veq.f32 v32, v38;
	v23 =	vnsel vm9, $0x100000, v45;
	v3 =	vsel vm8, v12, v3  }
0x15f: {  	vm11 =	veq.f32 v42, v38;
	v25 =	vperm.xlane v23, v14;
	v3 =	vsel vm10, v11, v3  }
0x160: {  	v3 =	vsel vm11, v0, v3  }
0x161: {  	vm12 =	vlt.s32 v23, v25;
	v47 =	vperm.xlane v3, v14  }
0x162: {  	v23 =	vsel vm12, v23, v25  }
0x163: {  	v25 =	vperm.xlane v23, v15;
	vm13 =	vlt.s32 v3, v47  }
0x164: {  	v3 =	vsel vm13, v3, v47  }
0x165: {  	vm14 =	vlt.s32 v23, v25;
	v26 =	vperm.xlane v3, v15  }
0x166: {  	v23 =	vsel vm14, v23, v25  }
0x167: {  	v25 =	vperm.xlane v23, v16;
	vm15 =	vlt.s32 v3, v26  }
0x168: {  	v3 =	vsel vm15, v3, v26  }
0x169: {  	vm4 =	vlt.s32 v23, v25;
	v26 =	vperm.xlane v3, v16  }
0x16a: {  	v23 =	vsel vm4, v23, v25  }
0x16b: {  	v25 =	vperm.xlane v23, v17;
	vm5 =	vlt.s32 v3, v26  }
0x16c: {  	v3 =	vsel vm5, v3, v26  }
0x16d: {  	vm6 =	vlt.s32 v23, v25;
	v26 =	vperm.xlane v3, v17  }
0x16e: {  	v23 =	vsel vm6, v23, v25  }
0x16f: {  	v48 =	vmov s26;
	v23 =	vshll.u32 v23, $0x7;
	vm7 =	vlt.s32 v3, v26  }
0x170: {  	v49 =	vadd.s32 v31, v23;
	v3 =	vsel vm7, v3, v26  }
0x171: {  	v50 =	vadd.s32 v30, v23;
	v2 =	vadd.s32 v2, v3;
	v3 =	vand.u32 $0xFFFFFF80, v49  }
0x172: {  	v51 =	vadd.s32 v58, v23;
	v26 =	vand.u32 $0xFFFFFF80, v50;
	v3 =	vor.u32 v21, v3  }
0x173: {  	v28 =	vadd.s32 v57, v23;
	v27 =	vand.u32 $0xFFFFFF80, v51;
	v26 =	vor.u32 v20, v26  }
0x174: {  	[tilespmem:v48+s21+$0x0] =	vst.idx.msk $0x1, v38;
	v29 =	vadd.s32 v56, v23;
	v28 =	vand.u32 $0xFFFFFF80, v28;
	v27 =	vor.u32 v19, v27  }
0x175: {  	v55 =	vadd.s32 v55, v23;
	v29 =	vand.u32 $0xFFFFFF80, v29;
	v28 =	vor.u32 v18, v28;
	[tilespmem:v48+s22+$0x0] =	vst.idx.msk $0x1, v2  }
0x176: {  	v56 =	vadd.s32 v54, v23;
	v32 =	vand.u32 $0xFFFFFF80, v55;
	[tilespmem:v2+s3+$0x0] =	vst.idx.msk $0x1, v52;
	v2 =	vor.u32 v13, v29  }
0x177: {  	v33 =	vand.u32 $0xFFFFFF80, v56;
	v32 =	vor.u32 v12, v32;
	v29 =	vadd.s32 v53, v23;
	v3 =	vld.idx.msk [tilespmem:v3+s3+$0x0], $0xffff  }
0x178: {  	v33 =	vor.u32 v11, v33;
	v29 =	vand.u32 $0xFFFFFF80, v29;
	v26 =	vld.idx.msk [tilespmem:v26+s3+$0x0], $0xffff  }
0x179: {  	v27 =	vld.idx.msk [tilespmem:v27+s3+$0x0], $0xffff;
	v29 =	vor.u32 v0, v29  }
0x17a: {  	v28 =	vld.idx.msk [tilespmem:v28+s3+$0x0], $0xffff  }
0x17b: {  	v2 =	vld.idx.msk [tilespmem:v2+s3+$0x0], $0xffff  }
0x17c: {  	v32 =	vld.idx.msk [tilespmem:v32+s3+$0x0], $0xffff;
	vm8 =	veq.f32 v3, v46  }
0x17d: {  	v3 =	vld.idx.msk [tilespmem:v33+s3+$0x0], $0xffff;
	vm9 =	veq.f32 v26, v46;
	v57 =	vnsel vm8, $0x100000, v21  }
0x17e: {  	vm10 =	veq.f32 v27, v46;
	v29 =	vld.idx.msk [tilespmem:v29+s3+$0x0], $0xffff;
	v26 =	vsel vm9, v20, v57  }
0x17f: {  	vm11 =	veq.f32 v28, v46;
	v26 =	vsel vm10, v19, v26  }
0x180: {  	vm12 =	veq.f32 v2, v46;
	v2 =	vsel vm11, v18, v26  }
0x181: {  	vm13 =	veq.f32 v32, v46;
	v2 =	vsel vm12, v13, v2  }
0x182: {  	vm14 =	veq.f32 v3, v46;
	v2 =	vsel vm13, v12, v2  }
0x183: {  	vm15 =	veq.f32 v29, v46;
	v2 =	vsel vm14, v11, v2  }
0x184: {  	v2 =	vsel vm15, v0, v2  }
0x185: {  	v3 =	vperm.xlane v2, v14;
	_ =	sdelay $0x1  }
0x186: {  	vm0 =	vlt.s32 v2, v3  }
0x187: {  	v2 =	vsel vm0, v2, v3  }
0x188: {  	v3 =	vperm.xlane v2, v15;
	_ =	sdelay $0x1  }
0x189: {  	vm0 =	vlt.s32 v2, v3  }
0x18a: {  	v2 =	vsel vm0, v2, v3  }
0x18b: {  	v3 =	vperm.xlane v2, v16;
	_ =	sdelay $0x1  }
0x18c: {  	vm0 =	vlt.s32 v2, v3  }
0x18d: {  	v2 =	vsel vm0, v2, v3  }
0x18e: {  	v3 =	vperm.xlane v2, v17;
	_ =	sdelay $0x1  }
0x18f: {  	vm0 =	vlt.s32 v2, v3  }
0x190: {  	v2 =	vsel vm0, v2, v3  }
0x191: {  	v3 =	vadd.s32 v23, v2  }
0x192: {  	v2 =	vand.u32 $0x7F, v2;
	v23 =	vand.u32 $0xFFFFFF80, v3  }
0x193: {  	v58 =	vor.u32 $0x40, v48;
	v2 =	vor.u32 v2, v23  }
0x194: {  	v2 =	vadd.s32 $0x2000, v2;
	_ =	sdelay $0x2  }
0x195: {  	[tilespmem:v48+s23+$0x0] =	vst.idx.msk $0x1, v46  }
0x196: {  	[tilespmem:v58+s22+$0x0] =	vst.idx.msk $0x1, v3  }
0x197: {  	[tilespmem:v2+s3+$0x0] =	vst.idx.msk $0x1, v52  }
0x198: {  	_ =	swait.ge [sflag:s24], $0x2000  }
0x199: {  	[sflag:s24] =	ssyncset.done $0x0  }
0x19a: {  	[sflag:s24] =	ssyncadd.s32 $0xFFFFE000  }
0x19b: {  	_ =	swait.ge [sflag:s24], $0x2000  }
0x19c: {  	[sflag:s24] =	ssyncset.done $0x0  }
0x19d: {  	[sflag:s24] =	ssyncadd.s32 $0xFFFFE000  }
0x19e: {  	v2 =	vld [tilespmem:$0x8200];
	_ =	sdelay $0x4  }
0x19f: {  	v59 =	vld [tilespmem:$0x1FF80]  }
0x1a0: {  	v3 =	vld [tilespmem:$0x8210];
	_ =	sdelay $0x1  }
0x1a1: {  	v23 =	vld.idx.msk [tilespmem:v2+s18+$0x0], $0xffff;
	_ =	sdelay $0x2  }
0x1a2: {  	v2 =	vadd.s32 v59, v2  }
0x1a3: {  	[tilespmem:$0x8280] =	vst v2;
	v2 =	vld [tilespmem:$0x8220]  }
0x1a4: {  	[tilespmem:$0x8100] =	vst v23  }
0x1a5: {  	v23 =	vld.idx.msk [tilespmem:v3+s18+$0x0], $0xffff;
	_ =	sdelay $0x2  }
0x1a6: {  	v3 =	vadd.s32 v59, v3  }
0x1a7: {  	[tilespmem:$0x8290] =	vst v3;
	v3 =	vld [tilespmem:$0x8230]  }
0x1a8: {  	[tilespmem:$0x8110] =	vst v23  }
0x1a9: {  	v23 =	vld.idx.msk [tilespmem:v2+s18+$0x0], $0xffff;
	_ =	sdelay $0x2  }
0x1aa: {  	v60 =	vld [tilespmem:$0x8240];
	v2 =	vadd.s32 v59, v2  }
0x1ab: {  	[tilespmem:$0x82A0] =	vst v2  }
0x1ac: {  	[tilespmem:$0x8120] =	vst v23  }
0x1ad: {  	v2 =	vld.idx.msk [tilespmem:v3+s18+$0x0], $0xffff;
	_ =	sdelay $0x1  }
0x1ae: {  	v23 =	vadd.s32 $0x2000, v60;
	_ =	sdelay $0x1  }
0x1af: {  	v61 =	vld [tilespmem:$0x8250]  }
0x1b0: {  	[tilespmem:$0x8130] =	vst v2;
	v2 =	vadd.s32 v59, v3  }
0x1b1: {  	v62 =	vld [tilespmem:$0x1FF90];
	[tilespmem:$0x82B0] =	vst v2  }
0x1b2: {  	v2 =	vld.idx.msk [tilespmem:v23+s18+$0x0], $0xffff;
	_ =	sdelay $0x1  }
0x1b3: {  	v3 =	vadd.s32 $0x2000, v61;
	_ =	sdelay $0x1  }
0x1b4: {  	v23 =	vld [tilespmem:$0x8260]  }
0x1b5: {  	[tilespmem:$0x8180] =	vst v2;
	v2 =	vadd.s32 v62, v60  }
0x1b6: {  	[tilespmem:$0x8300] =	vst v2  }
0x1b7: {  	v2 =	vld.idx.msk [tilespmem:v3+s18+$0x0], $0xffff;
	_ =	sdelay $0x1  }
0x1b8: {  	v3 =	vadd.s32 $0x2000, v23;
	_ =	sdelay $0x1  }
0x1b9: {  	v63 =	vld [tilespmem:$0x8270]  }
0x1ba: {  	[tilespmem:$0x8190] =	vst v2;
	v2 =	vadd.s32 v62, v61  }
0x1bb: {  	[tilespmem:$0x8310] =	vst v2  }
0x1bc: {  	v2 =	vld.idx.msk [tilespmem:v3+s18+$0x0], $0xffff;
	_ =	sdelay $0x1  }
0x1bd: {  	v3 =	vadd.s32 $0x2000, v63;
	_ =	sdelay $0x2  }
0x1be: {  	[tilespmem:$0x81A0] =	vst v2;
	v2 =	vadd.s32 v62, v23  }
0x1bf: {  	[tilespmem:$0x8320] =	vst v2  }
0x1c0: {  	v2 =	vld.idx.msk [tilespmem:v3+s18+$0x0], $0xffff;
	_ =	sdelay $0x4  }
0x1c1: {  	[tilespmem:$0x81B0] =	vst v2;
	v2 =	vadd.s32 v62, v63  }
0x1c2: {  	s1 =	simm.s32 $0x8280;
	s0 =	rddreg [dreg:$0x2];
	[tilespmem:$0x8330] =	vst v2  }
0x1c3: {  	[tilespmem:s28], [sflag:$0x3] =	stream.indirect.gather [hbm4b:s0+s25], $0x80, s1, s25, $0xb8;
	[tilespmem:$0xC380] =	vst v63  }
0x1c4: {  	s4 =	simm.s32 $0x8300  }
0x1c5: {  	[tilespmem:s30], [sflag:$0x3] =	stream.indirect.gather [hbm4b:s0+s25], $0x80, s4, s25, $0xb8;
	[tilespmem:$0xC380] =	vst v63  }
0x1c6: {  	_ = 	snop  }
0x1c7: {  	[hbm4b:s8+s3] =	stream.linear.scatter [tilespmem:s21], [sflag:$0x4], $0x80, $0x38;
	[tilespmem:$0xC380] =	vst v63  }
0x1c8: {  	_ =	swait.ge [sflag:s31], $0x80  }
0x1c9: {  	[sflag:s31] =	ssyncset.done $0x0  }
0x1ca: {  	s26 =	simm.s32 $0x8100;
	[sflag:s31] =	ssyncadd.s32 $0xFFFFFF80  }
0x1cb: {  	[hbm4b:s9+s3] =	stream.linear.scatter [tilespmem:s26], [sflag:$0x4], $0x80, $0x38;
	[tilespmem:$0xC380] =	vst v63  }
0x1cc: {  	_ =	swait.ge [sflag:s31], $0x80  }
0x1cd: {  	[sflag:s31] =	ssyncset.done $0x0  }
0x1ce: {  	[sflag:s31] =	ssyncadd.s32 $0xFFFFFF80  }
0x1cf: {  	[hbm4b:s10+s3] =	stream.linear.scatter [tilespmem:s23], [sflag:$0x4], $0x80, $0x38;
	[tilespmem:$0xC380] =	vst v63  }
0x1d0: {  	_ =	swait.ge [sflag:s31], $0x80  }
0x1d1: {  	[sflag:s31] =	ssyncset.done $0x0  }
0x1d2: {  	s29 =	simm.s32 $0x8180;
	[sflag:s31] =	ssyncadd.s32 $0xFFFFFF80  }
0x1d3: {  	[hbm4b:s11+s3] =	stream.linear.scatter [tilespmem:s29], [sflag:$0x4], $0x80, $0x38;
	[tilespmem:$0xC380] =	vst v63  }
0x1d4: {  	_ =	swait.ge [sflag:s31], $0x80  }
0x1d5: {  	[sflag:s31] =	ssyncset.done $0x0  }
0x1d6: {  	[sflag:s31] =	ssyncadd.s32 $0xFFFFFF80  }
0x1d7: {  	_ =	swait.ge [sflag:s17], $0x2000  }
0x1d8: {  	[sflag:s17] =	ssyncset.done $0x0  }
0x1d9: {  	[sflag:s17] =	ssyncadd.s32 $0xFFFFE000  }
0x1da: {  	[hbm4b:s12+s3] =	stream.linear.scatter [tilespmem:s28], [sflag:$0x4], $0x2000, $0x38;
	[tilespmem:$0xC380] =	vst v63  }
0x1db: {  	_ =	swait.ge [sflag:s31], $0x2000  }
0x1dc: {  	[sflag:s31] =	ssyncset.done $0x0  }
0x1dd: {  	[sflag:s31] =	ssyncadd.s32 $0xFFFFE000  }
0x1de: {  	s19 =	sadd.s32 $0x1, s19;
	_ =	swait.ge [sflag:s17], $0x2000  }
0x1df: {  	p0 =	sne.s32 s19, s14;
	[sflag:s17] =	ssyncset.done $0x0  }
.Ltmp2:
0x1e0: {  	[sflag:s17] =	ssyncadd.s32 $0xFFFFE000;
	(pc) =	sbr.rel @p0 .LBB2_1-.Ltmp2, $4  }
0x1e1: {  	[hbm4b:s13+s3] =	stream.linear.scatter [tilespmem:s30], [sflag:$0x4], $0x2000, $0x38;
	[tilespmem:$0xC380] =	vst v63  }
0x1e2: {  	_ =	swait.ge [sflag:s31], $0x2000  }
0x1e3: {  	[sflag:s31] =	ssyncset.done $0x0  }
0x1e4: {  	[sflag:s31] =	ssyncadd.s32 $0xFFFFE000  }
0x1e5: {  	_ =	sfence.sel $0x180000  }
0x1e6: {  	[bflag:$0x0] =	sbarrier.arrive $0xFFFF  }
0x1e7: {  	_ =	strace $0x90000047  }
0x1e8: {  	s0 =	stileid.u32;
	[bflag:$0x2] =	sbarrier.arrive $0xFFFF  }
0x1e9: {  	p0 =	sne.s32 s0, $0x0;
	s0 =	rddreg [dreg:$0x6]  }
0x1ea: {  	s0 =	sadd.s32 @!p0 $0x100000, s0  }
0x1eb: {  	[sflag:s0] =	ssyncadd.tile.s32 @!p0 $0x1;
	_ =	shalt  }
.Lfunc_end2:
_tile_overlayer_lowered:
.L_overlay_start_2:
0x1ec: {  	(tag) =	ssettag $0x2  }
0x1ed: {  	s0 =	rddreg [dreg:$0x0];
	s2 =	stileid.u32  }
0x1ee: {  	s1 =	rddreg [dreg:$0x1];
	p0 =	sne.s32 s2, $0x0  }
0x1ef: {  	s3 =	rddreg [dreg:$0x2];
	[bflag:$0x3] =	sbarrier.arrive $0xFFFF;
	s2 =	simm.s32 @!p0 $0x1C04  }
0x1f0: {  	[timem:s3], [sflag:s2] =	dma.local @!p0 [hbm:s0], s1  }
0x1f1: {  	s0 =	simm.s32 @!p0 $0x4  }
0x1f2: {  	_ =	swait.ge @!p0 [sflag:s0], s1  }
0x1f3: {  	s1 =	ssub.s32 @!p0 $0x0, s1;
	[sflag:s0] =	ssyncset.done @!p0 $0x0  }
0x1f4: {  	[sflag:s0] =	ssyncadd.s32 @!p0 s1  }
0x1f5: {  	[bflag:$0x3] =	sbarrier.arrive $0xFFFF  }
0x1f6: {  	_ =	shalt  }

</sc_bundles>
